<compile_context>
chip_gen: v7x
topology: tpu7x:2x2x1
jax: 0.10.2.dev20260603
libtpu: 0.0.44.dev20260713+nightly
codegen_flags: <defaults>
</compile_context>

<pallas_src>
import jax
import jax.numpy as jnp
from jax import lax
from jax.experimental import pallas as pl
from jax.experimental.pallas import tpu as pltpu
from jax.experimental.pallas import tpu_sc as plsc

B = 16
C = 3
TEX = 512
IMG = 224
NNZ = 602112
N_TEX = TEX * TEX * C
N_OUT = IMG * IMG * C

NC = 2
NS = 16
HALF = N_OUT // NC
TRASH = HALF
ACC_ROWS = HALF + 8
PER_TILE = NNZ // NS
SUB = 128
NSUB = PER_TILE // SUB
NBUF = 3
OUTER = NSUB // NBUF
ZROWS = HALF // NS // 4
STRIPE = HALF // NS


def _body(x_hbm, rows_hbm, cols_hbm, vals_hbm, out_hbm,
          rbuf, cbuf, vbuf, lrow, xbuf, ybuf, zbuf, acc,
          ss0, ss1, ss2, gs0, gs1, gs2, cs0, cs1, cs2):
    ssem = (ss0, ss1, ss2)
    gsem = (gs0, gs1, gs2)
    csem = (cs0, cs1, cs2)
    c = lax.axis_index("c")
    s = lax.axis_index("s")
    base_nnz = s * PER_TILE
    base_row = c * HALF

    @pl.loop(0, ZROWS, unroll=8)
    def _zero(j):
        zbuf[j, :] = jnp.zeros((16,), jnp.float32)

    for k in range(4):
        pltpu.sync_copy(zbuf, acc.at[pl.ds(s * STRIPE + k * ZROWS, ZROWS)])
    @pl.when(s == NS - 1)
    def _zero_pad():
        pltpu.sync_copy(zbuf.at[pl.ds(0, 8)], acc.at[pl.ds(HALF, 8)])

    plsc.subcore_barrier()

    def issue_stage(g, b):
        off = base_nnz + g * SUB
        pltpu.async_copy(rows_hbm.at[pl.ds(off, SUB)], rbuf.at[b], ssem[b])
        pltpu.async_copy(cols_hbm.at[pl.ds(off, SUB)], cbuf.at[b], ssem[b])
        pltpu.async_copy(vals_hbm.at[pl.ds(off, SUB)], vbuf.at[b], ssem[b])

    def wait_stage(b):
        pltpu.make_async_copy(rows_hbm.at[pl.ds(0, SUB)], rbuf.at[b], ssem[b]).wait()
        pltpu.make_async_copy(cols_hbm.at[pl.ds(0, SUB)], cbuf.at[b], ssem[b]).wait()
        pltpu.make_async_copy(vals_hbm.at[pl.ds(0, SUB)], vbuf.at[b], ssem[b]).wait()

    def issue_gather(b):
        pltpu.async_copy(x_hbm.at[cbuf.at[b]], xbuf.at[b], gsem[b])

    def wait_gather(b):
        pltpu.make_async_copy(x_hbm.at[pl.ds(0, SUB)], xbuf.at[b], gsem[b]).wait()

    def issue_scatter(b):
        pltpu.async_copy(ybuf.at[b], acc.at[lrow.at[b]], csem[b], add=True)

    def wait_scatter(b):
        pltpu.make_async_copy(ybuf.at[b], acc.at[pl.ds(0, SUB)], csem[b]).wait()

    for b in range(NBUF):
        issue_stage(b, b)
    for b in range(2):
        wait_stage(b)
        issue_gather(b)

    @pl.loop(0, OUTER)
    def _outer(outer):
        for b in range(NBUF):
            g = outer * NBUF + b

            wait_gather(b)

            @pl.when(outer > 0)
            def _drain():
                wait_scatter(b)

            for j8 in range(SUB // 16):
                r = rbuf[b, pl.ds(j8 * 16, 16)]
                lr = r - base_row
                ok = (lr >= 0) & (lr < HALF)
                lrow[b, pl.ds(j8 * 16, 16)] = jnp.where(ok, lr, TRASH)

            @pl.loop(0, SUB // 16)
            def _mul(j16):
                jb = j16 * 16
                vv = vbuf[b, pl.ds(jb, 16)]
                for j in range(16):
                    ybuf[b, jb + j, :] = xbuf[b, jb + j, :] * vv[j]

            issue_scatter(b)

            @pl.when(g + 2 < NSUB)
            def _next_gather():
                b2 = (b + 2) % NBUF
                wait_stage(b2)
                issue_gather(b2)

            @pl.when(g + NBUF < NSUB)
            def _next_stage():
                issue_stage(g + NBUF, b)

    for b in range(NBUF):
        wait_scatter(b)

    plsc.subcore_barrier()

    pltpu.sync_copy(acc.at[pl.ds(s * STRIPE, STRIPE)],
                    out_hbm.at[pl.ds(base_row + s * STRIPE, STRIPE)])


def _spmm(x_flat, mat_rows, mat_cols, mat_vals):
    mesh = plsc.VectorSubcoreMesh(core_axis_name="c", subcore_axis_name="s",
                                  num_cores=NC, num_subcores=NS)
    f = pl.kernel(
        _body,
        out_type=jax.ShapeDtypeStruct((N_OUT, B), jnp.float32),
        mesh=mesh,
        scratch_types=[
            pltpu.VMEM((NBUF, SUB), jnp.int32),
            pltpu.VMEM((NBUF, SUB), jnp.int32),
            pltpu.VMEM((NBUF, SUB), jnp.float32),
            pltpu.VMEM((NBUF, SUB), jnp.int32),
            pltpu.VMEM((NBUF, SUB, B), jnp.float32),
            pltpu.VMEM((NBUF, SUB, B), jnp.float32),
            pltpu.VMEM((ZROWS, B), jnp.float32),
            pltpu.VMEM_SHARED((ACC_ROWS, B), jnp.float32),
        ] + [pltpu.SemaphoreType.DMA] * 9,
        compiler_params=pltpu.CompilerParams(use_tc_tiling_on_sc=False),
        name="coo_spmm_sc",
    )
    return f(x_flat, mat_rows, mat_cols, mat_vals)


@jax.jit
def kernel(x, mat_rows, mat_cols, mat_vals, mask):
    b = x.shape[0]
    x_flat = jnp.transpose(x, (0, 2, 3, 1)).reshape(b, -1).T
    out_flat = _spmm(x_flat, mat_rows, mat_cols, mat_vals)
    result = out_flat.T.reshape(b, IMG, IMG, C)
    result = jnp.transpose(result, (0, 3, 1, 2))
    bbox = ((48, 80), (112, 208))
    return (result, mask, jnp.asarray(bbox))

# --- scband reference (transcript-rebuilt; emitter-appended) ---
"""Pipeline reference for scband-texture-to-image-59846074302573 (READ-ONLY COPY).

The authoritative reference and input builder live on the scoring server;
editing this copy changes nothing except your own understanding.
"""

import jax, jax.numpy as jnp
import numpy as np

B = 16
C = 3
TEX = 512
IMG = 224
NNZ = 602112
N_TEX = TEX * TEX * C
N_OUT = IMG * IMG * C


def setup_inputs(seed: int = 0) -> dict:
    key = jax.random.key(seed)
    k1, k2, k3, k4, k5 = jax.random.split(key, 5)
    x = jax.random.normal(k1, (B, C, TEX, TEX), dtype=jnp.float32)
    mat_rows = jax.random.randint(k2, (NNZ,), 0, N_OUT, dtype=jnp.int32)
    mat_cols = jax.random.randint(k3, (NNZ,), 0, N_TEX, dtype=jnp.int32)
    mat_vals = jax.random.uniform(k4, (NNZ,), dtype=jnp.float32)
    mask = jax.random.uniform(k5, (B, C, IMG, IMG), dtype=jnp.float32)
    return {"x": x, "mat_rows": mat_rows, "mat_cols": mat_cols, "mat_vals": mat_vals, "mask": mask}


def reference(x, mat_rows, mat_cols, mat_vals, mask):
    # x: [B, C, H_tex, W_tex] -> permute to NHWC -> flatten -> [N_tex, B]
    b = x.shape[0]
    x_nhwc = jnp.transpose(x, (0, 2, 3, 1))
    x_flat = x_nhwc.reshape(b, -1).T  # [N_tex, B]
    # sparse COO mm: result[r, :] += v * x_flat[c, :]
    gathered = x_flat[mat_cols] * mat_vals[:, None]  # [NNZ, B]
    result_flat = jax.ops.segment_sum(gathered, mat_rows, num_segments=N_OUT)  # [N_out, B]
    result_flat = result_flat.T  # [B, N_out]
    result = result_flat.reshape(b, IMG, IMG, -1)
    result = jnp.transpose(result, (0, 3, 1, 2))  # [B, C, IMG, IMG]
    bbox = ((48, 80), (112, 208))  # static bbox as produced by __init__ (constants)
    return (result, mask, jnp.asarray(bbox))

if __name__ == "__main__":
    import jax
    _d = setup_inputs()
    print(jax.jit(kernel)(*tuple(_d.values())))

</pallas_src>

<mosaic_0001>
#map = affine_map<(d0, d1) -> (0, 0)>
#map1 = affine_map<(d0, d1) -> (0)>
module attributes {stable_mosaic.version = 14 : i64} {
  func.func @coo_spmm_sc(%arg0: i32, %arg1: i32, %arg2: memref<786432x16xf32, #tpu.memory_space<hbm>>, %arg3: memref<602112xi32, #tpu.memory_space<hbm>>, %arg4: memref<602112xi32, #tpu.memory_space<hbm>>, %arg5: memref<602112xf32, #tpu.memory_space<hbm>>, %arg6: memref<150528x16xf32, #tpu.memory_space<hbm>>, %arg7: memref<3x128xi32, #tpu.memory_space<vmem>>, %arg8: memref<3x128xi32, #tpu.memory_space<vmem>>, %arg9: memref<3x128xf32, #tpu.memory_space<vmem>>, %arg10: memref<3x128xi32, #tpu.memory_space<vmem>>, %arg11: memref<3x128x16xf32, #tpu.memory_space<vmem>>, %arg12: memref<3x128x16xf32, #tpu.memory_space<vmem>>, %arg13: memref<1176x16xf32, #tpu.memory_space<vmem>>, %arg14: memref<75272x16xf32, #tpu.memory_space<vmem_shared>>, %arg15: memref<!tpu.dma_semaphore, #tpu.memory_space<semaphore_mem>>, %arg16: memref<!tpu.dma_semaphore, #tpu.memory_space<semaphore_mem>>, %arg17: memref<!tpu.dma_semaphore, #tpu.memory_space<semaphore_mem>>, %arg18: memref<!tpu.dma_semaphore, #tpu.memory_space<semaphore_mem>>, %arg19: memref<!tpu.dma_semaphore, #tpu.memory_space<semaphore_mem>>, %arg20: memref<!tpu.dma_semaphore, #tpu.memory_space<semaphore_mem>>, %arg21: memref<!tpu.dma_semaphore, #tpu.memory_space<semaphore_mem>>, %arg22: memref<!tpu.dma_semaphore, #tpu.memory_space<semaphore_mem>>, %arg23: memref<!tpu.dma_semaphore, #tpu.memory_space<semaphore_mem>>) attributes {dimension_semantics = [#tpu.dimension_semantics<core_parallel>, #tpu.dimension_semantics<subcore_parallel>], iteration_bounds = array<i64: 2, 16>, scalar_prefetch = 0 : i64, scratch_operands = 17 : i64, tpu.core_type = #tpu.core_type<sc_vector_subcore>, window_params = [{transform_indices = #map}, {transform_indices = #map1}, {transform_indices = #map1}, {transform_indices = #map1}, {transform_indices = #map}]} {
    %mul3A = arith.constant 37632 : i32
    %mul3A_0 = arith.muli %arg1, %mul3A : i32
    %mul3A_1 = arith.constant 75264 : i32
    %mul3A_2 = arith.muli %arg0, %mul3A_1 : i32
    %scan3A = arith.constant 0 : i32
    %scan3A_3 = arith.constant 1176 : i32
    %scan3A_4 = arith.addi %scan3A, %scan3A_3 : i32
    %scan3A_5 = arith.constant 8 : i32
    scf.for %scan3A_255 = %scan3A to %scan3A_4 step %scan3A_5  : i32 {
      %mul3A_256 = arith.constant 1 : i32
      %mul3A_257 = arith.muli %scan3A_255, %mul3A_256 : i32
      %add3A_258 = arith.constant 0 : i32
      %add3A_259 = arith.addi %add3A_258, %mul3A_257 : i32
      %broadcast_in_dim3A = arith.constant 0.000000e+00 : f32
      %broadcast_in_dim3A_260 = vector.broadcast %broadcast_in_dim3A : f32 to vector<16xf32>
      %swap3A = arith.index_cast %add3A_259 : i32 to index
      %swap3A_261 = arith.constant 0 : index
      %swap3A_262 = tpu.vector_load %arg13[%swap3A, %swap3A_261] {strides = array<i32>} : memref<1176x16xf32, #tpu.memory_space<vmem>>, vector<1x16xf32>,
      %swap3A_263 = vector.shape_cast %swap3A_262 : vector<1x16xf32> to vector<16xf32>
      %swap3A_264 = vector.shape_cast %broadcast_in_dim3A_260 : vector<16xf32> to vector<1x16xf32>
      tpu.vector_store %arg13[%swap3A, %swap3A_261], %swap3A_264 {strides = array<i32>} : memref<1176x16xf32, #tpu.memory_space<vmem>>, vector<1x16xf32>,
      %scan3A_265 = arith.constant 1 : i32
      %scan3A_266 = arith.addi %scan3A_255, %scan3A_265 : i32
      %mul3A_267 = arith.constant 1 : i32
      %mul3A_268 = arith.muli %scan3A_266, %mul3A_267 : i32
      %add3A_269 = arith.constant 0 : i32
      %add3A_270 = arith.addi %add3A_269, %mul3A_268 : i32
      %broadcast_in_dim3A_271 = arith.constant 0.000000e+00 : f32
      %broadcast_in_dim3A_272 = vector.broadcast %broadcast_in_dim3A_271 : f32 to vector<16xf32>
      %swap3A_273 = arith.index_cast %add3A_270 : i32 to index
      %swap3A_274 = arith.constant 0 : index
      %swap3A_275 = tpu.vector_load %arg13[%swap3A_273, %swap3A_274] {strides = array<i32>} : memref<1176x16xf32, #tpu.memory_space<vmem>>, vector<1x16xf32>,
      %swap3A_276 = vector.shape_cast %swap3A_275 : vector<1x16xf32> to vector<16xf32>
      %swap3A_277 = vector.shape_cast %broadcast_in_dim3A_272 : vector<16xf32> to vector<1x16xf32>
      tpu.vector_store %arg13[%swap3A_273, %swap3A_274], %swap3A_277 {strides = array<i32>} : memref<1176x16xf32, #tpu.memory_space<vmem>>, vector<1x16xf32>,
      %scan3A_278 = arith.constant 2 : i32
      %scan3A_279 = arith.addi %scan3A_255, %scan3A_278 : i32
      %mul3A_280 = arith.constant 1 : i32
      %mul3A_281 = arith.muli %scan3A_279, %mul3A_280 : i32
      %add3A_282 = arith.constant 0 : i32
      %add3A_283 = arith.addi %add3A_282, %mul3A_281 : i32
      %broadcast_in_dim3A_284 = arith.constant 0.000000e+00 : f32
      %broadcast_in_dim3A_285 = vector.broadcast %broadcast_in_dim3A_284 : f32 to vector<16xf32>
      %swap3A_286 = arith.index_cast %add3A_283 : i32 to index
      %swap3A_287 = arith.constant 0 : index
      %swap3A_288 = tpu.vector_load %arg13[%swap3A_286, %swap3A_287] {strides = array<i32>} : memref<1176x16xf32, #tpu.memory_space<vmem>>, vector<1x16xf32>,
      %swap3A_289 = vector.shape_cast %swap3A_288 : vector<1x16xf32> to vector<16xf32>
      %swap3A_290 = vector.shape_cast %broadcast_in_dim3A_285 : vector<16xf32> to vector<1x16xf32>
      tpu.vector_store %arg13[%swap3A_286, %swap3A_287], %swap3A_290 {strides = array<i32>} : memref<1176x16xf32, #tpu.memory_space<vmem>>, vector<1x16xf32>,
      %scan3A_291 = arith.constant 3 : i32
      %scan3A_292 = arith.addi %scan3A_255, %scan3A_291 : i32
      %mul3A_293 = arith.constant 1 : i32
      %mul3A_294 = arith.muli %scan3A_292, %mul3A_293 : i32
      %add3A_295 = arith.constant 0 : i32
      %add3A_296 = arith.addi %add3A_295, %mul3A_294 : i32
      %broadcast_in_dim3A_297 = arith.constant 0.000000e+00 : f32
      %broadcast_in_dim3A_298 = vector.broadcast %broadcast_in_dim3A_297 : f32 to vector<16xf32>
      %swap3A_299 = arith.index_cast %add3A_296 : i32 to index
      %swap3A_300 = arith.constant 0 : index
      %swap3A_301 = tpu.vector_load %arg13[%swap3A_299, %swap3A_300] {strides = array<i32>} : memref<1176x16xf32, #tpu.memory_space<vmem>>, vector<1x16xf32>,
      %swap3A_302 = vector.shape_cast %swap3A_301 : vector<1x16xf32> to vector<16xf32>
      %swap3A_303 = vector.shape_cast %broadcast_in_dim3A_298 : vector<16xf32> to vector<1x16xf32>
      tpu.vector_store %arg13[%swap3A_299, %swap3A_300], %swap3A_303 {strides = array<i32>} : memref<1176x16xf32, #tpu.memory_space<vmem>>, vector<1x16xf32>,
      %scan3A_304 = arith.constant 4 : i32
      %scan3A_305 = arith.addi %scan3A_255, %scan3A_304 : i32
      %mul3A_306 = arith.constant 1 : i32
      %mul3A_307 = arith.muli %scan3A_305, %mul3A_306 : i32
      %add3A_308 = arith.constant 0 : i32
      %add3A_309 = arith.addi %add3A_308, %mul3A_307 : i32
      %broadcast_in_dim3A_310 = arith.constant 0.000000e+00 : f32
      %broadcast_in_dim3A_311 = vector.broadcast %broadcast_in_dim3A_310 : f32 to vector<16xf32>
      %swap3A_312 = arith.index_cast %add3A_309 : i32 to index
      %swap3A_313 = arith.constant 0 : index
      %swap3A_314 = tpu.vector_load %arg13[%swap3A_312, %swap3A_313] {strides = array<i32>} : memref<1176x16xf32, #tpu.memory_space<vmem>>, vector<1x16xf32>,
      %swap3A_315 = vector.shape_cast %swap3A_314 : vector<1x16xf32> to vector<16xf32>
      %swap3A_316 = vector.shape_cast %broadcast_in_dim3A_311 : vector<16xf32> to vector<1x16xf32>
      tpu.vector_store %arg13[%swap3A_312, %swap3A_313], %swap3A_316 {strides = array<i32>} : memref<1176x16xf32, #tpu.memory_space<vmem>>, vector<1x16xf32>,
      %scan3A_317 = arith.constant 5 : i32
      %scan3A_318 = arith.addi %scan3A_255, %scan3A_317 : i32
      %mul3A_319 = arith.constant 1 : i32
      %mul3A_320 = arith.muli %scan3A_318, %mul3A_319 : i32
      %add3A_321 = arith.constant 0 : i32
      %add3A_322 = arith.addi %add3A_321, %mul3A_320 : i32
      %broadcast_in_dim3A_323 = arith.constant 0.000000e+00 : f32
      %broadcast_in_dim3A_324 = vector.broadcast %broadcast_in_dim3A_323 : f32 to vector<16xf32>
      %swap3A_325 = arith.index_cast %add3A_322 : i32 to index
      %swap3A_326 = arith.constant 0 : index
      %swap3A_327 = tpu.vector_load %arg13[%swap3A_325, %swap3A_326] {strides = array<i32>} : memref<1176x16xf32, #tpu.memory_space<vmem>>, vector<1x16xf32>,
      %swap3A_328 = vector.shape_cast %swap3A_327 : vector<1x16xf32> to vector<16xf32>
      %swap3A_329 = vector.shape_cast %broadcast_in_dim3A_324 : vector<16xf32> to vector<1x16xf32>
      tpu.vector_store %arg13[%swap3A_325, %swap3A_326], %swap3A_329 {strides = array<i32>} : memref<1176x16xf32, #tpu.memory_space<vmem>>, vector<1x16xf32>,
      %scan3A_330 = arith.constant 6 : i32
      %scan3A_331 = arith.addi %scan3A_255, %scan3A_330 : i32
      %mul3A_332 = arith.constant 1 : i32
      %mul3A_333 = arith.muli %scan3A_331, %mul3A_332 : i32
      %add3A_334 = arith.constant 0 : i32
      %add3A_335 = arith.addi %add3A_334, %mul3A_333 : i32
      %broadcast_in_dim3A_336 = arith.constant 0.000000e+00 : f32
      %broadcast_in_dim3A_337 = vector.broadcast %broadcast_in_dim3A_336 : f32 to vector<16xf32>
      %swap3A_338 = arith.index_cast %add3A_335 : i32 to index
      %swap3A_339 = arith.constant 0 : index
      %swap3A_340 = tpu.vector_load %arg13[%swap3A_338, %swap3A_339] {strides = array<i32>} : memref<1176x16xf32, #tpu.memory_space<vmem>>, vector<1x16xf32>,
      %swap3A_341 = vector.shape_cast %swap3A_340 : vector<1x16xf32> to vector<16xf32>
      %swap3A_342 = vector.shape_cast %broadcast_in_dim3A_337 : vector<16xf32> to vector<1x16xf32>
      tpu.vector_store %arg13[%swap3A_338, %swap3A_339], %swap3A_342 {strides = array<i32>} : memref<1176x16xf32, #tpu.memory_space<vmem>>, vector<1x16xf32>,
      %scan3A_343 = arith.constant 7 : i32
      %scan3A_344 = arith.addi %scan3A_255, %scan3A_343 : i32
      %mul3A_345 = arith.constant 1 : i32
      %mul3A_346 = arith.muli %scan3A_344, %mul3A_345 : i32
      %add3A_347 = arith.constant 0 : i32
      %add3A_348 = arith.addi %add3A_347, %mul3A_346 : i32
      %broadcast_in_dim3A_349 = arith.constant 0.000000e+00 : f32
      %broadcast_in_dim3A_350 = vector.broadcast %broadcast_in_dim3A_349 : f32 to vector<16xf32>
      %swap3A_351 = arith.index_cast %add3A_348 : i32 to index
      %swap3A_352 = arith.constant 0 : index
      %swap3A_353 = tpu.vector_load %arg13[%swap3A_351, %swap3A_352] {strides = array<i32>} : memref<1176x16xf32, #tpu.memory_space<vmem>>, vector<1x16xf32>,
      %swap3A_354 = vector.shape_cast %swap3A_353 : vector<1x16xf32> to vector<16xf32>
      %swap3A_355 = vector.shape_cast %broadcast_in_dim3A_350 : vector<16xf32> to vector<1x16xf32>
      tpu.vector_store %arg13[%swap3A_351, %swap3A_352], %swap3A_355 {strides = array<i32>} : memref<1176x16xf32, #tpu.memory_space<vmem>>, vector<1x16xf32>,
    }
    %scan3A_6 = arith.constant 1176 : i32
    %mul3A_7 = arith.constant 4704 : i32
    %mul3A_8 = arith.muli %arg1, %mul3A_7 : i32
    %add3A = arith.constant 0 : i32
    %add3A_9 = arith.addi %mul3A_8, %add3A : i32
    "tpu.region"() ({
      %run_scoped3A = tpu.sem_alloc : memref<!tpu.dma_semaphore, #tpu.memory_space<semaphore_mem>>
      %dma_start3A_255 = arith.constant 0 : i32
      %dma_start3A_256 = tpu.memref_slice %arg14[%add3A_9, %dma_start3A_255] : memref<75272x16xf32, #tpu.memory_space<vmem_shared>> -> memref<1176x16xf32, #tpu.memory_space<vmem_shared>>
      %dma_start3A_257 = arith.constant 0 : i32
      %dma_start3A_258 = tpu.memref_slice %arg14[%add3A_9, %dma_start3A_257] : memref<75272x16xf32, #tpu.memory_space<vmem_shared>> -> memref<1176x16xf32, #tpu.memory_space<vmem_shared>>
      tpu.enqueue_dma source(%arg13 : memref<1176x16xf32, #tpu.memory_space<vmem>>) target(%dma_start3A_258 : memref<1176x16xf32, #tpu.memory_space<vmem_shared>>) target_semaphore(%run_scoped3A : memref<!tpu.dma_semaphore, #tpu.memory_space<semaphore_mem>>)
      %dma_wait3A_259 = arith.constant 0 : i32
      %dma_wait3A_260 = tpu.memref_slice %arg14[%add3A_9, %dma_wait3A_259] : memref<75272x16xf32, #tpu.memory_space<vmem_shared>> -> memref<1176x16xf32, #tpu.memory_space<vmem_shared>>
      %dma_wait3A_261 = arith.constant 0 : i32
      %dma_wait3A_262 = tpu.memref_slice %arg14[%add3A_9, %dma_wait3A_261] : memref<75272x16xf32, #tpu.memory_space<vmem_shared>> -> memref<1176x16xf32, #tpu.memory_space<vmem_shared>>
      tpu.wait_dma2 semaphore(%run_scoped3A : memref<!tpu.dma_semaphore, #tpu.memory_space<semaphore_mem>>) src(%arg13 : memref<1176x16xf32, #tpu.memory_space<vmem>>) dst(%dma_wait3A_262 : memref<1176x16xf32, #tpu.memory_space<vmem_shared>>)
      tpu.yield
    }) : () -> ()
    %mul3A_10 = arith.constant 4704 : i32
    %mul3A_11 = arith.muli %arg1, %mul3A_10 : i32
    %add3A_12 = arith.constant 1176 : i32
    %add3A_13 = arith.addi %mul3A_11, %add3A_12 : i32
    "tpu.region"() ({
      %run_scoped3A = tpu.sem_alloc : memref<!tpu.dma_semaphore, #tpu.memory_space<semaphore_mem>>
      %dma_start3A_255 = arith.constant 0 : i32
      %dma_start3A_256 = tpu.memref_slice %arg14[%add3A_13, %dma_start3A_255] : memref<75272x16xf32, #tpu.memory_space<vmem_shared>> -> memref<1176x16xf32, #tpu.memory_space<vmem_shared>>
      %dma_start3A_257 = arith.constant 0 : i32
      %dma_start3A_258 = tpu.memref_slice %arg14[%add3A_13, %dma_start3A_257] : memref<75272x16xf32, #tpu.memory_space<vmem_shared>> -> memref<1176x16xf32, #tpu.memory_space<vmem_shared>>
      tpu.enqueue_dma source(%arg13 : memref<1176x16xf32, #tpu.memory_space<vmem>>) target(%dma_start3A_258 : memref<1176x16xf32, #tpu.memory_space<vmem_shared>>) target_semaphore(%run_scoped3A : memref<!tpu.dma_semaphore, #tpu.memory_space<semaphore_mem>>)
      %dma_wait3A_259 = arith.constant 0 : i32
      %dma_wait3A_260 = tpu.memref_slice %arg14[%add3A_13, %dma_wait3A_259] : memref<75272x16xf32, #tpu.memory_space<vmem_shared>> -> memref<1176x16xf32, #tpu.memory_space<vmem_shared>>
      %dma_wait3A_261 = arith.constant 0 : i32
      %dma_wait3A_262 = tpu.memref_slice %arg14[%add3A_13, %dma_wait3A_261] : memref<75272x16xf32, #tpu.memory_space<vmem_shared>> -> memref<1176x16xf32, #tpu.memory_space<vmem_shared>>
      tpu.wait_dma2 semaphore(%run_scoped3A : memref<!tpu.dma_semaphore, #tpu.memory_space<semaphore_mem>>) src(%arg13 : memref<1176x16xf32, #tpu.memory_space<vmem>>) dst(%dma_wait3A_262 : memref<1176x16xf32, #tpu.memory_space<vmem_shared>>)
      tpu.yield
    }) : () -> ()
    %mul3A_14 = arith.constant 4704 : i32
    %mul3A_15 = arith.muli %arg1, %mul3A_14 : i32
    %add3A_16 = arith.constant 2352 : i32
    %add3A_17 = arith.addi %mul3A_15, %add3A_16 : i32
    "tpu.region"() ({
      %run_scoped3A = tpu.sem_alloc : memref<!tpu.dma_semaphore, #tpu.memory_space<semaphore_mem>>
      %dma_start3A_255 = arith.constant 0 : i32
      %dma_start3A_256 = tpu.memref_slice %arg14[%add3A_17, %dma_start3A_255] : memref<75272x16xf32, #tpu.memory_space<vmem_shared>> -> memref<1176x16xf32, #tpu.memory_space<vmem_shared>>
      %dma_start3A_257 = arith.constant 0 : i32
      %dma_start3A_258 = tpu.memref_slice %arg14[%add3A_17, %dma_start3A_257] : memref<75272x16xf32, #tpu.memory_space<vmem_shared>> -> memref<1176x16xf32, #tpu.memory_space<vmem_shared>>
      tpu.enqueue_dma source(%arg13 : memref<1176x16xf32, #tpu.memory_space<vmem>>) target(%dma_start3A_258 : memref<1176x16xf32, #tpu.memory_space<vmem_shared>>) target_semaphore(%run_scoped3A : memref<!tpu.dma_semaphore, #tpu.memory_space<semaphore_mem>>)
      %dma_wait3A_259 = arith.constant 0 : i32
      %dma_wait3A_260 = tpu.memref_slice %arg14[%add3A_17, %dma_wait3A_259] : memref<75272x16xf32, #tpu.memory_space<vmem_shared>> -> memref<1176x16xf32, #tpu.memory_space<vmem_shared>>
      %dma_wait3A_261 = arith.constant 0 : i32
      %dma_wait3A_262 = tpu.memref_slice %arg14[%add3A_17, %dma_wait3A_261] : memref<75272x16xf32, #tpu.memory_space<vmem_shared>> -> memref<1176x16xf32, #tpu.memory_space<vmem_shared>>
      tpu.wait_dma2 semaphore(%run_scoped3A : memref<!tpu.dma_semaphore, #tpu.memory_space<semaphore_mem>>) src(%arg13 : memref<1176x16xf32, #tpu.memory_space<vmem>>) dst(%dma_wait3A_262 : memref<1176x16xf32, #tpu.memory_space<vmem_shared>>)
      tpu.yield
    }) : () -> ()
    %mul3A_18 = arith.constant 4704 : i32
    %mul3A_19 = arith.muli %arg1, %mul3A_18 : i32
    %add3A_20 = arith.constant 3528 : i32
    %add3A_21 = arith.addi %mul3A_19, %add3A_20 : i32
    "tpu.region"() ({
      %run_scoped3A = tpu.sem_alloc : memref<!tpu.dma_semaphore, #tpu.memory_space<semaphore_mem>>
      %dma_start3A_255 = arith.constant 0 : i32
      %dma_start3A_256 = tpu.memref_slice %arg14[%add3A_21, %dma_start3A_255] : memref<75272x16xf32, #tpu.memory_space<vmem_shared>> -> memref<1176x16xf32, #tpu.memory_space<vmem_shared>>
      %dma_start3A_257 = arith.constant 0 : i32
      %dma_start3A_258 = tpu.memref_slice %arg14[%add3A_21, %dma_start3A_257] : memref<75272x16xf32, #tpu.memory_space<vmem_shared>> -> memref<1176x16xf32, #tpu.memory_space<vmem_shared>>
      tpu.enqueue_dma source(%arg13 : memref<1176x16xf32, #tpu.memory_space<vmem>>) target(%dma_start3A_258 : memref<1176x16xf32, #tpu.memory_space<vmem_shared>>) target_semaphore(%run_scoped3A : memref<!tpu.dma_semaphore, #tpu.memory_space<semaphore_mem>>)
      %dma_wait3A_259 = arith.constant 0 : i32
      %dma_wait3A_260 = tpu.memref_slice %arg14[%add3A_21, %dma_wait3A_259] : memref<75272x16xf32, #tpu.memory_space<vmem_shared>> -> memref<1176x16xf32, #tpu.memory_space<vmem_shared>>
      %dma_wait3A_261 = arith.constant 0 : i32
      %dma_wait3A_262 = tpu.memref_slice %arg14[%add3A_21, %dma_wait3A_261] : memref<75272x16xf32, #tpu.memory_space<vmem_shared>> -> memref<1176x16xf32, #tpu.memory_space<vmem_shared>>
      tpu.wait_dma2 semaphore(%run_scoped3A : memref<!tpu.dma_semaphore, #tpu.memory_space<semaphore_mem>>) src(%arg13 : memref<1176x16xf32, #tpu.memory_space<vmem>>) dst(%dma_wait3A_262 : memref<1176x16xf32, #tpu.memory_space<vmem_shared>>)
      tpu.yield
    }) : () -> ()
    %eq3A = arith.constant 15 : i32
    %eq3A_22 = arith.cmpi eq, %arg1, %eq3A : i32
    %convert_element_type3A = arith.extui %eq3A_22 : i1 to i32
    %cond3A = arith.constant 0 : i32
    %cond3A_23 = arith.cmpi ne, %convert_element_type3A, %cond3A : i32
    scf.if %cond3A_23 {
      "tpu.region"() ({
        %run_scoped3A = tpu.sem_alloc : memref<!tpu.dma_semaphore, #tpu.memory_space<semaphore_mem>>
        %dma_start3A_255 = arith.constant 0 : i32
        %dma_start3A_256 = arith.constant 0 : i32
        %dma_start3A_257 = tpu.memref_slice %arg13[%dma_start3A_255, %dma_start3A_256] : memref<1176x16xf32, #tpu.memory_space<vmem>> -> memref<8x16xf32, #tpu.memory_space<vmem>>
        %dma_start3A_258 = arith.constant 75264 : i32
        %dma_start3A_259 = arith.constant 0 : i32
        %dma_start3A_260 = tpu.memref_slice %arg14[%dma_start3A_258, %dma_start3A_259] : memref<75272x16xf32, #tpu.memory_space<vmem_shared>> -> memref<8x16xf32, #tpu.memory_space<vmem_shared>>
        %dma_start3A_261 = arith.constant 75264 : i32
        %dma_start3A_262 = arith.constant 0 : i32
        %dma_start3A_263 = tpu.memref_slice %arg14[%dma_start3A_261, %dma_start3A_262] : memref<75272x16xf32, #tpu.memory_space<vmem_shared>> -> memref<8x16xf32, #tpu.memory_space<vmem_shared>>
        %dma_start3A_264 = arith.constant 0 : i32
        %dma_start3A_265 = arith.constant 0 : i32
        %dma_start3A_266 = tpu.memref_slice %arg13[%dma_start3A_264, %dma_start3A_265] : memref<1176x16xf32, #tpu.memory_space<vmem>> -> memref<8x16xf32, #tpu.memory_space<vmem>>
        tpu.enqueue_dma source(%dma_start3A_266 : memref<8x16xf32, #tpu.memory_space<vmem>>) target(%dma_start3A_263 : memref<8x16xf32, #tpu.memory_space<vmem_shared>>) target_semaphore(%run_scoped3A : memref<!tpu.dma_semaphore, #tpu.memory_space<semaphore_mem>>)
        %dma_wait3A_267 = arith.constant 0 : i32
        %dma_wait3A_268 = arith.constant 0 : i32
        %dma_wait3A_269 = tpu.memref_slice %arg13[%dma_wait3A_267, %dma_wait3A_268] : memref<1176x16xf32, #tpu.memory_space<vmem>> -> memref<8x16xf32, #tpu.memory_space<vmem>>
        %dma_wait3A_270 = arith.constant 75264 : i32
        %dma_wait3A_271 = arith.constant 0 : i32
        %dma_wait3A_272 = tpu.memref_slice %arg14[%dma_wait3A_270, %dma_wait3A_271] : memref<75272x16xf32, #tpu.memory_space<vmem_shared>> -> memref<8x16xf32, #tpu.memory_space<vmem_shared>>
        %dma_wait3A_273 = arith.constant 75264 : i32
        %dma_wait3A_274 = arith.constant 0 : i32
        %dma_wait3A_275 = tpu.memref_slice %arg14[%dma_wait3A_273, %dma_wait3A_274] : memref<75272x16xf32, #tpu.memory_space<vmem_shared>> -> memref<8x16xf32, #tpu.memory_space<vmem_shared>>
        %dma_wait3A_276 = arith.constant 0 : i32
        %dma_wait3A_277 = arith.constant 0 : i32
        %dma_wait3A_278 = tpu.memref_slice %arg13[%dma_wait3A_276, %dma_wait3A_277] : memref<1176x16xf32, #tpu.memory_space<vmem>> -> memref<8x16xf32, #tpu.memory_space<vmem>>
        tpu.wait_dma2 semaphore(%run_scoped3A : memref<!tpu.dma_semaphore, #tpu.memory_space<semaphore_mem>>) src(%dma_wait3A_278 : memref<8x16xf32, #tpu.memory_space<vmem>>) dst(%dma_wait3A_275 : memref<8x16xf32, #tpu.memory_space<vmem_shared>>)
        tpu.yield
      }) : () -> ()
    } else {
    }
    %barrier3A = arith.constant 0 : index
    tpu.barrier barrier_id(%barrier3A)
    %add3A_24 = arith.constant 0 : i32
    %add3A_25 = arith.addi %mul3A_0, %add3A_24 : i32
    %dma_start3A = arith.constant 0 : i32
    %dma_start3A_26 = arith.constant 0 : i32
    %dma_start3A_27 = tpu.memref_slice %arg7[%dma_start3A, %dma_start3A_26] : memref<3x128xi32, #tpu.memory_space<vmem>> -> memref<1x128xi32, #tpu.memory_space<vmem>>
    %dma_start3A_28 = tpu.memref_squeeze %dma_start3A_27 : memref<1x128xi32, #tpu.memory_space<vmem>> -> memref<128xi32, #tpu.memory_space<vmem>>
    %dma_start3A_29 = tpu.memref_slice %arg3[%add3A_25] : memref<602112xi32, #tpu.memory_space<hbm>> -> memref<128xi32, #tpu.memory_space<hbm>>
    %dma_start3A_30 = arith.constant 0 : i32
    %dma_start3A_31 = tpu.memref_slice %arg7[%dma_start3A, %dma_start3A_30] : memref<3x128xi32, #tpu.memory_space<vmem>> -> memref<1x128xi32, #tpu.memory_space<vmem>>
    %dma_start3A_32 = tpu.memref_squeeze %dma_start3A_31 : memref<1x128xi32, #tpu.memory_space<vmem>> -> memref<128xi32, #tpu.memory_space<vmem>>
    %dma_start3A_33 = tpu.memref_slice %arg3[%add3A_25] : memref<602112xi32, #tpu.memory_space<hbm>> -> memref<128xi32, #tpu.memory_space<hbm>>
    tpu.enqueue_dma source(%dma_start3A_33 : memref<128xi32, #tpu.memory_space<hbm>>) target(%dma_start3A_32 : memref<128xi32, #tpu.memory_space<vmem>>) target_semaphore(%arg15 : memref<!tpu.dma_semaphore, #tpu.memory_space<semaphore_mem>>)
    %dma_start3A_34 = arith.constant 0 : i32
    %dma_start3A_35 = arith.constant 0 : i32
    %dma_start3A_36 = tpu.memref_slice %arg8[%dma_start3A_34, %dma_start3A_35] : memref<3x128xi32, #tpu.memory_space<vmem>> -> memref<1x128xi32, #tpu.memory_space<vmem>>
    %dma_start3A_37 = tpu.memref_squeeze %dma_start3A_36 : memref<1x128xi32, #tpu.memory_space<vmem>> -> memref<128xi32, #tpu.memory_space<vmem>>
    %dma_start3A_38 = tpu.memref_slice %arg4[%add3A_25] : memref<602112xi32, #tpu.memory_space<hbm>> -> memref<128xi32, #tpu.memory_space<hbm>>
    %dma_start3A_39 = arith.constant 0 : i32
    %dma_start3A_40 = tpu.memref_slice %arg8[%dma_start3A_34, %dma_start3A_39] : memref<3x128xi32, #tpu.memory_space<vmem>> -> memref<1x128xi32, #tpu.memory_space<vmem>>
    %dma_start3A_41 = tpu.memref_squeeze %dma_start3A_40 : memref<1x128xi32, #tpu.memory_space<vmem>> -> memref<128xi32, #tpu.memory_space<vmem>>
    %dma_start3A_42 = tpu.memref_slice %arg4[%add3A_25] : memref<602112xi32, #tpu.memory_space<hbm>> -> memref<128xi32, #tpu.memory_space<hbm>>
    tpu.enqueue_dma source(%dma_start3A_42 : memref<128xi32, #tpu.memory_space<hbm>>) target(%dma_start3A_41 : memref<128xi32, #tpu.memory_space<vmem>>) target_semaphore(%arg15 : memref<!tpu.dma_semaphore, #tpu.memory_space<semaphore_mem>>)
    %dma_start3A_43 = arith.constant 0 : i32
    %dma_start3A_44 = arith.constant 0 : i32
    %dma_start3A_45 = tpu.memref_slice %arg9[%dma_start3A_43, %dma_start3A_44] : memref<3x128xf32, #tpu.memory_space<vmem>> -> memref<1x128xf32, #tpu.memory_space<vmem>>
    %dma_start3A_46 = tpu.memref_squeeze %dma_start3A_45 : memref<1x128xf32, #tpu.memory_space<vmem>> -> memref<128xf32, #tpu.memory_space<vmem>>
    %dma_start3A_47 = tpu.memref_slice %arg5[%add3A_25] : memref<602112xf32, #tpu.memory_space<hbm>> -> memref<128xf32, #tpu.memory_space<hbm>>
    %dma_start3A_48 = arith.constant 0 : i32
    %dma_start3A_49 = tpu.memref_slice %arg9[%dma_start3A_43, %dma_start3A_48] : memref<3x128xf32, #tpu.memory_space<vmem>> -> memref<1x128xf32, #tpu.memory_space<vmem>>
    %dma_start3A_50 = tpu.memref_squeeze %dma_start3A_49 : memref<1x128xf32, #tpu.memory_space<vmem>> -> memref<128xf32, #tpu.memory_space<vmem>>
    %dma_start3A_51 = tpu.memref_slice %arg5[%add3A_25] : memref<602112xf32, #tpu.memory_space<hbm>> -> memref<128xf32, #tpu.memory_space<hbm>>
    tpu.enqueue_dma source(%dma_start3A_51 : memref<128xf32, #tpu.memory_space<hbm>>) target(%dma_start3A_50 : memref<128xf32, #tpu.memory_space<vmem>>) target_semaphore(%arg15 : memref<!tpu.dma_semaphore, #tpu.memory_space<semaphore_mem>>)
    %add3A_52 = arith.constant 128 : i32
    %add3A_53 = arith.addi %mul3A_0, %add3A_52 : i32
    %dma_start3A_54 = arith.constant 1 : i32
    %dma_start3A_55 = arith.constant 0 : i32
    %dma_start3A_56 = tpu.memref_slice %arg7[%dma_start3A_54, %dma_start3A_55] : memref<3x128xi32, #tpu.memory_space<vmem>> -> memref<1x128xi32, #tpu.memory_space<vmem>>
    %dma_start3A_57 = tpu.memref_squeeze %dma_start3A_56 : memref<1x128xi32, #tpu.memory_space<vmem>> -> memref<128xi32, #tpu.memory_space<vmem>>
    %dma_start3A_58 = tpu.memref_slice %arg3[%add3A_53] : memref<602112xi32, #tpu.memory_space<hbm>> -> memref<128xi32, #tpu.memory_space<hbm>>
    %dma_start3A_59 = arith.constant 0 : i32
    %dma_start3A_60 = tpu.memref_slice %arg7[%dma_start3A_54, %dma_start3A_59] : memref<3x128xi32, #tpu.memory_space<vmem>> -> memref<1x128xi32, #tpu.memory_space<vmem>>
    %dma_start3A_61 = tpu.memref_squeeze %dma_start3A_60 : memref<1x128xi32, #tpu.memory_space<vmem>> -> memref<128xi32, #tpu.memory_space<vmem>>
    %dma_start3A_62 = tpu.memref_slice %arg3[%add3A_53] : memref<602112xi32, #tpu.memory_space<hbm>> -> memref<128xi32, #tpu.memory_space<hbm>>
    tpu.enqueue_dma source(%dma_start3A_62 : memref<128xi32, #tpu.memory_space<hbm>>) target(%dma_start3A_61 : memref<128xi32, #tpu.memory_space<vmem>>) target_semaphore(%arg16 : memref<!tpu.dma_semaphore, #tpu.memory_space<semaphore_mem>>)
    %dma_start3A_63 = arith.constant 1 : i32
    %dma_start3A_64 = arith.constant 0 : i32
    %dma_start3A_65 = tpu.memref_slice %arg8[%dma_start3A_63, %dma_start3A_64] : memref<3x128xi32, #tpu.memory_space<vmem>> -> memref<1x128xi32, #tpu.memory_space<vmem>>
    %dma_start3A_66 = tpu.memref_squeeze %dma_start3A_65 : memref<1x128xi32, #tpu.memory_space<vmem>> -> memref<128xi32, #tpu.memory_space<vmem>>
    %dma_start3A_67 = tpu.memref_slice %arg4[%add3A_53] : memref<602112xi32, #tpu.memory_space<hbm>> -> memref<128xi32, #tpu.memory_space<hbm>>
    %dma_start3A_68 = arith.constant 0 : i32
    %dma_start3A_69 = tpu.memref_slice %arg8[%dma_start3A_63, %dma_start3A_68] : memref<3x128xi32, #tpu.memory_space<vmem>> -> memref<1x128xi32, #tpu.memory_space<vmem>>
    %dma_start3A_70 = tpu.memref_squeeze %dma_start3A_69 : memref<1x128xi32, #tpu.memory_space<vmem>> -> memref<128xi32, #tpu.memory_space<vmem>>
    %dma_start3A_71 = tpu.memref_slice %arg4[%add3A_53] : memref<602112xi32, #tpu.memory_space<hbm>> -> memref<128xi32, #tpu.memory_space<hbm>>
    tpu.enqueue_dma source(%dma_start3A_71 : memref<128xi32, #tpu.memory_space<hbm>>) target(%dma_start3A_70 : memref<128xi32, #tpu.memory_space<vmem>>) target_semaphore(%arg16 : memref<!tpu.dma_semaphore, #tpu.memory_space<semaphore_mem>>)
    %dma_start3A_72 = arith.constant 1 : i32
    %dma_start3A_73 = arith.constant 0 : i32
    %dma_start3A_74 = tpu.memref_slice %arg9[%dma_start3A_72, %dma_start3A_73] : memref<3x128xf32, #tpu.memory_space<vmem>> -> memref<1x128xf32, #tpu.memory_space<vmem>>
    %dma_start3A_75 = tpu.memref_squeeze %dma_start3A_74 : memref<1x128xf32, #tpu.memory_space<vmem>> -> memref<128xf32, #tpu.memory_space<vmem>>
    %dma_start3A_76 = tpu.memref_slice %arg5[%add3A_53] : memref<602112xf32, #tpu.memory_space<hbm>> -> memref<128xf32, #tpu.memory_space<hbm>>
    %dma_start3A_77 = arith.constant 0 : i32
    %dma_start3A_78 = tpu.memref_slice %arg9[%dma_start3A_72, %dma_start3A_77] : memref<3x128xf32, #tpu.memory_space<vmem>> -> memref<1x128xf32, #tpu.memory_space<vmem>>
    %dma_start3A_79 = tpu.memref_squeeze %dma_start3A_78 : memref<1x128xf32, #tpu.memory_space<vmem>> -> memref<128xf32, #tpu.memory_space<vmem>>
    %dma_start3A_80 = tpu.memref_slice %arg5[%add3A_53] : memref<602112xf32, #tpu.memory_space<hbm>> -> memref<128xf32, #tpu.memory_space<hbm>>
    tpu.enqueue_dma source(%dma_start3A_80 : memref<128xf32, #tpu.memory_space<hbm>>) target(%dma_start3A_79 : memref<128xf32, #tpu.memory_space<vmem>>) target_semaphore(%arg16 : memref<!tpu.dma_semaphore, #tpu.memory_space<semaphore_mem>>)
    %add3A_81 = arith.constant 256 : i32
    %add3A_82 = arith.addi %mul3A_0, %add3A_81 : i32
    %dma_start3A_83 = arith.constant 2 : i32
    %dma_start3A_84 = arith.constant 0 : i32
    %dma_start3A_85 = tpu.memref_slice %arg7[%dma_start3A_83, %dma_start3A_84] : memref<3x128xi32, #tpu.memory_space<vmem>> -> memref<1x128xi32, #tpu.memory_space<vmem>>
    %dma_start3A_86 = tpu.memref_squeeze %dma_start3A_85 : memref<1x128xi32, #tpu.memory_space<vmem>> -> memref<128xi32, #tpu.memory_space<vmem>>
    %dma_start3A_87 = tpu.memref_slice %arg3[%add3A_82] : memref<602112xi32, #tpu.memory_space<hbm>> -> memref<128xi32, #tpu.memory_space<hbm>>
    %dma_start3A_88 = arith.constant 0 : i32
    %dma_start3A_89 = tpu.memref_slice %arg7[%dma_start3A_83, %dma_start3A_88] : memref<3x128xi32, #tpu.memory_space<vmem>> -> memref<1x128xi32, #tpu.memory_space<vmem>>
    %dma_start3A_90 = tpu.memref_squeeze %dma_start3A_89 : memref<1x128xi32, #tpu.memory_space<vmem>> -> memref<128xi32, #tpu.memory_space<vmem>>
    %dma_start3A_91 = tpu.memref_slice %arg3[%add3A_82] : memref<602112xi32, #tpu.memory_space<hbm>> -> memref<128xi32, #tpu.memory_space<hbm>>
    tpu.enqueue_dma source(%dma_start3A_91 : memref<128xi32, #tpu.memory_space<hbm>>) target(%dma_start3A_90 : memref<128xi32, #tpu.memory_space<vmem>>) target_semaphore(%arg17 : memref<!tpu.dma_semaphore, #tpu.memory_space<semaphore_mem>>)
    %dma_start3A_92 = arith.constant 2 : i32
    %dma_start3A_93 = arith.constant 0 : i32
    %dma_start3A_94 = tpu.memref_slice %arg8[%dma_start3A_92, %dma_start3A_93] : memref<3x128xi32, #tpu.memory_space<vmem>> -> memref<1x128xi32, #tpu.memory_space<vmem>>
    %dma_start3A_95 = tpu.memref_squeeze %dma_start3A_94 : memref<1x128xi32, #tpu.memory_space<vmem>> -> memref<128xi32, #tpu.memory_space<vmem>>
    %dma_start3A_96 = tpu.memref_slice %arg4[%add3A_82] : memref<602112xi32, #tpu.memory_space<hbm>> -> memref<128xi32, #tpu.memory_space<hbm>>
    %dma_start3A_97 = arith.constant 0 : i32
    %dma_start3A_98 = tpu.memref_slice %arg8[%dma_start3A_92, %dma_start3A_97] : memref<3x128xi32, #tpu.memory_space<vmem>> -> memref<1x128xi32, #tpu.memory_space<vmem>>
    %dma_start3A_99 = tpu.memref_squeeze %dma_start3A_98 : memref<1x128xi32, #tpu.memory_space<vmem>> -> memref<128xi32, #tpu.memory_space<vmem>>
    %dma_start3A_100 = tpu.memref_slice %arg4[%add3A_82] : memref<602112xi32, #tpu.memory_space<hbm>> -> memref<128xi32, #tpu.memory_space<hbm>>
    tpu.enqueue_dma source(%dma_start3A_100 : memref<128xi32, #tpu.memory_space<hbm>>) target(%dma_start3A_99 : memref<128xi32, #tpu.memory_space<vmem>>) target_semaphore(%arg17 : memref<!tpu.dma_semaphore, #tpu.memory_space<semaphore_mem>>)
    %dma_start3A_101 = arith.constant 2 : i32
    %dma_start3A_102 = arith.constant 0 : i32
    %dma_start3A_103 = tpu.memref_slice %arg9[%dma_start3A_101, %dma_start3A_102] : memref<3x128xf32, #tpu.memory_space<vmem>> -> memref<1x128xf32, #tpu.memory_space<vmem>>
    %dma_start3A_104 = tpu.memref_squeeze %dma_start3A_103 : memref<1x128xf32, #tpu.memory_space<vmem>> -> memref<128xf32, #tpu.memory_space<vmem>>
    %dma_start3A_105 = tpu.memref_slice %arg5[%add3A_82] : memref<602112xf32, #tpu.memory_space<hbm>> -> memref<128xf32, #tpu.memory_space<hbm>>
    %dma_start3A_106 = arith.constant 0 : i32
    %dma_start3A_107 = tpu.memref_slice %arg9[%dma_start3A_101, %dma_start3A_106] : memref<3x128xf32, #tpu.memory_space<vmem>> -> memref<1x128xf32, #tpu.memory_space<vmem>>
    %dma_start3A_108 = tpu.memref_squeeze %dma_start3A_107 : memref<1x128xf32, #tpu.memory_space<vmem>> -> memref<128xf32, #tpu.memory_space<vmem>>
    %dma_start3A_109 = tpu.memref_slice %arg5[%add3A_82] : memref<602112xf32, #tpu.memory_space<hbm>> -> memref<128xf32, #tpu.memory_space<hbm>>
    tpu.enqueue_dma source(%dma_start3A_109 : memref<128xf32, #tpu.memory_space<hbm>>) target(%dma_start3A_108 : memref<128xf32, #tpu.memory_space<vmem>>) target_semaphore(%arg17 : memref<!tpu.dma_semaphore, #tpu.memory_space<semaphore_mem>>)
    %dma_wait3A = arith.constant 0 : i32
    %dma_wait3A_110 = arith.constant 0 : i32
    %dma_wait3A_111 = tpu.memref_slice %arg7[%dma_wait3A, %dma_wait3A_110] : memref<3x128xi32, #tpu.memory_space<vmem>> -> memref<1x128xi32, #tpu.memory_space<vmem>>
    %dma_wait3A_112 = tpu.memref_squeeze %dma_wait3A_111 : memref<1x128xi32, #tpu.memory_space<vmem>> -> memref<128xi32, #tpu.memory_space<vmem>>
    %dma_wait3A_113 = arith.constant 0 : i32
    %dma_wait3A_114 = tpu.memref_slice %arg3[%dma_wait3A_113] : memref<602112xi32, #tpu.memory_space<hbm>> -> memref<128xi32, #tpu.memory_space<hbm>>
    %dma_wait3A_115 = arith.constant 0 : i32
    %dma_wait3A_116 = tpu.memref_slice %arg7[%dma_wait3A, %dma_wait3A_115] : memref<3x128xi32, #tpu.memory_space<vmem>> -> memref<1x128xi32, #tpu.memory_space<vmem>>
    %dma_wait3A_117 = tpu.memref_squeeze %dma_wait3A_116 : memref<1x128xi32, #tpu.memory_space<vmem>> -> memref<128xi32, #tpu.memory_space<vmem>>
    %dma_wait3A_118 = arith.constant 0 : i32
    %dma_wait3A_119 = tpu.memref_slice %arg3[%dma_wait3A_118] : memref<602112xi32, #tpu.memory_space<hbm>> -> memref<128xi32, #tpu.memory_space<hbm>>
    tpu.wait_dma2 semaphore(%arg15 : memref<!tpu.dma_semaphore, #tpu.memory_space<semaphore_mem>>) src(%dma_wait3A_119 : memref<128xi32, #tpu.memory_space<hbm>>) dst(%dma_wait3A_117 : memref<128xi32, #tpu.memory_space<vmem>>)
    %dma_wait3A_120 = arith.constant 0 : i32
    %dma_wait3A_121 = arith.constant 0 : i32
    %dma_wait3A_122 = tpu.memref_slice %arg8[%dma_wait3A_120, %dma_wait3A_121] : memref<3x128xi32, #tpu.memory_space<vmem>> -> memref<1x128xi32, #tpu.memory_space<vmem>>
    %dma_wait3A_123 = tpu.memref_squeeze %dma_wait3A_122 : memref<1x128xi32, #tpu.memory_space<vmem>> -> memref<128xi32, #tpu.memory_space<vmem>>
    %dma_wait3A_124 = arith.constant 0 : i32
    %dma_wait3A_125 = tpu.memref_slice %arg4[%dma_wait3A_124] : memref<602112xi32, #tpu.memory_space<hbm>> -> memref<128xi32, #tpu.memory_space<hbm>>
    %dma_wait3A_126 = arith.constant 0 : i32
    %dma_wait3A_127 = tpu.memref_slice %arg8[%dma_wait3A_120, %dma_wait3A_126] : memref<3x128xi32, #tpu.memory_space<vmem>> -> memref<1x128xi32, #tpu.memory_space<vmem>>
    %dma_wait3A_128 = tpu.memref_squeeze %dma_wait3A_127 : memref<1x128xi32, #tpu.memory_space<vmem>> -> memref<128xi32, #tpu.memory_space<vmem>>
    %dma_wait3A_129 = arith.constant 0 : i32
    %dma_wait3A_130 = tpu.memref_slice %arg4[%dma_wait3A_129] : memref<602112xi32, #tpu.memory_space<hbm>> -> memref<128xi32, #tpu.memory_space<hbm>>
    tpu.wait_dma2 semaphore(%arg15 : memref<!tpu.dma_semaphore, #tpu.memory_space<semaphore_mem>>) src(%dma_wait3A_130 : memref<128xi32, #tpu.memory_space<hbm>>) dst(%dma_wait3A_128 : memref<128xi32, #tpu.memory_space<vmem>>)
    %dma_wait3A_131 = arith.constant 0 : i32
    %dma_wait3A_132 = arith.constant 0 : i32
    %dma_wait3A_133 = tpu.memref_slice %arg9[%dma_wait3A_131, %dma_wait3A_132] : memref<3x128xf32, #tpu.memory_space<vmem>> -> memref<1x128xf32, #tpu.memory_space<vmem>>
    %dma_wait3A_134 = tpu.memref_squeeze %dma_wait3A_133 : memref<1x128xf32, #tpu.memory_space<vmem>> -> memref<128xf32, #tpu.memory_space<vmem>>
    %dma_wait3A_135 = arith.constant 0 : i32
    %dma_wait3A_136 = tpu.memref_slice %arg5[%dma_wait3A_135] : memref<602112xf32, #tpu.memory_space<hbm>> -> memref<128xf32, #tpu.memory_space<hbm>>
    %dma_wait3A_137 = arith.constant 0 : i32
    %dma_wait3A_138 = tpu.memref_slice %arg9[%dma_wait3A_131, %dma_wait3A_137] : memref<3x128xf32, #tpu.memory_space<vmem>> -> memref<1x128xf32, #tpu.memory_space<vmem>>
    %dma_wait3A_139 = tpu.memref_squeeze %dma_wait3A_138 : memref<1x128xf32, #tpu.memory_space<vmem>> -> memref<128xf32, #tpu.memory_space<vmem>>
    %dma_wait3A_140 = arith.constant 0 : i32
    %dma_wait3A_141 = tpu.memref_slice %arg5[%dma_wait3A_140] : memref<602112xf32, #tpu.memory_space<hbm>> -> memref<128xf32, #tpu.memory_space<hbm>>
    tpu.wait_dma2 semaphore(%arg15 : memref<!tpu.dma_semaphore, #tpu.memory_space<semaphore_mem>>) src(%dma_wait3A_141 : memref<128xf32, #tpu.memory_space<hbm>>) dst(%dma_wait3A_139 : memref<128xf32, #tpu.memory_space<vmem>>)
    %dma_start3A_142 = arith.constant 0 : i32
    %dma_start3A_143 = arith.constant 0 : i32
    %dma_start3A_144 = arith.constant 0 : i32
    %dma_start3A_145 = arith.constant 0 : i32
    %dma_start3A_146 = tpu.memref_slice %arg11[%dma_start3A_143, %dma_start3A_144, %dma_start3A_145] : memref<3x128x16xf32, #tpu.memory_space<vmem>> -> memref<1x128x16xf32, #tpu.memory_space<vmem>>
    %dma_start3A_147 = tpu.memref_squeeze %dma_start3A_146 : memref<1x128x16xf32, #tpu.memory_space<vmem>> -> memref<128x16xf32, #tpu.memory_space<vmem>>
    %dma_start3A_148 = arith.constant 0 : i32
    %dma_start3A_149 = tpu.memref_slice %arg8[%dma_start3A_142, %dma_start3A_148] : memref<3x128xi32, #tpu.memory_space<vmem>> -> memref<1x128xi32, #tpu.memory_space<vmem>>
    %dma_start3A_150 = tpu.memref_squeeze %dma_start3A_149 : memref<1x128xi32, #tpu.memory_space<vmem>> -> memref<128xi32, #tpu.memory_space<vmem>>
    %dma_start3A_151 = arith.constant 0 : i32
    %dma_start3A_152 = arith.constant 0 : i32
    %dma_start3A_153 = tpu.memref_slice %arg2[%dma_start3A_151, %dma_start3A_152] : memref<786432x16xf32, #tpu.memory_space<hbm>> -> memref<786432x16xf32, #tpu.memory_space<hbm>>
    tpu.enqueue_indirect_dma source(%dma_start3A_153 : memref<786432x16xf32, #tpu.memory_space<hbm>>) target(%dma_start3A_147 : memref<128x16xf32, #tpu.memory_space<vmem>>) offsets(%dma_start3A_150 : memref<128xi32, #tpu.memory_space<vmem>>) semaphore(%arg18 : memref<!tpu.dma_semaphore, #tpu.memory_space<semaphore_mem>>)
    %dma_wait3A_154 = arith.constant 1 : i32
    %dma_wait3A_155 = arith.constant 0 : i32
    %dma_wait3A_156 = tpu.memref_slice %arg7[%dma_wait3A_154, %dma_wait3A_155] : memref<3x128xi32, #tpu.memory_space<vmem>> -> memref<1x128xi32, #tpu.memory_space<vmem>>
    %dma_wait3A_157 = tpu.memref_squeeze %dma_wait3A_156 : memref<1x128xi32, #tpu.memory_space<vmem>> -> memref<128xi32, #tpu.memory_space<vmem>>
    %dma_wait3A_158 = arith.constant 0 : i32
    %dma_wait3A_159 = tpu.memref_slice %arg3[%dma_wait3A_158] : memref<602112xi32, #tpu.memory_space<hbm>> -> memref<128xi32, #tpu.memory_space<hbm>>
    %dma_wait3A_160 = arith.constant 0 : i32
    %dma_wait3A_161 = tpu.memref_slice %arg7[%dma_wait3A_154, %dma_wait3A_160] : memref<3x128xi32, #tpu.memory_space<vmem>> -> memref<1x128xi32, #tpu.memory_space<vmem>>
    %dma_wait3A_162 = tpu.memref_squeeze %dma_wait3A_161 : memref<1x128xi32, #tpu.memory_space<vmem>> -> memref<128xi32, #tpu.memory_space<vmem>>
    %dma_wait3A_163 = arith.constant 0 : i32
    %dma_wait3A_164 = tpu.memref_slice %arg3[%dma_wait3A_163] : memref<602112xi32, #tpu.memory_space<hbm>> -> memref<128xi32, #tpu.memory_space<hbm>>
    tpu.wait_dma2 semaphore(%arg16 : memref<!tpu.dma_semaphore, #tpu.memory_space<semaphore_mem>>) src(%dma_wait3A_164 : memref<128xi32, #tpu.memory_space<hbm>>) dst(%dma_wait3A_162 : memref<128xi32, #tpu.memory_space<vmem>>)
    %dma_wait3A_165 = arith.constant 1 : i32
    %dma_wait3A_166 = arith.constant 0 : i32
    %dma_wait3A_167 = tpu.memref_slice %arg8[%dma_wait3A_165, %dma_wait3A_166] : memref<3x128xi32, #tpu.memory_space<vmem>> -> memref<1x128xi32, #tpu.memory_space<vmem>>
    %dma_wait3A_168 = tpu.memref_squeeze %dma_wait3A_167 : memref<1x128xi32, #tpu.memory_space<vmem>> -> memref<128xi32, #tpu.memory_space<vmem>>
    %dma_wait3A_169 = arith.constant 0 : i32
    %dma_wait3A_170 = tpu.memref_slice %arg4[%dma_wait3A_169] : memref<602112xi32, #tpu.memory_space<hbm>> -> memref<128xi32, #tpu.memory_space<hbm>>
    %dma_wait3A_171 = arith.constant 0 : i32
    %dma_wait3A_172 = tpu.memref_slice %arg8[%dma_wait3A_165, %dma_wait3A_171] : memref<3x128xi32, #tpu.memory_space<vmem>> -> memref<1x128xi32, #tpu.memory_space<vmem>>
    %dma_wait3A_173 = tpu.memref_squeeze %dma_wait3A_172 : memref<1x128xi32, #tpu.memory_space<vmem>> -> memref<128xi32, #tpu.memory_space<vmem>>
    %dma_wait3A_174 = arith.constant 0 : i32
    %dma_wait3A_175 = tpu.memref_slice %arg4[%dma_wait3A_174] : memref<602112xi32, #tpu.memory_space<hbm>> -> memref<128xi32, #tpu.memory_space<hbm>>
    tpu.wait_dma2 semaphore(%arg16 : memref<!tpu.dma_semaphore, #tpu.memory_space<semaphore_mem>>) src(%dma_wait3A_175 : memref<128xi32, #tpu.memory_space<hbm>>) dst(%dma_wait3A_173 : memref<128xi32, #tpu.memory_space<vmem>>)
    %dma_wait3A_176 = arith.constant 1 : i32
    %dma_wait3A_177 = arith.constant 0 : i32
    %dma_wait3A_178 = tpu.memref_slice %arg9[%dma_wait3A_176, %dma_wait3A_177] : memref<3x128xf32, #tpu.memory_space<vmem>> -> memref<1x128xf32, #tpu.memory_space<vmem>>
    %dma_wait3A_179 = tpu.memref_squeeze %dma_wait3A_178 : memref<1x128xf32, #tpu.memory_space<vmem>> -> memref<128xf32, #tpu.memory_space<vmem>>
    %dma_wait3A_180 = arith.constant 0 : i32
    %dma_wait3A_181 = tpu.memref_slice %arg5[%dma_wait3A_180] : memref<602112xf32, #tpu.memory_space<hbm>> -> memref<128xf32, #tpu.memory_space<hbm>>
    %dma_wait3A_182 = arith.constant 0 : i32
    %dma_wait3A_183 = tpu.memref_slice %arg9[%dma_wait3A_176, %dma_wait3A_182] : memref<3x128xf32, #tpu.memory_space<vmem>> -> memref<1x128xf32, #tpu.memory_space<vmem>>
    %dma_wait3A_184 = tpu.memref_squeeze %dma_wait3A_183 : memref<1x128xf32, #tpu.memory_space<vmem>> -> memref<128xf32, #tpu.memory_space<vmem>>
    %dma_wait3A_185 = arith.constant 0 : i32
    %dma_wait3A_186 = tpu.memref_slice %arg5[%dma_wait3A_185] : memref<602112xf32, #tpu.memory_space<hbm>> -> memref<128xf32, #tpu.memory_space<hbm>>
    tpu.wait_dma2 semaphore(%arg16 : memref<!tpu.dma_semaphore, #tpu.memory_space<semaphore_mem>>) src(%dma_wait3A_186 : memref<128xf32, #tpu.memory_space<hbm>>) dst(%dma_wait3A_184 : memref<128xf32, #tpu.memory_space<vmem>>)
    %dma_start3A_187 = arith.constant 1 : i32
    %dma_start3A_188 = arith.constant 1 : i32
    %dma_start3A_189 = arith.constant 0 : i32
    %dma_start3A_190 = arith.constant 0 : i32
    %dma_start3A_191 = tpu.memref_slice %arg11[%dma_start3A_188, %dma_start3A_189, %dma_start3A_190] : memref<3x128x16xf32, #tpu.memory_space<vmem>> -> memref<1x128x16xf32, #tpu.memory_space<vmem>>
    %dma_start3A_192 = tpu.memref_squeeze %dma_start3A_191 : memref<1x128x16xf32, #tpu.memory_space<vmem>> -> memref<128x16xf32, #tpu.memory_space<vmem>>
    %dma_start3A_193 = arith.constant 0 : i32
    %dma_start3A_194 = tpu.memref_slice %arg8[%dma_start3A_187, %dma_start3A_193] : memref<3x128xi32, #tpu.memory_space<vmem>> -> memref<1x128xi32, #tpu.memory_space<vmem>>
    %dma_start3A_195 = tpu.memref_squeeze %dma_start3A_194 : memref<1x128xi32, #tpu.memory_space<vmem>> -> memref<128xi32, #tpu.memory_space<vmem>>
    %dma_start3A_196 = arith.constant 0 : i32
    %dma_start3A_197 = arith.constant 0 : i32
    %dma_start3A_198 = tpu.memref_slice %arg2[%dma_start3A_196, %dma_start3A_197] : memref<786432x16xf32, #tpu.memory_space<hbm>> -> memref<786432x16xf32, #tpu.memory_space<hbm>>
    tpu.enqueue_indirect_dma source(%dma_start3A_198 : memref<786432x16xf32, #tpu.memory_space<hbm>>) target(%dma_start3A_192 : memref<128x16xf32, #tpu.memory_space<vmem>>) offsets(%dma_start3A_195 : memref<128xi32, #tpu.memory_space<vmem>>) semaphore(%arg19 : memref<!tpu.dma_semaphore, #tpu.memory_space<semaphore_mem>>)
    %scan3A_199 = arith.constant 0 : i32
    %scan3A_200 = arith.constant 98 : i32
    %scan3A_201 = arith.addi %scan3A_199, %scan3A_200 : i32
    %scan3A_202 = arith.constant 1 : i32
    scf.for %scan3A_255 = %scan3A_199 to %scan3A_201 step %scan3A_202  : i32 {
      %mul3A_256 = arith.constant 1 : i32
      %mul3A_257 = arith.muli %scan3A_255, %mul3A_256 : i32
      %add3A_258 = arith.constant 0 : i32
      %add3A_259 = arith.addi %add3A_258, %mul3A_257 : i32
      %mul3A_260 = arith.constant 3 : i32
      %mul3A_261 = arith.muli %add3A_259, %mul3A_260 : i32
      %add3A_262 = arith.constant 0 : i32
      %add3A_263 = arith.addi %mul3A_261, %add3A_262 : i32
      %dma_wait3A_264 = arith.constant 0 : i32
      %dma_wait3A_265 = arith.constant 0 : i32
      %dma_wait3A_266 = arith.constant 0 : i32
      %dma_wait3A_267 = tpu.memref_slice %arg11[%dma_wait3A_264, %dma_wait3A_265, %dma_wait3A_266] : memref<3x128x16xf32, #tpu.memory_space<vmem>> -> memref<1x128x16xf32, #tpu.memory_space<vmem>>
      %dma_wait3A_268 = tpu.memref_squeeze %dma_wait3A_267 : memref<1x128x16xf32, #tpu.memory_space<vmem>> -> memref<128x16xf32, #tpu.memory_space<vmem>>
      %dma_wait3A_269 = arith.constant 0 : i32
      %dma_wait3A_270 = arith.constant 0 : i32
      %dma_wait3A_271 = tpu.memref_slice %arg2[%dma_wait3A_269, %dma_wait3A_270] : memref<786432x16xf32, #tpu.memory_space<hbm>> -> memref<128x16xf32, #tpu.memory_space<hbm>>
      %dma_wait3A_272 = arith.constant 0 : i32
      %dma_wait3A_273 = arith.constant 0 : i32
      %dma_wait3A_274 = tpu.memref_slice %arg11[%dma_wait3A_264, %dma_wait3A_272, %dma_wait3A_273] : memref<3x128x16xf32, #tpu.memory_space<vmem>> -> memref<1x128x16xf32, #tpu.memory_space<vmem>>
      %dma_wait3A_275 = tpu.memref_squeeze %dma_wait3A_274 : memref<1x128x16xf32, #tpu.memory_space<vmem>> -> memref<128x16xf32, #tpu.memory_space<vmem>>
      %dma_wait3A_276 = arith.constant 0 : i32
      %dma_wait3A_277 = arith.constant 0 : i32
      %dma_wait3A_278 = tpu.memref_slice %arg2[%dma_wait3A_276, %dma_wait3A_277] : memref<786432x16xf32, #tpu.memory_space<hbm>> -> memref<128x16xf32, #tpu.memory_space<hbm>>
      tpu.wait_dma2 semaphore(%arg18 : memref<!tpu.dma_semaphore, #tpu.memory_space<semaphore_mem>>) src(%dma_wait3A_278 : memref<128x16xf32, #tpu.memory_space<hbm>>) dst(%dma_wait3A_275 : memref<128x16xf32, #tpu.memory_space<vmem>>)
      %gt3A = arith.constant 0 : i32
      %gt3A_279 = arith.cmpi sgt, %add3A_259, %gt3A : i32
      %convert_element_type3A_280 = arith.extui %gt3A_279 : i1 to i32
      %cond3A_281 = arith.constant 0 : i32
      %cond3A_282 = arith.cmpi ne, %convert_element_type3A_280, %cond3A_281 : i32
      scf.if %cond3A_282 {
        %dma_wait3A_967 = arith.constant 0 : i32
        %dma_wait3A_968 = arith.constant 0 : i32
        %dma_wait3A_969 = arith.constant 0 : i32
        %dma_wait3A_970 = tpu.memref_slice %arg12[%dma_wait3A_967, %dma_wait3A_968, %dma_wait3A_969] : memref<3x128x16xf32, #tpu.memory_space<vmem>> -> memref<1x128x16xf32, #tpu.memory_space<vmem>>
        %dma_wait3A_971 = tpu.memref_squeeze %dma_wait3A_970 : memref<1x128x16xf32, #tpu.memory_space<vmem>> -> memref<128x16xf32, #tpu.memory_space<vmem>>
        %dma_wait3A_972 = arith.constant 0 : i32
        %dma_wait3A_973 = arith.constant 0 : i32
        %dma_wait3A_974 = tpu.memref_slice %arg14[%dma_wait3A_972, %dma_wait3A_973] : memref<75272x16xf32, #tpu.memory_space<vmem_shared>> -> memref<128x16xf32, #tpu.memory_space<vmem_shared>>
        %dma_wait3A_975 = arith.constant 0 : i32
        %dma_wait3A_976 = arith.constant 0 : i32
        %dma_wait3A_977 = tpu.memref_slice %arg14[%dma_wait3A_975, %dma_wait3A_976] : memref<75272x16xf32, #tpu.memory_space<vmem_shared>> -> memref<128x16xf32, #tpu.memory_space<vmem_shared>>
        %dma_wait3A_978 = arith.constant 0 : i32
        %dma_wait3A_979 = arith.constant 0 : i32
        %dma_wait3A_980 = tpu.memref_slice %arg12[%dma_wait3A_967, %dma_wait3A_978, %dma_wait3A_979] : memref<3x128x16xf32, #tpu.memory_space<vmem>> -> memref<1x128x16xf32, #tpu.memory_space<vmem>>
        %dma_wait3A_981 = tpu.memref_squeeze %dma_wait3A_980 : memref<1x128x16xf32, #tpu.memory_space<vmem>> -> memref<128x16xf32, #tpu.memory_space<vmem>>
        tpu.wait_dma2 semaphore(%arg21 : memref<!tpu.dma_semaphore, #tpu.memory_space<semaphore_mem>>) src(%dma_wait3A_981 : memref<128x16xf32, #tpu.memory_space<vmem>>) dst(%dma_wait3A_977 : memref<128x16xf32, #tpu.memory_space<vmem_shared>>)
      } else {
      }
      %get3A = arith.constant 0 : i32
      %get3A_283 = arith.index_cast %get3A : i32 to index
      %get3A_284 = arith.constant 0 : index
      %get3A_285 = tpu.vector_load %arg7[%get3A_283, %get3A_284] {strides = array<i32>} : memref<3x128xi32, #tpu.memory_space<vmem>>, vector<1x16xi32>,
      %get3A_286 = vector.shape_cast %get3A_285 : vector<1x16xi32> to vector<16xi32>
      %sub3A = vector.broadcast %mul3A_2 : i32 to vector<16xi32>
      %sub3A_287 = arith.subi %get3A_286, %sub3A : vector<16xi32>
      %ge3A = arith.constant 0 : i32
      %ge3A_288 = vector.broadcast %ge3A : i32 to vector<16xi32>
      %ge3A_289 = arith.cmpi sge, %sub3A_287, %ge3A_288 : vector<16xi32>
      %lt3A = arith.constant 75264 : i32
      %lt3A_290 = vector.broadcast %lt3A : i32 to vector<16xi32>
      %lt3A_291 = arith.cmpi slt, %sub3A_287, %lt3A_290 : vector<16xi32>
      %and3A = arith.andi %ge3A_289, %lt3A_291 : vector<16xi1>
      %jit3A = arith.constant 75264 : i32
      %broadcast_in_dim3A = vector.broadcast %jit3A : i32 to vector<16xi32>
      %select_n3A = arith.select %and3A, %sub3A_287, %broadcast_in_dim3A : vector<16xi1>, vector<16xi32>
      %swap3A = arith.constant 0 : i32
      %swap3A_292 = arith.index_cast %swap3A : i32 to index
      %swap3A_293 = arith.constant 0 : index
      %swap3A_294 = tpu.vector_load %arg10[%swap3A_292, %swap3A_293] {strides = array<i32>} : memref<3x128xi32, #tpu.memory_space<vmem>>, vector<1x16xi32>,
      %swap3A_295 = vector.shape_cast %swap3A_294 : vector<1x16xi32> to vector<16xi32>
      %swap3A_296 = vector.shape_cast %select_n3A : vector<16xi32> to vector<1x16xi32>
      tpu.vector_store %arg10[%swap3A_292, %swap3A_293], %swap3A_296 {strides = array<i32>} : memref<3x128xi32, #tpu.memory_space<vmem>>, vector<1x16xi32>,
      %get3A_297 = arith.constant 0 : i32
      %get3A_298 = arith.index_cast %get3A_297 : i32 to index
      %get3A_299 = arith.constant 16 : index
      %get3A_300 = tpu.vector_load %arg7[%get3A_298, %get3A_299] {strides = array<i32>} : memref<3x128xi32, #tpu.memory_space<vmem>>, vector<1x16xi32>,
      %get3A_301 = vector.shape_cast %get3A_300 : vector<1x16xi32> to vector<16xi32>
      %sub3A_302 = vector.broadcast %mul3A_2 : i32 to vector<16xi32>
      %sub3A_303 = arith.subi %get3A_301, %sub3A_302 : vector<16xi32>
      %ge3A_304 = arith.constant 0 : i32
      %ge3A_305 = vector.broadcast %ge3A_304 : i32 to vector<16xi32>
      %ge3A_306 = arith.cmpi sge, %sub3A_303, %ge3A_305 : vector<16xi32>
      %lt3A_307 = arith.constant 75264 : i32
      %lt3A_308 = vector.broadcast %lt3A_307 : i32 to vector<16xi32>
      %lt3A_309 = arith.cmpi slt, %sub3A_303, %lt3A_308 : vector<16xi32>
      %and3A_310 = arith.andi %ge3A_306, %lt3A_309 : vector<16xi1>
      %jit3A_311 = arith.constant 75264 : i32
      %broadcast_in_dim3A_312 = vector.broadcast %jit3A_311 : i32 to vector<16xi32>
      %select_n3A_313 = arith.select %and3A_310, %sub3A_303, %broadcast_in_dim3A_312 : vector<16xi1>, vector<16xi32>
      %swap3A_314 = arith.constant 0 : i32
      %swap3A_315 = arith.index_cast %swap3A_314 : i32 to index
      %swap3A_316 = arith.constant 16 : index
      %swap3A_317 = tpu.vector_load %arg10[%swap3A_315, %swap3A_316] {strides = array<i32>} : memref<3x128xi32, #tpu.memory_space<vmem>>, vector<1x16xi32>,
      %swap3A_318 = vector.shape_cast %swap3A_317 : vector<1x16xi32> to vector<16xi32>
      %swap3A_319 = vector.shape_cast %select_n3A_313 : vector<16xi32> to vector<1x16xi32>
      tpu.vector_store %arg10[%swap3A_315, %swap3A_316], %swap3A_319 {strides = array<i32>} : memref<3x128xi32, #tpu.memory_space<vmem>>, vector<1x16xi32>,
      %get3A_320 = arith.constant 0 : i32
      %get3A_321 = arith.index_cast %get3A_320 : i32 to index
      %get3A_322 = arith.constant 32 : index
      %get3A_323 = tpu.vector_load %arg7[%get3A_321, %get3A_322] {strides = array<i32>} : memref<3x128xi32, #tpu.memory_space<vmem>>, vector<1x16xi32>,
      %get3A_324 = vector.shape_cast %get3A_323 : vector<1x16xi32> to vector<16xi32>
      %sub3A_325 = vector.broadcast %mul3A_2 : i32 to vector<16xi32>
      %sub3A_326 = arith.subi %get3A_324, %sub3A_325 : vector<16xi32>
      %ge3A_327 = arith.constant 0 : i32
      %ge3A_328 = vector.broadcast %ge3A_327 : i32 to vector<16xi32>
      %ge3A_329 = arith.cmpi sge, %sub3A_326, %ge3A_328 : vector<16xi32>
      %lt3A_330 = arith.constant 75264 : i32
      %lt3A_331 = vector.broadcast %lt3A_330 : i32 to vector<16xi32>
      %lt3A_332 = arith.cmpi slt, %sub3A_326, %lt3A_331 : vector<16xi32>
      %and3A_333 = arith.andi %ge3A_329, %lt3A_332 : vector<16xi1>
      %jit3A_334 = arith.constant 75264 : i32
      %broadcast_in_dim3A_335 = vector.broadcast %jit3A_334 : i32 to vector<16xi32>
      %select_n3A_336 = arith.select %and3A_333, %sub3A_326, %broadcast_in_dim3A_335 : vector<16xi1>, vector<16xi32>
      %swap3A_337 = arith.constant 0 : i32
      %swap3A_338 = arith.index_cast %swap3A_337 : i32 to index
      %swap3A_339 = arith.constant 32 : index
      %swap3A_340 = tpu.vector_load %arg10[%swap3A_338, %swap3A_339] {strides = array<i32>} : memref<3x128xi32, #tpu.memory_space<vmem>>, vector<1x16xi32>,
      %swap3A_341 = vector.shape_cast %swap3A_340 : vector<1x16xi32> to vector<16xi32>
      %swap3A_342 = vector.shape_cast %select_n3A_336 : vector<16xi32> to vector<1x16xi32>
      tpu.vector_store %arg10[%swap3A_338, %swap3A_339], %swap3A_342 {strides = array<i32>} : memref<3x128xi32, #tpu.memory_space<vmem>>, vector<1x16xi32>,
      %get3A_343 = arith.constant 0 : i32
      %get3A_344 = arith.index_cast %get3A_343 : i32 to index
      %get3A_345 = arith.constant 48 : index
      %get3A_346 = tpu.vector_load %arg7[%get3A_344, %get3A_345] {strides = array<i32>} : memref<3x128xi32, #tpu.memory_space<vmem>>, vector<1x16xi32>,
      %get3A_347 = vector.shape_cast %get3A_346 : vector<1x16xi32> to vector<16xi32>
      %sub3A_348 = vector.broadcast %mul3A_2 : i32 to vector<16xi32>
      %sub3A_349 = arith.subi %get3A_347, %sub3A_348 : vector<16xi32>
      %ge3A_350 = arith.constant 0 : i32
      %ge3A_351 = vector.broadcast %ge3A_350 : i32 to vector<16xi32>
      %ge3A_352 = arith.cmpi sge, %sub3A_349, %ge3A_351 : vector<16xi32>
      %lt3A_353 = arith.constant 75264 : i32
      %lt3A_354 = vector.broadcast %lt3A_353 : i32 to vector<16xi32>
      %lt3A_355 = arith.cmpi slt, %sub3A_349, %lt3A_354 : vector<16xi32>
      %and3A_356 = arith.andi %ge3A_352, %lt3A_355 : vector<16xi1>
      %jit3A_357 = arith.constant 75264 : i32
      %broadcast_in_dim3A_358 = vector.broadcast %jit3A_357 : i32 to vector<16xi32>
      %select_n3A_359 = arith.select %and3A_356, %sub3A_349, %broadcast_in_dim3A_358 : vector<16xi1>, vector<16xi32>
      %swap3A_360 = arith.constant 0 : i32
      %swap3A_361 = arith.index_cast %swap3A_360 : i32 to index
      %swap3A_362 = arith.constant 48 : index
      %swap3A_363 = tpu.vector_load %arg10[%swap3A_361, %swap3A_362] {strides = array<i32>} : memref<3x128xi32, #tpu.memory_space<vmem>>, vector<1x16xi32>,
      %swap3A_364 = vector.shape_cast %swap3A_363 : vector<1x16xi32> to vector<16xi32>
      %swap3A_365 = vector.shape_cast %select_n3A_359 : vector<16xi32> to vector<1x16xi32>
      tpu.vector_store %arg10[%swap3A_361, %swap3A_362], %swap3A_365 {strides = array<i32>} : memref<3x128xi32, #tpu.memory_space<vmem>>, vector<1x16xi32>,
      %get3A_366 = arith.constant 0 : i32
      %get3A_367 = arith.index_cast %get3A_366 : i32 to index
      %get3A_368 = arith.constant 64 : index
      %get3A_369 = tpu.vector_load %arg7[%get3A_367, %get3A_368] {strides = array<i32>} : memref<3x128xi32, #tpu.memory_space<vmem>>, vector<1x16xi32>,
      %get3A_370 = vector.shape_cast %get3A_369 : vector<1x16xi32> to vector<16xi32>
      %sub3A_371 = vector.broadcast %mul3A_2 : i32 to vector<16xi32>
      %sub3A_372 = arith.subi %get3A_370, %sub3A_371 : vector<16xi32>
      %ge3A_373 = arith.constant 0 : i32
      %ge3A_374 = vector.broadcast %ge3A_373 : i32 to vector<16xi32>
      %ge3A_375 = arith.cmpi sge, %sub3A_372, %ge3A_374 : vector<16xi32>
      %lt3A_376 = arith.constant 75264 : i32
      %lt3A_377 = vector.broadcast %lt3A_376 : i32 to vector<16xi32>
      %lt3A_378 = arith.cmpi slt, %sub3A_372, %lt3A_377 : vector<16xi32>
      %and3A_379 = arith.andi %ge3A_375, %lt3A_378 : vector<16xi1>
      %jit3A_380 = arith.constant 75264 : i32
      %broadcast_in_dim3A_381 = vector.broadcast %jit3A_380 : i32 to vector<16xi32>
      %select_n3A_382 = arith.select %and3A_379, %sub3A_372, %broadcast_in_dim3A_381 : vector<16xi1>, vector<16xi32>
      %swap3A_383 = arith.constant 0 : i32
      %swap3A_384 = arith.index_cast %swap3A_383 : i32 to index
      %swap3A_385 = arith.constant 64 : index
      %swap3A_386 = tpu.vector_load %arg10[%swap3A_384, %swap3A_385] {strides = array<i32>} : memref<3x128xi32, #tpu.memory_space<vmem>>, vector<1x16xi32>,
      %swap3A_387 = vector.shape_cast %swap3A_386 : vector<1x16xi32> to vector<16xi32>
      %swap3A_388 = vector.shape_cast %select_n3A_382 : vector<16xi32> to vector<1x16xi32>
      tpu.vector_store %arg10[%swap3A_384, %swap3A_385], %swap3A_388 {strides = array<i32>} : memref<3x128xi32, #tpu.memory_space<vmem>>, vector<1x16xi32>,
      %get3A_389 = arith.constant 0 : i32
      %get3A_390 = arith.index_cast %get3A_389 : i32 to index
      %get3A_391 = arith.constant 80 : index
      %get3A_392 = tpu.vector_load %arg7[%get3A_390, %get3A_391] {strides = array<i32>} : memref<3x128xi32, #tpu.memory_space<vmem>>, vector<1x16xi32>,
      %get3A_393 = vector.shape_cast %get3A_392 : vector<1x16xi32> to vector<16xi32>
      %sub3A_394 = vector.broadcast %mul3A_2 : i32 to vector<16xi32>
      %sub3A_395 = arith.subi %get3A_393, %sub3A_394 : vector<16xi32>
      %ge3A_396 = arith.constant 0 : i32
      %ge3A_397 = vector.broadcast %ge3A_396 : i32 to vector<16xi32>
      %ge3A_398 = arith.cmpi sge, %sub3A_395, %ge3A_397 : vector<16xi32>
      %lt3A_399 = arith.constant 75264 : i32
      %lt3A_400 = vector.broadcast %lt3A_399 : i32 to vector<16xi32>
      %lt3A_401 = arith.cmpi slt, %sub3A_395, %lt3A_400 : vector<16xi32>
      %and3A_402 = arith.andi %ge3A_398, %lt3A_401 : vector<16xi1>
      %jit3A_403 = arith.constant 75264 : i32
      %broadcast_in_dim3A_404 = vector.broadcast %jit3A_403 : i32 to vector<16xi32>
      %select_n3A_405 = arith.select %and3A_402, %sub3A_395, %broadcast_in_dim3A_404 : vector<16xi1>, vector<16xi32>
      %swap3A_406 = arith.constant 0 : i32
      %swap3A_407 = arith.index_cast %swap3A_406 : i32 to index
      %swap3A_408 = arith.constant 80 : index
      %swap3A_409 = tpu.vector_load %arg10[%swap3A_407, %swap3A_408] {strides = array<i32>} : memref<3x128xi32, #tpu.memory_space<vmem>>, vector<1x16xi32>,
      %swap3A_410 = vector.shape_cast %swap3A_409 : vector<1x16xi32> to vector<16xi32>
      %swap3A_411 = vector.shape_cast %select_n3A_405 : vector<16xi32> to vector<1x16xi32>
      tpu.vector_store %arg10[%swap3A_407, %swap3A_408], %swap3A_411 {strides = array<i32>} : memref<3x128xi32, #tpu.memory_space<vmem>>, vector<1x16xi32>,
      %get3A_412 = arith.constant 0 : i32
      %get3A_413 = arith.index_cast %get3A_412 : i32 to index
      %get3A_414 = arith.constant 96 : index
      %get3A_415 = tpu.vector_load %arg7[%get3A_413, %get3A_414] {strides = array<i32>} : memref<3x128xi32, #tpu.memory_space<vmem>>, vector<1x16xi32>,
      %get3A_416 = vector.shape_cast %get3A_415 : vector<1x16xi32> to vector<16xi32>
      %sub3A_417 = vector.broadcast %mul3A_2 : i32 to vector<16xi32>
      %sub3A_418 = arith.subi %get3A_416, %sub3A_417 : vector<16xi32>
      %ge3A_419 = arith.constant 0 : i32
      %ge3A_420 = vector.broadcast %ge3A_419 : i32 to vector<16xi32>
      %ge3A_421 = arith.cmpi sge, %sub3A_418, %ge3A_420 : vector<16xi32>
      %lt3A_422 = arith.constant 75264 : i32
      %lt3A_423 = vector.broadcast %lt3A_422 : i32 to vector<16xi32>
      %lt3A_424 = arith.cmpi slt, %sub3A_418, %lt3A_423 : vector<16xi32>
      %and3A_425 = arith.andi %ge3A_421, %lt3A_424 : vector<16xi1>
      %jit3A_426 = arith.constant 75264 : i32
      %broadcast_in_dim3A_427 = vector.broadcast %jit3A_426 : i32 to vector<16xi32>
      %select_n3A_428 = arith.select %and3A_425, %sub3A_418, %broadcast_in_dim3A_427 : vector<16xi1>, vector<16xi32>
      %swap3A_429 = arith.constant 0 : i32
      %swap3A_430 = arith.index_cast %swap3A_429 : i32 to index
      %swap3A_431 = arith.constant 96 : index
      %swap3A_432 = tpu.vector_load %arg10[%swap3A_430, %swap3A_431] {strides = array<i32>} : memref<3x128xi32, #tpu.memory_space<vmem>>, vector<1x16xi32>,
      %swap3A_433 = vector.shape_cast %swap3A_432 : vector<1x16xi32> to vector<16xi32>
      %swap3A_434 = vector.shape_cast %select_n3A_428 : vector<16xi32> to vector<1x16xi32>
      tpu.vector_store %arg10[%swap3A_430, %swap3A_431], %swap3A_434 {strides = array<i32>} : memref<3x128xi32, #tpu.memory_space<vmem>>, vector<1x16xi32>,
      %get3A_435 = arith.constant 0 : i32
      %get3A_436 = arith.index_cast %get3A_435 : i32 to index
      %get3A_437 = arith.constant 112 : index
      %get3A_438 = tpu.vector_load %arg7[%get3A_436, %get3A_437] {strides = array<i32>} : memref<3x128xi32, #tpu.memory_space<vmem>>, vector<1x16xi32>,
      %get3A_439 = vector.shape_cast %get3A_438 : vector<1x16xi32> to vector<16xi32>
      %sub3A_440 = vector.broadcast %mul3A_2 : i32 to vector<16xi32>
      %sub3A_441 = arith.subi %get3A_439, %sub3A_440 : vector<16xi32>
      %ge3A_442 = arith.constant 0 : i32
      %ge3A_443 = vector.broadcast %ge3A_442 : i32 to vector<16xi32>
      %ge3A_444 = arith.cmpi sge, %sub3A_441, %ge3A_443 : vector<16xi32>
      %lt3A_445 = arith.constant 75264 : i32
      %lt3A_446 = vector.broadcast %lt3A_445 : i32 to vector<16xi32>
      %lt3A_447 = arith.cmpi slt, %sub3A_441, %lt3A_446 : vector<16xi32>
      %and3A_448 = arith.andi %ge3A_444, %lt3A_447 : vector<16xi1>
      %jit3A_449 = arith.constant 75264 : i32
      %broadcast_in_dim3A_450 = vector.broadcast %jit3A_449 : i32 to vector<16xi32>
      %select_n3A_451 = arith.select %and3A_448, %sub3A_441, %broadcast_in_dim3A_450 : vector<16xi1>, vector<16xi32>
      %swap3A_452 = arith.constant 0 : i32
      %swap3A_453 = arith.index_cast %swap3A_452 : i32 to index
      %swap3A_454 = arith.constant 112 : index
      %swap3A_455 = tpu.vector_load %arg10[%swap3A_453, %swap3A_454] {strides = array<i32>} : memref<3x128xi32, #tpu.memory_space<vmem>>, vector<1x16xi32>,
      %swap3A_456 = vector.shape_cast %swap3A_455 : vector<1x16xi32> to vector<16xi32>
      %swap3A_457 = vector.shape_cast %select_n3A_451 : vector<16xi32> to vector<1x16xi32>
      tpu.vector_store %arg10[%swap3A_453, %swap3A_454], %swap3A_457 {strides = array<i32>} : memref<3x128xi32, #tpu.memory_space<vmem>>, vector<1x16xi32>,
      %scan3A_458 = arith.constant 0 : i32
      %scan3A_459 = arith.constant 8 : i32
      %scan3A_460 = arith.addi %scan3A_458, %scan3A_459 : i32
      %scan3A_461 = arith.constant 1 : i32
      scf.for %scan3A_967 = %scan3A_458 to %scan3A_460 step %scan3A_461  : i32 {
        %mul3A_968 = arith.constant 1 : i32
        %mul3A_969 = arith.muli %scan3A_967, %mul3A_968 : i32
        %add3A_970 = arith.constant 0 : i32
        %add3A_971 = arith.addi %add3A_970, %mul3A_969 : i32
        %mul3A_972 = arith.constant 16 : i32
        %mul3A_973 = arith.muli %add3A_971, %mul3A_972 : i32
        %get3A_974 = arith.constant 0 : i32
        %get3A_975 = arith.index_cast %get3A_974 : i32 to index
        %get3A_976 = arith.index_cast %mul3A_973 : i32 to index
        %get3A_977 = tpu.vector_load %arg9[%get3A_975, %get3A_976] {strides = array<i32>} : memref<3x128xf32, #tpu.memory_space<vmem>>, vector<1x16xf32>,
        %get3A_978 = vector.shape_cast %get3A_977 : vector<1x16xf32> to vector<16xf32>
        %add3A_979 = arith.constant 0 : i32
        %add3A_980 = arith.addi %mul3A_973, %add3A_979 : i32
        %get3A_981 = arith.constant 0 : i32
        %get3A_982 = arith.index_cast %get3A_981 : i32 to index
        %get3A_983 = arith.index_cast %add3A_980 : i32 to index
        %get3A_984 = arith.constant 0 : index
        %get3A_985 = tpu.vector_load %arg11[%get3A_982, %get3A_983, %get3A_984] {strides = array<i32>} : memref<3x128x16xf32, #tpu.memory_space<vmem>>, vector<1x1x16xf32>,
        %get3A_986 = vector.shape_cast %get3A_985 : vector<1x1x16xf32> to vector<16xf32>
        %slice3A = vector.extract_strided_slice %get3A_978 {offsets = [0], sizes = [1], strides = [1]} : vector<16xf32> to vector<1xf32>
        %squeeze3A = vector.extract %slice3A[0] : f32 from vector<1xf32>
        %mul3A_987 = vector.broadcast %squeeze3A : f32 to vector<16xf32>
        %mul3A_988 = arith.mulf %get3A_986, %mul3A_987 : vector<16xf32>
        %add3A_989 = arith.constant 0 : i32
        %add3A_990 = arith.addi %mul3A_973, %add3A_989 : i32
        %swap3A_991 = arith.constant 0 : i32
        %swap3A_992 = arith.index_cast %swap3A_991 : i32 to index
        %swap3A_993 = arith.index_cast %add3A_990 : i32 to index
        %swap3A_994 = arith.constant 0 : index
        %swap3A_995 = tpu.vector_load %arg12[%swap3A_992, %swap3A_993, %swap3A_994] {strides = array<i32>} : memref<3x128x16xf32, #tpu.memory_space<vmem>>, vector<1x1x16xf32>,
        %swap3A_996 = vector.shape_cast %swap3A_995 : vector<1x1x16xf32> to vector<16xf32>
        %swap3A_997 = vector.shape_cast %mul3A_988 : vector<16xf32> to vector<1x1x16xf32>
        tpu.vector_store %arg12[%swap3A_992, %swap3A_993, %swap3A_994], %swap3A_997 {strides = array<i32>} : memref<3x128x16xf32, #tpu.memory_space<vmem>>, vector<1x1x16xf32>,
        %add3A_998 = arith.constant 1 : i32
        %add3A_999 = arith.addi %mul3A_973, %add3A_998 : i32
        %get3A_1000 = arith.constant 0 : i32
        %get3A_1001 = arith.index_cast %get3A_1000 : i32 to index
        %get3A_1002 = arith.index_cast %add3A_999 : i32 to index
        %get3A_1003 = arith.constant 0 : index
        %get3A_1004 = tpu.vector_load %arg11[%get3A_1001, %get3A_1002, %get3A_1003] {strides = array<i32>} : memref<3x128x16xf32, #tpu.memory_space<vmem>>, vector<1x1x16xf32>,
        %get3A_1005 = vector.shape_cast %get3A_1004 : vector<1x1x16xf32> to vector<16xf32>
        %slice3A_1006 = vector.extract_strided_slice %get3A_978 {offsets = [1], sizes = [1], strides = [1]} : vector<16xf32> to vector<1xf32>
        %squeeze3A_1007 = vector.extract %slice3A_1006[0] : f32 from vector<1xf32>
        %mul3A_1008 = vector.broadcast %squeeze3A_1007 : f32 to vector<16xf32>
        %mul3A_1009 = arith.mulf %get3A_1005, %mul3A_1008 : vector<16xf32>
        %add3A_1010 = arith.constant 1 : i32
        %add3A_1011 = arith.addi %mul3A_973, %add3A_1010 : i32
        %swap3A_1012 = arith.constant 0 : i32
        %swap3A_1013 = arith.index_cast %swap3A_1012 : i32 to index
        %swap3A_1014 = arith.index_cast %add3A_1011 : i32 to index
        %swap3A_1015 = arith.constant 0 : index
        %swap3A_1016 = tpu.vector_load %arg12[%swap3A_1013, %swap3A_1014, %swap3A_1015] {strides = array<i32>} : memref<3x128x16xf32, #tpu.memory_space<vmem>>, vector<1x1x16xf32>,
        %swap3A_1017 = vector.shape_cast %swap3A_1016 : vector<1x1x16xf32> to vector<16xf32>
        %swap3A_1018 = vector.shape_cast %mul3A_1009 : vector<16xf32> to vector<1x1x16xf32>
        tpu.vector_store %arg12[%swap3A_1013, %swap3A_1014, %swap3A_1015], %swap3A_1018 {strides = array<i32>} : memref<3x128x16xf32, #tpu.memory_space<vmem>>, vector<1x1x16xf32>,
        %add3A_1019 = arith.constant 2 : i32
        %add3A_1020 = arith.addi %mul3A_973, %add3A_1019 : i32
        %get3A_1021 = arith.constant 0 : i32
        %get3A_1022 = arith.index_cast %get3A_1021 : i32 to index
        %get3A_1023 = arith.index_cast %add3A_1020 : i32 to index
        %get3A_1024 = arith.constant 0 : index
        %get3A_1025 = tpu.vector_load %arg11[%get3A_1022, %get3A_1023, %get3A_1024] {strides = array<i32>} : memref<3x128x16xf32, #tpu.memory_space<vmem>>, vector<1x1x16xf32>,
        %get3A_1026 = vector.shape_cast %get3A_1025 : vector<1x1x16xf32> to vector<16xf32>
        %slice3A_1027 = vector.extract_strided_slice %get3A_978 {offsets = [2], sizes = [1], strides = [1]} : vector<16xf32> to vector<1xf32>
        %squeeze3A_1028 = vector.extract %slice3A_1027[0] : f32 from vector<1xf32>
        %mul3A_1029 = vector.broadcast %squeeze3A_1028 : f32 to vector<16xf32>
        %mul3A_1030 = arith.mulf %get3A_1026, %mul3A_1029 : vector<16xf32>
        %add3A_1031 = arith.constant 2 : i32
        %add3A_1032 = arith.addi %mul3A_973, %add3A_1031 : i32
        %swap3A_1033 = arith.constant 0 : i32
        %swap3A_1034 = arith.index_cast %swap3A_1033 : i32 to index
        %swap3A_1035 = arith.index_cast %add3A_1032 : i32 to index
        %swap3A_1036 = arith.constant 0 : index
        %swap3A_1037 = tpu.vector_load %arg12[%swap3A_1034, %swap3A_1035, %swap3A_1036] {strides = array<i32>} : memref<3x128x16xf32, #tpu.memory_space<vmem>>, vector<1x1x16xf32>,
        %swap3A_1038 = vector.shape_cast %swap3A_1037 : vector<1x1x16xf32> to vector<16xf32>
        %swap3A_1039 = vector.shape_cast %mul3A_1030 : vector<16xf32> to vector<1x1x16xf32>
        tpu.vector_store %arg12[%swap3A_1034, %swap3A_1035, %swap3A_1036], %swap3A_1039 {strides = array<i32>} : memref<3x128x16xf32, #tpu.memory_space<vmem>>, vector<1x1x16xf32>,
        %add3A_1040 = arith.constant 3 : i32
        %add3A_1041 = arith.addi %mul3A_973, %add3A_1040 : i32
        %get3A_1042 = arith.constant 0 : i32
        %get3A_1043 = arith.index_cast %get3A_1042 : i32 to index
        %get3A_1044 = arith.index_cast %add3A_1041 : i32 to index
        %get3A_1045 = arith.constant 0 : index
        %get3A_1046 = tpu.vector_load %arg11[%get3A_1043, %get3A_1044, %get3A_1045] {strides = array<i32>} : memref<3x128x16xf32, #tpu.memory_space<vmem>>, vector<1x1x16xf32>,
        %get3A_1047 = vector.shape_cast %get3A_1046 : vector<1x1x16xf32> to vector<16xf32>
        %slice3A_1048 = vector.extract_strided_slice %get3A_978 {offsets = [3], sizes = [1], strides = [1]} : vector<16xf32> to vector<1xf32>
        %squeeze3A_1049 = vector.extract %slice3A_1048[0] : f32 from vector<1xf32>
        %mul3A_1050 = vector.broadcast %squeeze3A_1049 : f32 to vector<16xf32>
        %mul3A_1051 = arith.mulf %get3A_1047, %mul3A_1050 : vector<16xf32>
        %add3A_1052 = arith.constant 3 : i32
        %add3A_1053 = arith.addi %mul3A_973, %add3A_1052 : i32
        %swap3A_1054 = arith.constant 0 : i32
        %swap3A_1055 = arith.index_cast %swap3A_1054 : i32 to index
        %swap3A_1056 = arith.index_cast %add3A_1053 : i32 to index
        %swap3A_1057 = arith.constant 0 : index
        %swap3A_1058 = tpu.vector_load %arg12[%swap3A_1055, %swap3A_1056, %swap3A_1057] {strides = array<i32>} : memref<3x128x16xf32, #tpu.memory_space<vmem>>, vector<1x1x16xf32>,
        %swap3A_1059 = vector.shape_cast %swap3A_1058 : vector<1x1x16xf32> to vector<16xf32>
        %swap3A_1060 = vector.shape_cast %mul3A_1051 : vector<16xf32> to vector<1x1x16xf32>
        tpu.vector_store %arg12[%swap3A_1055, %swap3A_1056, %swap3A_1057], %swap3A_1060 {strides = array<i32>} : memref<3x128x16xf32, #tpu.memory_space<vmem>>, vector<1x1x16xf32>,
        %add3A_1061 = arith.constant 4 : i32
        %add3A_1062 = arith.addi %mul3A_973, %add3A_1061 : i32
        %get3A_1063 = arith.constant 0 : i32
        %get3A_1064 = arith.index_cast %get3A_1063 : i32 to index
        %get3A_1065 = arith.index_cast %add3A_1062 : i32 to index
        %get3A_1066 = arith.constant 0 : index
        %get3A_1067 = tpu.vector_load %arg11[%get3A_1064, %get3A_1065, %get3A_1066] {strides = array<i32>} : memref<3x128x16xf32, #tpu.memory_space<vmem>>, vector<1x1x16xf32>,
        %get3A_1068 = vector.shape_cast %get3A_1067 : vector<1x1x16xf32> to vector<16xf32>
        %slice3A_1069 = vector.extract_strided_slice %get3A_978 {offsets = [4], sizes = [1], strides = [1]} : vector<16xf32> to vector<1xf32>
        %squeeze3A_1070 = vector.extract %slice3A_1069[0] : f32 from vector<1xf32>
        %mul3A_1071 = vector.broadcast %squeeze3A_1070 : f32 to vector<16xf32>
        %mul3A_1072 = arith.mulf %get3A_1068, %mul3A_1071 : vector<16xf32>
        %add3A_1073 = arith.constant 4 : i32
        %add3A_1074 = arith.addi %mul3A_973, %add3A_1073 : i32
        %swap3A_1075 = arith.constant 0 : i32
        %swap3A_1076 = arith.index_cast %swap3A_1075 : i32 to index
        %swap3A_1077 = arith.index_cast %add3A_1074 : i32 to index
        %swap3A_1078 = arith.constant 0 : index
        %swap3A_1079 = tpu.vector_load %arg12[%swap3A_1076, %swap3A_1077, %swap3A_1078] {strides = array<i32>} : memref<3x128x16xf32, #tpu.memory_space<vmem>>, vector<1x1x16xf32>,
        %swap3A_1080 = vector.shape_cast %swap3A_1079 : vector<1x1x16xf32> to vector<16xf32>
        %swap3A_1081 = vector.shape_cast %mul3A_1072 : vector<16xf32> to vector<1x1x16xf32>
        tpu.vector_store %arg12[%swap3A_1076, %swap3A_1077, %swap3A_1078], %swap3A_1081 {strides = array<i32>} : memref<3x128x16xf32, #tpu.memory_space<vmem>>, vector<1x1x16xf32>,
        %add3A_1082 = arith.constant 5 : i32
        %add3A_1083 = arith.addi %mul3A_973, %add3A_1082 : i32
        %get3A_1084 = arith.constant 0 : i32
        %get3A_1085 = arith.index_cast %get3A_1084 : i32 to index
        %get3A_1086 = arith.index_cast %add3A_1083 : i32 to index
        %get3A_1087 = arith.constant 0 : index
        %get3A_1088 = tpu.vector_load %arg11[%get3A_1085, %get3A_1086, %get3A_1087] {strides = array<i32>} : memref<3x128x16xf32, #tpu.memory_space<vmem>>, vector<1x1x16xf32>,
        %get3A_1089 = vector.shape_cast %get3A_1088 : vector<1x1x16xf32> to vector<16xf32>
        %slice3A_1090 = vector.extract_strided_slice %get3A_978 {offsets = [5], sizes = [1], strides = [1]} : vector<16xf32> to vector<1xf32>
        %squeeze3A_1091 = vector.extract %slice3A_1090[0] : f32 from vector<1xf32>
        %mul3A_1092 = vector.broadcast %squeeze3A_1091 : f32 to vector<16xf32>
        %mul3A_1093 = arith.mulf %get3A_1089, %mul3A_1092 : vector<16xf32>
        %add3A_1094 = arith.constant 5 : i32
        %add3A_1095 = arith.addi %mul3A_973, %add3A_1094 : i32
        %swap3A_1096 = arith.constant 0 : i32
        %swap3A_1097 = arith.index_cast %swap3A_1096 : i32 to index
        %swap3A_1098 = arith.index_cast %add3A_1095 : i32 to index
        %swap3A_1099 = arith.constant 0 : index
        %swap3A_1100 = tpu.vector_load %arg12[%swap3A_1097, %swap3A_1098, %swap3A_1099] {strides = array<i32>} : memref<3x128x16xf32, #tpu.memory_space<vmem>>, vector<1x1x16xf32>,
        %swap3A_1101 = vector.shape_cast %swap3A_1100 : vector<1x1x16xf32> to vector<16xf32>
        %swap3A_1102 = vector.shape_cast %mul3A_1093 : vector<16xf32> to vector<1x1x16xf32>
        tpu.vector_store %arg12[%swap3A_1097, %swap3A_1098, %swap3A_1099], %swap3A_1102 {strides = array<i32>} : memref<3x128x16xf32, #tpu.memory_space<vmem>>, vector<1x1x16xf32>,
        %add3A_1103 = arith.constant 6 : i32
        %add3A_1104 = arith.addi %mul3A_973, %add3A_1103 : i32
        %get3A_1105 = arith.constant 0 : i32
        %get3A_1106 = arith.index_cast %get3A_1105 : i32 to index
        %get3A_1107 = arith.index_cast %add3A_1104 : i32 to index
        %get3A_1108 = arith.constant 0 : index
        %get3A_1109 = tpu.vector_load %arg11[%get3A_1106, %get3A_1107, %get3A_1108] {strides = array<i32>} : memref<3x128x16xf32, #tpu.memory_space<vmem>>, vector<1x1x16xf32>,
        %get3A_1110 = vector.shape_cast %get3A_1109 : vector<1x1x16xf32> to vector<16xf32>
        %slice3A_1111 = vector.extract_strided_slice %get3A_978 {offsets = [6], sizes = [1], strides = [1]} : vector<16xf32> to vector<1xf32>
        %squeeze3A_1112 = vector.extract %slice3A_1111[0] : f32 from vector<1xf32>
        %mul3A_1113 = vector.broadcast %squeeze3A_1112 : f32 to vector<16xf32>
        %mul3A_1114 = arith.mulf %get3A_1110, %mul3A_1113 : vector<16xf32>
        %add3A_1115 = arith.constant 6 : i32
        %add3A_1116 = arith.addi %mul3A_973, %add3A_1115 : i32
        %swap3A_1117 = arith.constant 0 : i32
        %swap3A_1118 = arith.index_cast %swap3A_1117 : i32 to index
        %swap3A_1119 = arith.index_cast %add3A_1116 : i32 to index
        %swap3A_1120 = arith.constant 0 : index
        %swap3A_1121 = tpu.vector_load %arg12[%swap3A_1118, %swap3A_1119, %swap3A_1120] {strides = array<i32>} : memref<3x128x16xf32, #tpu.memory_space<vmem>>, vector<1x1x16xf32>,
        %swap3A_1122 = vector.shape_cast %swap3A_1121 : vector<1x1x16xf32> to vector<16xf32>
        %swap3A_1123 = vector.shape_cast %mul3A_1114 : vector<16xf32> to vector<1x1x16xf32>
        tpu.vector_store %arg12[%swap3A_1118, %swap3A_1119, %swap3A_1120], %swap3A_1123 {strides = array<i32>} : memref<3x128x16xf32, #tpu.memory_space<vmem>>, vector<1x1x16xf32>,
        %add3A_1124 = arith.constant 7 : i32
        %add3A_1125 = arith.addi %mul3A_973, %add3A_1124 : i32
        %get3A_1126 = arith.constant 0 : i32
        %get3A_1127 = arith.index_cast %get3A_1126 : i32 to index
        %get3A_1128 = arith.index_cast %add3A_1125 : i32 to index
        %get3A_1129 = arith.constant 0 : index
        %get3A_1130 = tpu.vector_load %arg11[%get3A_1127, %get3A_1128, %get3A_1129] {strides = array<i32>} : memref<3x128x16xf32, #tpu.memory_space<vmem>>, vector<1x1x16xf32>,
        %get3A_1131 = vector.shape_cast %get3A_1130 : vector<1x1x16xf32> to vector<16xf32>
        %slice3A_1132 = vector.extract_strided_slice %get3A_978 {offsets = [7], sizes = [1], strides = [1]} : vector<16xf32> to vector<1xf32>
        %squeeze3A_1133 = vector.extract %slice3A_1132[0] : f32 from vector<1xf32>
        %mul3A_1134 = vector.broadcast %squeeze3A_1133 : f32 to vector<16xf32>
        %mul3A_1135 = arith.mulf %get3A_1131, %mul3A_1134 : vector<16xf32>
        %add3A_1136 = arith.constant 7 : i32
        %add3A_1137 = arith.addi %mul3A_973, %add3A_1136 : i32
        %swap3A_1138 = arith.constant 0 : i32
        %swap3A_1139 = arith.index_cast %swap3A_1138 : i32 to index
        %swap3A_1140 = arith.index_cast %add3A_1137 : i32 to index
        %swap3A_1141 = arith.constant 0 : index
        %swap3A_1142 = tpu.vector_load %arg12[%swap3A_1139, %swap3A_1140, %swap3A_1141] {strides = array<i32>} : memref<3x128x16xf32, #tpu.memory_space<vmem>>, vector<1x1x16xf32>,
        %swap3A_1143 = vector.shape_cast %swap3A_1142 : vector<1x1x16xf32> to vector<16xf32>
        %swap3A_1144 = vector.shape_cast %mul3A_1135 : vector<16xf32> to vector<1x1x16xf32>
        tpu.vector_store %arg12[%swap3A_1139, %swap3A_1140, %swap3A_1141], %swap3A_1144 {strides = array<i32>} : memref<3x128x16xf32, #tpu.memory_space<vmem>>, vector<1x1x16xf32>,
        %add3A_1145 = arith.constant 8 : i32
        %add3A_1146 = arith.addi %mul3A_973, %add3A_1145 : i32
        %get3A_1147 = arith.constant 0 : i32
        %get3A_1148 = arith.index_cast %get3A_1147 : i32 to index
        %get3A_1149 = arith.index_cast %add3A_1146 : i32 to index
        %get3A_1150 = arith.constant 0 : index
        %get3A_1151 = tpu.vector_load %arg11[%get3A_1148, %get3A_1149, %get3A_1150] {strides = array<i32>} : memref<3x128x16xf32, #tpu.memory_space<vmem>>, vector<1x1x16xf32>,
        %get3A_1152 = vector.shape_cast %get3A_1151 : vector<1x1x16xf32> to vector<16xf32>
        %slice3A_1153 = vector.extract_strided_slice %get3A_978 {offsets = [8], sizes = [1], strides = [1]} : vector<16xf32> to vector<1xf32>
        %squeeze3A_1154 = vector.extract %slice3A_1153[0] : f32 from vector<1xf32>
        %mul3A_1155 = vector.broadcast %squeeze3A_1154 : f32 to vector<16xf32>
        %mul3A_1156 = arith.mulf %get3A_1152, %mul3A_1155 : vector<16xf32>
        %add3A_1157 = arith.constant 8 : i32
        %add3A_1158 = arith.addi %mul3A_973, %add3A_1157 : i32
        %swap3A_1159 = arith.constant 0 : i32
        %swap3A_1160 = arith.index_cast %swap3A_1159 : i32 to index
        %swap3A_1161 = arith.index_cast %add3A_1158 : i32 to index
        %swap3A_1162 = arith.constant 0 : index
        %swap3A_1163 = tpu.vector_load %arg12[%swap3A_1160, %swap3A_1161, %swap3A_1162] {strides = array<i32>} : memref<3x128x16xf32, #tpu.memory_space<vmem>>, vector<1x1x16xf32>,
        %swap3A_1164 = vector.shape_cast %swap3A_1163 : vector<1x1x16xf32> to vector<16xf32>
        %swap3A_1165 = vector.shape_cast %mul3A_1156 : vector<16xf32> to vector<1x1x16xf32>
        tpu.vector_store %arg12[%swap3A_1160, %swap3A_1161, %swap3A_1162], %swap3A_1165 {strides = array<i32>} : memref<3x128x16xf32, #tpu.memory_space<vmem>>, vector<1x1x16xf32>,
        %add3A_1166 = arith.constant 9 : i32
        %add3A_1167 = arith.addi %mul3A_973, %add3A_1166 : i32
        %get3A_1168 = arith.constant 0 : i32
        %get3A_1169 = arith.index_cast %get3A_1168 : i32 to index
        %get3A_1170 = arith.index_cast %add3A_1167 : i32 to index
        %get3A_1171 = arith.constant 0 : index
        %get3A_1172 = tpu.vector_load %arg11[%get3A_1169, %get3A_1170, %get3A_1171] {strides = array<i32>} : memref<3x128x16xf32, #tpu.memory_space<vmem>>, vector<1x1x16xf32>,
        %get3A_1173 = vector.shape_cast %get3A_1172 : vector<1x1x16xf32> to vector<16xf32>
        %slice3A_1174 = vector.extract_strided_slice %get3A_978 {offsets = [9], sizes = [1], strides = [1]} : vector<16xf32> to vector<1xf32>
        %squeeze3A_1175 = vector.extract %slice3A_1174[0] : f32 from vector<1xf32>
        %mul3A_1176 = vector.broadcast %squeeze3A_1175 : f32 to vector<16xf32>
        %mul3A_1177 = arith.mulf %get3A_1173, %mul3A_1176 : vector<16xf32>
        %add3A_1178 = arith.constant 9 : i32
        %add3A_1179 = arith.addi %mul3A_973, %add3A_1178 : i32
        %swap3A_1180 = arith.constant 0 : i32
        %swap3A_1181 = arith.index_cast %swap3A_1180 : i32 to index
        %swap3A_1182 = arith.index_cast %add3A_1179 : i32 to index
        %swap3A_1183 = arith.constant 0 : index
        %swap3A_1184 = tpu.vector_load %arg12[%swap3A_1181, %swap3A_1182, %swap3A_1183] {strides = array<i32>} : memref<3x128x16xf32, #tpu.memory_space<vmem>>, vector<1x1x16xf32>,
        %swap3A_1185 = vector.shape_cast %swap3A_1184 : vector<1x1x16xf32> to vector<16xf32>
        %swap3A_1186 = vector.shape_cast %mul3A_1177 : vector<16xf32> to vector<1x1x16xf32>
        tpu.vector_store %arg12[%swap3A_1181, %swap3A_1182, %swap3A_1183], %swap3A_1186 {strides = array<i32>} : memref<3x128x16xf32, #tpu.memory_space<vmem>>, vector<1x1x16xf32>,
        %add3A_1187 = arith.constant 10 : i32
        %add3A_1188 = arith.addi %mul3A_973, %add3A_1187 : i32
        %get3A_1189 = arith.constant 0 : i32
        %get3A_1190 = arith.index_cast %get3A_1189 : i32 to index
        %get3A_1191 = arith.index_cast %add3A_1188 : i32 to index
        %get3A_1192 = arith.constant 0 : index
        %get3A_1193 = tpu.vector_load %arg11[%get3A_1190, %get3A_1191, %get3A_1192] {strides = array<i32>} : memref<3x128x16xf32, #tpu.memory_space<vmem>>, vector<1x1x16xf32>,
        %get3A_1194 = vector.shape_cast %get3A_1193 : vector<1x1x16xf32> to vector<16xf32>
        %slice3A_1195 = vector.extract_strided_slice %get3A_978 {offsets = [10], sizes = [1], strides = [1]} : vector<16xf32> to vector<1xf32>
        %squeeze3A_1196 = vector.extract %slice3A_1195[0] : f32 from vector<1xf32>
        %mul3A_1197 = vector.broadcast %squeeze3A_1196 : f32 to vector<16xf32>
        %mul3A_1198 = arith.mulf %get3A_1194, %mul3A_1197 : vector<16xf32>
        %add3A_1199 = arith.constant 10 : i32
        %add3A_1200 = arith.addi %mul3A_973, %add3A_1199 : i32
        %swap3A_1201 = arith.constant 0 : i32
        %swap3A_1202 = arith.index_cast %swap3A_1201 : i32 to index
        %swap3A_1203 = arith.index_cast %add3A_1200 : i32 to index
        %swap3A_1204 = arith.constant 0 : index
        %swap3A_1205 = tpu.vector_load %arg12[%swap3A_1202, %swap3A_1203, %swap3A_1204] {strides = array<i32>} : memref<3x128x16xf32, #tpu.memory_space<vmem>>, vector<1x1x16xf32>,
        %swap3A_1206 = vector.shape_cast %swap3A_1205 : vector<1x1x16xf32> to vector<16xf32>
        %swap3A_1207 = vector.shape_cast %mul3A_1198 : vector<16xf32> to vector<1x1x16xf32>
        tpu.vector_store %arg12[%swap3A_1202, %swap3A_1203, %swap3A_1204], %swap3A_1207 {strides = array<i32>} : memref<3x128x16xf32, #tpu.memory_space<vmem>>, vector<1x1x16xf32>,
        %add3A_1208 = arith.constant 11 : i32
        %add3A_1209 = arith.addi %mul3A_973, %add3A_1208 : i32
        %get3A_1210 = arith.constant 0 : i32
        %get3A_1211 = arith.index_cast %get3A_1210 : i32 to index
        %get3A_1212 = arith.index_cast %add3A_1209 : i32 to index
        %get3A_1213 = arith.constant 0 : index
        %get3A_1214 = tpu.vector_load %arg11[%get3A_1211, %get3A_1212, %get3A_1213] {strides = array<i32>} : memref<3x128x16xf32, #tpu.memory_space<vmem>>, vector<1x1x16xf32>,
        %get3A_1215 = vector.shape_cast %get3A_1214 : vector<1x1x16xf32> to vector<16xf32>
        %slice3A_1216 = vector.extract_strided_slice %get3A_978 {offsets = [11], sizes = [1], strides = [1]} : vector<16xf32> to vector<1xf32>
        %squeeze3A_1217 = vector.extract %slice3A_1216[0] : f32 from vector<1xf32>
        %mul3A_1218 = vector.broadcast %squeeze3A_1217 : f32 to vector<16xf32>
        %mul3A_1219 = arith.mulf %get3A_1215, %mul3A_1218 : vector<16xf32>
        %add3A_1220 = arith.constant 11 : i32
        %add3A_1221 = arith.addi %mul3A_973, %add3A_1220 : i32
        %swap3A_1222 = arith.constant 0 : i32
        %swap3A_1223 = arith.index_cast %swap3A_1222 : i32 to index
        %swap3A_1224 = arith.index_cast %add3A_1221 : i32 to index
        %swap3A_1225 = arith.constant 0 : index
        %swap3A_1226 = tpu.vector_load %arg12[%swap3A_1223, %swap3A_1224, %swap3A_1225] {strides = array<i32>} : memref<3x128x16xf32, #tpu.memory_space<vmem>>, vector<1x1x16xf32>,
        %swap3A_1227 = vector.shape_cast %swap3A_1226 : vector<1x1x16xf32> to vector<16xf32>
        %swap3A_1228 = vector.shape_cast %mul3A_1219 : vector<16xf32> to vector<1x1x16xf32>
        tpu.vector_store %arg12[%swap3A_1223, %swap3A_1224, %swap3A_1225], %swap3A_1228 {strides = array<i32>} : memref<3x128x16xf32, #tpu.memory_space<vmem>>, vector<1x1x16xf32>,
        %add3A_1229 = arith.constant 12 : i32
        %add3A_1230 = arith.addi %mul3A_973, %add3A_1229 : i32
        %get3A_1231 = arith.constant 0 : i32
        %get3A_1232 = arith.index_cast %get3A_1231 : i32 to index
        %get3A_1233 = arith.index_cast %add3A_1230 : i32 to index
        %get3A_1234 = arith.constant 0 : index
        %get3A_1235 = tpu.vector_load %arg11[%get3A_1232, %get3A_1233, %get3A_1234] {strides = array<i32>} : memref<3x128x16xf32, #tpu.memory_space<vmem>>, vector<1x1x16xf32>,
        %get3A_1236 = vector.shape_cast %get3A_1235 : vector<1x1x16xf32> to vector<16xf32>
        %slice3A_1237 = vector.extract_strided_slice %get3A_978 {offsets = [12], sizes = [1], strides = [1]} : vector<16xf32> to vector<1xf32>
        %squeeze3A_1238 = vector.extract %slice3A_1237[0] : f32 from vector<1xf32>
        %mul3A_1239 = vector.broadcast %squeeze3A_1238 : f32 to vector<16xf32>
        %mul3A_1240 = arith.mulf %get3A_1236, %mul3A_1239 : vector<16xf32>
        %add3A_1241 = arith.constant 12 : i32
        %add3A_1242 = arith.addi %mul3A_973, %add3A_1241 : i32
        %swap3A_1243 = arith.constant 0 : i32
        %swap3A_1244 = arith.index_cast %swap3A_1243 : i32 to index
        %swap3A_1245 = arith.index_cast %add3A_1242 : i32 to index
        %swap3A_1246 = arith.constant 0 : index
        %swap3A_1247 = tpu.vector_load %arg12[%swap3A_1244, %swap3A_1245, %swap3A_1246] {strides = array<i32>} : memref<3x128x16xf32, #tpu.memory_space<vmem>>, vector<1x1x16xf32>,
        %swap3A_1248 = vector.shape_cast %swap3A_1247 : vector<1x1x16xf32> to vector<16xf32>
        %swap3A_1249 = vector.shape_cast %mul3A_1240 : vector<16xf32> to vector<1x1x16xf32>
        tpu.vector_store %arg12[%swap3A_1244, %swap3A_1245, %swap3A_1246], %swap3A_1249 {strides = array<i32>} : memref<3x128x16xf32, #tpu.memory_space<vmem>>, vector<1x1x16xf32>,
        %add3A_1250 = arith.constant 13 : i32
        %add3A_1251 = arith.addi %mul3A_973, %add3A_1250 : i32
        %get3A_1252 = arith.constant 0 : i32
        %get3A_1253 = arith.index_cast %get3A_1252 : i32 to index
        %get3A_1254 = arith.index_cast %add3A_1251 : i32 to index
        %get3A_1255 = arith.constant 0 : index
        %get3A_1256 = tpu.vector_load %arg11[%get3A_1253, %get3A_1254, %get3A_1255] {strides = array<i32>} : memref<3x128x16xf32, #tpu.memory_space<vmem>>, vector<1x1x16xf32>,
        %get3A_1257 = vector.shape_cast %get3A_1256 : vector<1x1x16xf32> to vector<16xf32>
        %slice3A_1258 = vector.extract_strided_slice %get3A_978 {offsets = [13], sizes = [1], strides = [1]} : vector<16xf32> to vector<1xf32>
        %squeeze3A_1259 = vector.extract %slice3A_1258[0] : f32 from vector<1xf32>
        %mul3A_1260 = vector.broadcast %squeeze3A_1259 : f32 to vector<16xf32>
        %mul3A_1261 = arith.mulf %get3A_1257, %mul3A_1260 : vector<16xf32>
        %add3A_1262 = arith.constant 13 : i32
        %add3A_1263 = arith.addi %mul3A_973, %add3A_1262 : i32
        %swap3A_1264 = arith.constant 0 : i32
        %swap3A_1265 = arith.index_cast %swap3A_1264 : i32 to index
        %swap3A_1266 = arith.index_cast %add3A_1263 : i32 to index
        %swap3A_1267 = arith.constant 0 : index
        %swap3A_1268 = tpu.vector_load %arg12[%swap3A_1265, %swap3A_1266, %swap3A_1267] {strides = array<i32>} : memref<3x128x16xf32, #tpu.memory_space<vmem>>, vector<1x1x16xf32>,
        %swap3A_1269 = vector.shape_cast %swap3A_1268 : vector<1x1x16xf32> to vector<16xf32>
        %swap3A_1270 = vector.shape_cast %mul3A_1261 : vector<16xf32> to vector<1x1x16xf32>
        tpu.vector_store %arg12[%swap3A_1265, %swap3A_1266, %swap3A_1267], %swap3A_1270 {strides = array<i32>} : memref<3x128x16xf32, #tpu.memory_space<vmem>>, vector<1x1x16xf32>,
        %add3A_1271 = arith.constant 14 : i32
        %add3A_1272 = arith.addi %mul3A_973, %add3A_1271 : i32
        %get3A_1273 = arith.constant 0 : i32
        %get3A_1274 = arith.index_cast %get3A_1273 : i32 to index
        %get3A_1275 = arith.index_cast %add3A_1272 : i32 to index
        %get3A_1276 = arith.constant 0 : index
        %get3A_1277 = tpu.vector_load %arg11[%get3A_1274, %get3A_1275, %get3A_1276] {strides = array<i32>} : memref<3x128x16xf32, #tpu.memory_space<vmem>>, vector<1x1x16xf32>,
        %get3A_1278 = vector.shape_cast %get3A_1277 : vector<1x1x16xf32> to vector<16xf32>
        %slice3A_1279 = vector.extract_strided_slice %get3A_978 {offsets = [14], sizes = [1], strides = [1]} : vector<16xf32> to vector<1xf32>
        %squeeze3A_1280 = vector.extract %slice3A_1279[0] : f32 from vector<1xf32>
        %mul3A_1281 = vector.broadcast %squeeze3A_1280 : f32 to vector<16xf32>
        %mul3A_1282 = arith.mulf %get3A_1278, %mul3A_1281 : vector<16xf32>
        %add3A_1283 = arith.constant 14 : i32
        %add3A_1284 = arith.addi %mul3A_973, %add3A_1283 : i32
        %swap3A_1285 = arith.constant 0 : i32
        %swap3A_1286 = arith.index_cast %swap3A_1285 : i32 to index
        %swap3A_1287 = arith.index_cast %add3A_1284 : i32 to index
        %swap3A_1288 = arith.constant 0 : index
        %swap3A_1289 = tpu.vector_load %arg12[%swap3A_1286, %swap3A_1287, %swap3A_1288] {strides = array<i32>} : memref<3x128x16xf32, #tpu.memory_space<vmem>>, vector<1x1x16xf32>,
        %swap3A_1290 = vector.shape_cast %swap3A_1289 : vector<1x1x16xf32> to vector<16xf32>
        %swap3A_1291 = vector.shape_cast %mul3A_1282 : vector<16xf32> to vector<1x1x16xf32>
        tpu.vector_store %arg12[%swap3A_1286, %swap3A_1287, %swap3A_1288], %swap3A_1291 {strides = array<i32>} : memref<3x128x16xf32, #tpu.memory_space<vmem>>, vector<1x1x16xf32>,
        %add3A_1292 = arith.constant 15 : i32
        %add3A_1293 = arith.addi %mul3A_973, %add3A_1292 : i32
        %get3A_1294 = arith.constant 0 : i32
        %get3A_1295 = arith.index_cast %get3A_1294 : i32 to index
        %get3A_1296 = arith.index_cast %add3A_1293 : i32 to index
        %get3A_1297 = arith.constant 0 : index
        %get3A_1298 = tpu.vector_load %arg11[%get3A_1295, %get3A_1296, %get3A_1297] {strides = array<i32>} : memref<3x128x16xf32, #tpu.memory_space<vmem>>, vector<1x1x16xf32>,
        %get3A_1299 = vector.shape_cast %get3A_1298 : vector<1x1x16xf32> to vector<16xf32>
        %slice3A_1300 = vector.extract_strided_slice %get3A_978 {offsets = [15], sizes = [1], strides = [1]} : vector<16xf32> to vector<1xf32>
        %squeeze3A_1301 = vector.extract %slice3A_1300[0] : f32 from vector<1xf32>
        %mul3A_1302 = vector.broadcast %squeeze3A_1301 : f32 to vector<16xf32>
        %mul3A_1303 = arith.mulf %get3A_1299, %mul3A_1302 : vector<16xf32>
        %add3A_1304 = arith.constant 15 : i32
        %add3A_1305 = arith.addi %mul3A_973, %add3A_1304 : i32
        %swap3A_1306 = arith.constant 0 : i32
        %swap3A_1307 = arith.index_cast %swap3A_1306 : i32 to index
        %swap3A_1308 = arith.index_cast %add3A_1305 : i32 to index
        %swap3A_1309 = arith.constant 0 : index
        %swap3A_1310 = tpu.vector_load %arg12[%swap3A_1307, %swap3A_1308, %swap3A_1309] {strides = array<i32>} : memref<3x128x16xf32, #tpu.memory_space<vmem>>, vector<1x1x16xf32>,
        %swap3A_1311 = vector.shape_cast %swap3A_1310 : vector<1x1x16xf32> to vector<16xf32>
        %swap3A_1312 = vector.shape_cast %mul3A_1303 : vector<16xf32> to vector<1x1x16xf32>
        tpu.vector_store %arg12[%swap3A_1307, %swap3A_1308, %swap3A_1309], %swap3A_1312 {strides = array<i32>} : memref<3x128x16xf32, #tpu.memory_space<vmem>>, vector<1x1x16xf32>,
      }
      %scan3A_462 = arith.constant 8 : i32
      %dma_start3A_463 = arith.constant 0 : i32
      %dma_start3A_464 = arith.constant 0 : i32
      %dma_start3A_465 = arith.constant 0 : i32
      %dma_start3A_466 = arith.constant 0 : i32
      %dma_start3A_467 = tpu.memref_slice %arg12[%dma_start3A_463, %dma_start3A_465, %dma_start3A_466] : memref<3x128x16xf32, #tpu.memory_space<vmem>> -> memref<1x128x16xf32, #tpu.memory_space<vmem>>
      %dma_start3A_468 = tpu.memref_squeeze %dma_start3A_467 : memref<1x128x16xf32, #tpu.memory_space<vmem>> -> memref<128x16xf32, #tpu.memory_space<vmem>>
      %dma_start3A_469 = arith.constant 0 : i32
      %dma_start3A_470 = tpu.memref_slice %arg10[%dma_start3A_464, %dma_start3A_469] : memref<3x128xi32, #tpu.memory_space<vmem>> -> memref<1x128xi32, #tpu.memory_space<vmem>>
      %dma_start3A_471 = tpu.memref_squeeze %dma_start3A_470 : memref<1x128xi32, #tpu.memory_space<vmem>> -> memref<128xi32, #tpu.memory_space<vmem>>
      %dma_start3A_472 = arith.constant 0 : i32
      %dma_start3A_473 = arith.constant 0 : i32
      %dma_start3A_474 = tpu.memref_slice %arg14[%dma_start3A_472, %dma_start3A_473] : memref<75272x16xf32, #tpu.memory_space<vmem_shared>> -> memref<75272x16xf32, #tpu.memory_space<vmem_shared>>
      tpu.enqueue_indirect_dma source(%dma_start3A_468 : memref<128x16xf32, #tpu.memory_space<vmem>>) target(%dma_start3A_474 : memref<75272x16xf32, #tpu.memory_space<vmem_shared>>) offsets(%dma_start3A_471 : memref<128xi32, #tpu.memory_space<vmem>>) semaphore(%arg21 : memref<!tpu.dma_semaphore, #tpu.memory_space<semaphore_mem>>) {add = true}
      %add3A_475 = arith.constant 2 : i32
      %add3A_476 = arith.addi %add3A_263, %add3A_475 : i32
      %lt3A_477 = arith.constant 294 : i32
      %lt3A_478 = arith.cmpi slt, %add3A_476, %lt3A_477 : i32
      %convert_element_type3A_479 = arith.extui %lt3A_478 : i1 to i32
      %cond3A_480 = arith.constant 0 : i32
      %cond3A_481 = arith.cmpi ne, %convert_element_type3A_479, %cond3A_480 : i32
      scf.if %cond3A_481 {
        %dma_wait3A_967 = arith.constant 2 : i32
        %dma_wait3A_968 = arith.constant 0 : i32
        %dma_wait3A_969 = tpu.memref_slice %arg7[%dma_wait3A_967, %dma_wait3A_968] : memref<3x128xi32, #tpu.memory_space<vmem>> -> memref<1x128xi32, #tpu.memory_space<vmem>>
        %dma_wait3A_970 = tpu.memref_squeeze %dma_wait3A_969 : memref<1x128xi32, #tpu.memory_space<vmem>> -> memref<128xi32, #tpu.memory_space<vmem>>
        %dma_wait3A_971 = arith.constant 0 : i32
        %dma_wait3A_972 = tpu.memref_slice %arg3[%dma_wait3A_971] : memref<602112xi32, #tpu.memory_space<hbm>> -> memref<128xi32, #tpu.memory_space<hbm>>
        %dma_wait3A_973 = arith.constant 0 : i32
        %dma_wait3A_974 = tpu.memref_slice %arg7[%dma_wait3A_967, %dma_wait3A_973] : memref<3x128xi32, #tpu.memory_space<vmem>> -> memref<1x128xi32, #tpu.memory_space<vmem>>
        %dma_wait3A_975 = tpu.memref_squeeze %dma_wait3A_974 : memref<1x128xi32, #tpu.memory_space<vmem>> -> memref<128xi32, #tpu.memory_space<vmem>>
        %dma_wait3A_976 = arith.constant 0 : i32
        %dma_wait3A_977 = tpu.memref_slice %arg3[%dma_wait3A_976] : memref<602112xi32, #tpu.memory_space<hbm>> -> memref<128xi32, #tpu.memory_space<hbm>>
        tpu.wait_dma2 semaphore(%arg17 : memref<!tpu.dma_semaphore, #tpu.memory_space<semaphore_mem>>) src(%dma_wait3A_977 : memref<128xi32, #tpu.memory_space<hbm>>) dst(%dma_wait3A_975 : memref<128xi32, #tpu.memory_space<vmem>>)
        %dma_wait3A_978 = arith.constant 2 : i32
        %dma_wait3A_979 = arith.constant 0 : i32
        %dma_wait3A_980 = tpu.memref_slice %arg8[%dma_wait3A_978, %dma_wait3A_979] : memref<3x128xi32, #tpu.memory_space<vmem>> -> memref<1x128xi32, #tpu.memory_space<vmem>>
        %dma_wait3A_981 = tpu.memref_squeeze %dma_wait3A_980 : memref<1x128xi32, #tpu.memory_space<vmem>> -> memref<128xi32, #tpu.memory_space<vmem>>
        %dma_wait3A_982 = arith.constant 0 : i32
        %dma_wait3A_983 = tpu.memref_slice %arg4[%dma_wait3A_982] : memref<602112xi32, #tpu.memory_space<hbm>> -> memref<128xi32, #tpu.memory_space<hbm>>
        %dma_wait3A_984 = arith.constant 0 : i32
        %dma_wait3A_985 = tpu.memref_slice %arg8[%dma_wait3A_978, %dma_wait3A_984] : memref<3x128xi32, #tpu.memory_space<vmem>> -> memref<1x128xi32, #tpu.memory_space<vmem>>
        %dma_wait3A_986 = tpu.memref_squeeze %dma_wait3A_985 : memref<1x128xi32, #tpu.memory_space<vmem>> -> memref<128xi32, #tpu.memory_space<vmem>>
        %dma_wait3A_987 = arith.constant 0 : i32
        %dma_wait3A_988 = tpu.memref_slice %arg4[%dma_wait3A_987] : memref<602112xi32, #tpu.memory_space<hbm>> -> memref<128xi32, #tpu.memory_space<hbm>>
        tpu.wait_dma2 semaphore(%arg17 : memref<!tpu.dma_semaphore, #tpu.memory_space<semaphore_mem>>) src(%dma_wait3A_988 : memref<128xi32, #tpu.memory_space<hbm>>) dst(%dma_wait3A_986 : memref<128xi32, #tpu.memory_space<vmem>>)
        %dma_wait3A_989 = arith.constant 2 : i32
        %dma_wait3A_990 = arith.constant 0 : i32
        %dma_wait3A_991 = tpu.memref_slice %arg9[%dma_wait3A_989, %dma_wait3A_990] : memref<3x128xf32, #tpu.memory_space<vmem>> -> memref<1x128xf32, #tpu.memory_space<vmem>>
        %dma_wait3A_992 = tpu.memref_squeeze %dma_wait3A_991 : memref<1x128xf32, #tpu.memory_space<vmem>> -> memref<128xf32, #tpu.memory_space<vmem>>
        %dma_wait3A_993 = arith.constant 0 : i32
        %dma_wait3A_994 = tpu.memref_slice %arg5[%dma_wait3A_993] : memref<602112xf32, #tpu.memory_space<hbm>> -> memref<128xf32, #tpu.memory_space<hbm>>
        %dma_wait3A_995 = arith.constant 0 : i32
        %dma_wait3A_996 = tpu.memref_slice %arg9[%dma_wait3A_989, %dma_wait3A_995] : memref<3x128xf32, #tpu.memory_space<vmem>> -> memref<1x128xf32, #tpu.memory_space<vmem>>
        %dma_wait3A_997 = tpu.memref_squeeze %dma_wait3A_996 : memref<1x128xf32, #tpu.memory_space<vmem>> -> memref<128xf32, #tpu.memory_space<vmem>>
        %dma_wait3A_998 = arith.constant 0 : i32
        %dma_wait3A_999 = tpu.memref_slice %arg5[%dma_wait3A_998] : memref<602112xf32, #tpu.memory_space<hbm>> -> memref<128xf32, #tpu.memory_space<hbm>>
        tpu.wait_dma2 semaphore(%arg17 : memref<!tpu.dma_semaphore, #tpu.memory_space<semaphore_mem>>) src(%dma_wait3A_999 : memref<128xf32, #tpu.memory_space<hbm>>) dst(%dma_wait3A_997 : memref<128xf32, #tpu.memory_space<vmem>>)
        %dma_start3A_1000 = arith.constant 2 : i32
        %dma_start3A_1001 = arith.constant 2 : i32
        %dma_start3A_1002 = arith.constant 0 : i32
        %dma_start3A_1003 = arith.constant 0 : i32
        %dma_start3A_1004 = tpu.memref_slice %arg11[%dma_start3A_1001, %dma_start3A_1002, %dma_start3A_1003] : memref<3x128x16xf32, #tpu.memory_space<vmem>> -> memref<1x128x16xf32, #tpu.memory_space<vmem>>
        %dma_start3A_1005 = tpu.memref_squeeze %dma_start3A_1004 : memref<1x128x16xf32, #tpu.memory_space<vmem>> -> memref<128x16xf32, #tpu.memory_space<vmem>>
        %dma_start3A_1006 = arith.constant 0 : i32
        %dma_start3A_1007 = tpu.memref_slice %arg8[%dma_start3A_1000, %dma_start3A_1006] : memref<3x128xi32, #tpu.memory_space<vmem>> -> memref<1x128xi32, #tpu.memory_space<vmem>>
        %dma_start3A_1008 = tpu.memref_squeeze %dma_start3A_1007 : memref<1x128xi32, #tpu.memory_space<vmem>> -> memref<128xi32, #tpu.memory_space<vmem>>
        %dma_start3A_1009 = arith.constant 0 : i32
        %dma_start3A_1010 = arith.constant 0 : i32
        %dma_start3A_1011 = tpu.memref_slice %arg2[%dma_start3A_1009, %dma_start3A_1010] : memref<786432x16xf32, #tpu.memory_space<hbm>> -> memref<786432x16xf32, #tpu.memory_space<hbm>>
        tpu.enqueue_indirect_dma source(%dma_start3A_1011 : memref<786432x16xf32, #tpu.memory_space<hbm>>) target(%dma_start3A_1005 : memref<128x16xf32, #tpu.memory_space<vmem>>) offsets(%dma_start3A_1008 : memref<128xi32, #tpu.memory_space<vmem>>) semaphore(%arg20 : memref<!tpu.dma_semaphore, #tpu.memory_space<semaphore_mem>>)
      } else {
      }
      %add3A_482 = arith.constant 3 : i32
      %add3A_483 = arith.addi %add3A_263, %add3A_482 : i32
      %lt3A_484 = arith.constant 294 : i32
      %lt3A_485 = arith.cmpi slt, %add3A_483, %lt3A_484 : i32
      %convert_element_type3A_486 = arith.extui %lt3A_485 : i1 to i32
      %cond3A_487 = arith.constant 0 : i32
      %cond3A_488 = arith.cmpi ne, %convert_element_type3A_486, %cond3A_487 : i32
      scf.if %cond3A_488 {
        %add3A_967 = arith.constant 3 : i32
        %add3A_968 = arith.addi %add3A_263, %add3A_967 : i32
        %mul3A_969 = arith.constant 128 : i32
        %mul3A_970 = arith.muli %add3A_968, %mul3A_969 : i32
        %add3A_971 = arith.addi %mul3A_0, %mul3A_970 : i32
        %dma_start3A_972 = arith.constant 0 : i32
        %dma_start3A_973 = arith.constant 0 : i32
        %dma_start3A_974 = tpu.memref_slice %arg7[%dma_start3A_972, %dma_start3A_973] : memref<3x128xi32, #tpu.memory_space<vmem>> -> memref<1x128xi32, #tpu.memory_space<vmem>>
        %dma_start3A_975 = tpu.memref_squeeze %dma_start3A_974 : memref<1x128xi32, #tpu.memory_space<vmem>> -> memref<128xi32, #tpu.memory_space<vmem>>
        %dma_start3A_976 = tpu.memref_slice %arg3[%add3A_971] : memref<602112xi32, #tpu.memory_space<hbm>> -> memref<128xi32, #tpu.memory_space<hbm>>
        %dma_start3A_977 = arith.constant 0 : i32
        %dma_start3A_978 = tpu.memref_slice %arg7[%dma_start3A_972, %dma_start3A_977] : memref<3x128xi32, #tpu.memory_space<vmem>> -> memref<1x128xi32, #tpu.memory_space<vmem>>
        %dma_start3A_979 = tpu.memref_squeeze %dma_start3A_978 : memref<1x128xi32, #tpu.memory_space<vmem>> -> memref<128xi32, #tpu.memory_space<vmem>>
        %dma_start3A_980 = tpu.memref_slice %arg3[%add3A_971] : memref<602112xi32, #tpu.memory_space<hbm>> -> memref<128xi32, #tpu.memory_space<hbm>>
        tpu.enqueue_dma source(%dma_start3A_980 : memref<128xi32, #tpu.memory_space<hbm>>) target(%dma_start3A_979 : memref<128xi32, #tpu.memory_space<vmem>>) target_semaphore(%arg15 : memref<!tpu.dma_semaphore, #tpu.memory_space<semaphore_mem>>)
        %dma_start3A_981 = arith.constant 0 : i32
        %dma_start3A_982 = arith.constant 0 : i32
        %dma_start3A_983 = tpu.memref_slice %arg8[%dma_start3A_981, %dma_start3A_982] : memref<3x128xi32, #tpu.memory_space<vmem>> -> memref<1x128xi32, #tpu.memory_space<vmem>>
        %dma_start3A_984 = tpu.memref_squeeze %dma_start3A_983 : memref<1x128xi32, #tpu.memory_space<vmem>> -> memref<128xi32, #tpu.memory_space<vmem>>
        %dma_start3A_985 = tpu.memref_slice %arg4[%add3A_971] : memref<602112xi32, #tpu.memory_space<hbm>> -> memref<128xi32, #tpu.memory_space<hbm>>
        %dma_start3A_986 = arith.constant 0 : i32
        %dma_start3A_987 = tpu.memref_slice %arg8[%dma_start3A_981, %dma_start3A_986] : memref<3x128xi32, #tpu.memory_space<vmem>> -> memref<1x128xi32, #tpu.memory_space<vmem>>
        %dma_start3A_988 = tpu.memref_squeeze %dma_start3A_987 : memref<1x128xi32, #tpu.memory_space<vmem>> -> memref<128xi32, #tpu.memory_space<vmem>>
        %dma_start3A_989 = tpu.memref_slice %arg4[%add3A_971] : memref<602112xi32, #tpu.memory_space<hbm>> -> memref<128xi32, #tpu.memory_space<hbm>>
        tpu.enqueue_dma source(%dma_start3A_989 : memref<128xi32, #tpu.memory_space<hbm>>) target(%dma_start3A_988 : memref<128xi32, #tpu.memory_space<vmem>>) target_semaphore(%arg15 : memref<!tpu.dma_semaphore, #tpu.memory_space<semaphore_mem>>)
        %dma_start3A_990 = arith.constant 0 : i32
        %dma_start3A_991 = arith.constant 0 : i32
        %dma_start3A_992 = tpu.memref_slice %arg9[%dma_start3A_990, %dma_start3A_991] : memref<3x128xf32, #tpu.memory_space<vmem>> -> memref<1x128xf32, #tpu.memory_space<vmem>>
        %dma_start3A_993 = tpu.memref_squeeze %dma_start3A_992 : memref<1x128xf32, #tpu.memory_space<vmem>> -> memref<128xf32, #tpu.memory_space<vmem>>
        %dma_start3A_994 = tpu.memref_slice %arg5[%add3A_971] : memref<602112xf32, #tpu.memory_space<hbm>> -> memref<128xf32, #tpu.memory_space<hbm>>
        %dma_start3A_995 = arith.constant 0 : i32
        %dma_start3A_996 = tpu.memref_slice %arg9[%dma_start3A_990, %dma_start3A_995] : memref<3x128xf32, #tpu.memory_space<vmem>> -> memref<1x128xf32, #tpu.memory_space<vmem>>
        %dma_start3A_997 = tpu.memref_squeeze %dma_start3A_996 : memref<1x128xf32, #tpu.memory_space<vmem>> -> memref<128xf32, #tpu.memory_space<vmem>>
        %dma_start3A_998 = tpu.memref_slice %arg5[%add3A_971] : memref<602112xf32, #tpu.memory_space<hbm>> -> memref<128xf32, #tpu.memory_space<hbm>>
        tpu.enqueue_dma source(%dma_start3A_998 : memref<128xf32, #tpu.memory_space<hbm>>) target(%dma_start3A_997 : memref<128xf32, #tpu.memory_space<vmem>>) target_semaphore(%arg15 : memref<!tpu.dma_semaphore, #tpu.memory_space<semaphore_mem>>)
      } else {
      }
      %mul3A_489 = arith.constant 3 : i32
      %mul3A_490 = arith.muli %add3A_259, %mul3A_489 : i32
      %add3A_491 = arith.constant 1 : i32
      %add3A_492 = arith.addi %mul3A_490, %add3A_491 : i32
      %dma_wait3A_493 = arith.constant 1 : i32
      %dma_wait3A_494 = arith.constant 0 : i32
      %dma_wait3A_495 = arith.constant 0 : i32
      %dma_wait3A_496 = tpu.memref_slice %arg11[%dma_wait3A_493, %dma_wait3A_494, %dma_wait3A_495] : memref<3x128x16xf32, #tpu.memory_space<vmem>> -> memref<1x128x16xf32, #tpu.memory_space<vmem>>
      %dma_wait3A_497 = tpu.memref_squeeze %dma_wait3A_496 : memref<1x128x16xf32, #tpu.memory_space<vmem>> -> memref<128x16xf32, #tpu.memory_space<vmem>>
      %dma_wait3A_498 = arith.constant 0 : i32
      %dma_wait3A_499 = arith.constant 0 : i32
      %dma_wait3A_500 = tpu.memref_slice %arg2[%dma_wait3A_498, %dma_wait3A_499] : memref<786432x16xf32, #tpu.memory_space<hbm>> -> memref<128x16xf32, #tpu.memory_space<hbm>>
      %dma_wait3A_501 = arith.constant 0 : i32
      %dma_wait3A_502 = arith.constant 0 : i32
      %dma_wait3A_503 = tpu.memref_slice %arg11[%dma_wait3A_493, %dma_wait3A_501, %dma_wait3A_502] : memref<3x128x16xf32, #tpu.memory_space<vmem>> -> memref<1x128x16xf32, #tpu.memory_space<vmem>>
      %dma_wait3A_504 = tpu.memref_squeeze %dma_wait3A_503 : memref<1x128x16xf32, #tpu.memory_space<vmem>> -> memref<128x16xf32, #tpu.memory_space<vmem>>
      %dma_wait3A_505 = arith.constant 0 : i32
      %dma_wait3A_506 = arith.constant 0 : i32
      %dma_wait3A_507 = tpu.memref_slice %arg2[%dma_wait3A_505, %dma_wait3A_506] : memref<786432x16xf32, #tpu.memory_space<hbm>> -> memref<128x16xf32, #tpu.memory_space<hbm>>
      tpu.wait_dma2 semaphore(%arg19 : memref<!tpu.dma_semaphore, #tpu.memory_space<semaphore_mem>>) src(%dma_wait3A_507 : memref<128x16xf32, #tpu.memory_space<hbm>>) dst(%dma_wait3A_504 : memref<128x16xf32, #tpu.memory_space<vmem>>)
      %gt3A_508 = arith.constant 0 : i32
      %gt3A_509 = arith.cmpi sgt, %add3A_259, %gt3A_508 : i32
      %convert_element_type3A_510 = arith.extui %gt3A_509 : i1 to i32
      %cond3A_511 = arith.constant 0 : i32
      %cond3A_512 = arith.cmpi ne, %convert_element_type3A_510, %cond3A_511 : i32
      scf.if %cond3A_512 {
        %dma_wait3A_967 = arith.constant 1 : i32
        %dma_wait3A_968 = arith.constant 0 : i32
        %dma_wait3A_969 = arith.constant 0 : i32
        %dma_wait3A_970 = tpu.memref_slice %arg12[%dma_wait3A_967, %dma_wait3A_968, %dma_wait3A_969] : memref<3x128x16xf32, #tpu.memory_space<vmem>> -> memref<1x128x16xf32, #tpu.memory_space<vmem>>
        %dma_wait3A_971 = tpu.memref_squeeze %dma_wait3A_970 : memref<1x128x16xf32, #tpu.memory_space<vmem>> -> memref<128x16xf32, #tpu.memory_space<vmem>>
        %dma_wait3A_972 = arith.constant 0 : i32
        %dma_wait3A_973 = arith.constant 0 : i32
        %dma_wait3A_974 = tpu.memref_slice %arg14[%dma_wait3A_972, %dma_wait3A_973] : memref<75272x16xf32, #tpu.memory_space<vmem_shared>> -> memref<128x16xf32, #tpu.memory_space<vmem_shared>>
        %dma_wait3A_975 = arith.constant 0 : i32
        %dma_wait3A_976 = arith.constant 0 : i32
        %dma_wait3A_977 = tpu.memref_slice %arg14[%dma_wait3A_975, %dma_wait3A_976] : memref<75272x16xf32, #tpu.memory_space<vmem_shared>> -> memref<128x16xf32, #tpu.memory_space<vmem_shared>>
        %dma_wait3A_978 = arith.constant 0 : i32
        %dma_wait3A_979 = arith.constant 0 : i32
        %dma_wait3A_980 = tpu.memref_slice %arg12[%dma_wait3A_967, %dma_wait3A_978, %dma_wait3A_979] : memref<3x128x16xf32, #tpu.memory_space<vmem>> -> memref<1x128x16xf32, #tpu.memory_space<vmem>>
        %dma_wait3A_981 = tpu.memref_squeeze %dma_wait3A_980 : memref<1x128x16xf32, #tpu.memory_space<vmem>> -> memref<128x16xf32, #tpu.memory_space<vmem>>
        tpu.wait_dma2 semaphore(%arg22 : memref<!tpu.dma_semaphore, #tpu.memory_space<semaphore_mem>>) src(%dma_wait3A_981 : memref<128x16xf32, #tpu.memory_space<vmem>>) dst(%dma_wait3A_977 : memref<128x16xf32, #tpu.memory_space<vmem_shared>>)
      } else {
      }
      %get3A_513 = arith.constant 1 : i32
      %get3A_514 = arith.index_cast %get3A_513 : i32 to index
      %get3A_515 = arith.constant 0 : index
      %get3A_516 = tpu.vector_load %arg7[%get3A_514, %get3A_515] {strides = array<i32>} : memref<3x128xi32, #tpu.memory_space<vmem>>, vector<1x16xi32>,
      %get3A_517 = vector.shape_cast %get3A_516 : vector<1x16xi32> to vector<16xi32>
      %sub3A_518 = vector.broadcast %mul3A_2 : i32 to vector<16xi32>
      %sub3A_519 = arith.subi %get3A_517, %sub3A_518 : vector<16xi32>
      %ge3A_520 = arith.constant 0 : i32
      %ge3A_521 = vector.broadcast %ge3A_520 : i32 to vector<16xi32>
      %ge3A_522 = arith.cmpi sge, %sub3A_519, %ge3A_521 : vector<16xi32>
      %lt3A_523 = arith.constant 75264 : i32
      %lt3A_524 = vector.broadcast %lt3A_523 : i32 to vector<16xi32>
      %lt3A_525 = arith.cmpi slt, %sub3A_519, %lt3A_524 : vector<16xi32>
      %and3A_526 = arith.andi %ge3A_522, %lt3A_525 : vector<16xi1>
      %jit3A_527 = arith.constant 75264 : i32
      %broadcast_in_dim3A_528 = vector.broadcast %jit3A_527 : i32 to vector<16xi32>
      %select_n3A_529 = arith.select %and3A_526, %sub3A_519, %broadcast_in_dim3A_528 : vector<16xi1>, vector<16xi32>
      %swap3A_530 = arith.constant 1 : i32
      %swap3A_531 = arith.index_cast %swap3A_530 : i32 to index
      %swap3A_532 = arith.constant 0 : index
      %swap3A_533 = tpu.vector_load %arg10[%swap3A_531, %swap3A_532] {strides = array<i32>} : memref<3x128xi32, #tpu.memory_space<vmem>>, vector<1x16xi32>,
      %swap3A_534 = vector.shape_cast %swap3A_533 : vector<1x16xi32> to vector<16xi32>
      %swap3A_535 = vector.shape_cast %select_n3A_529 : vector<16xi32> to vector<1x16xi32>
      tpu.vector_store %arg10[%swap3A_531, %swap3A_532], %swap3A_535 {strides = array<i32>} : memref<3x128xi32, #tpu.memory_space<vmem>>, vector<1x16xi32>,
      %get3A_536 = arith.constant 1 : i32
      %get3A_537 = arith.index_cast %get3A_536 : i32 to index
      %get3A_538 = arith.constant 16 : index
      %get3A_539 = tpu.vector_load %arg7[%get3A_537, %get3A_538] {strides = array<i32>} : memref<3x128xi32, #tpu.memory_space<vmem>>, vector<1x16xi32>,
      %get3A_540 = vector.shape_cast %get3A_539 : vector<1x16xi32> to vector<16xi32>
      %sub3A_541 = vector.broadcast %mul3A_2 : i32 to vector<16xi32>
      %sub3A_542 = arith.subi %get3A_540, %sub3A_541 : vector<16xi32>
      %ge3A_543 = arith.constant 0 : i32
      %ge3A_544 = vector.broadcast %ge3A_543 : i32 to vector<16xi32>
      %ge3A_545 = arith.cmpi sge, %sub3A_542, %ge3A_544 : vector<16xi32>
      %lt3A_546 = arith.constant 75264 : i32
      %lt3A_547 = vector.broadcast %lt3A_546 : i32 to vector<16xi32>
      %lt3A_548 = arith.cmpi slt, %sub3A_542, %lt3A_547 : vector<16xi32>
      %and3A_549 = arith.andi %ge3A_545, %lt3A_548 : vector<16xi1>
      %jit3A_550 = arith.constant 75264 : i32
      %broadcast_in_dim3A_551 = vector.broadcast %jit3A_550 : i32 to vector<16xi32>
      %select_n3A_552 = arith.select %and3A_549, %sub3A_542, %broadcast_in_dim3A_551 : vector<16xi1>, vector<16xi32>
      %swap3A_553 = arith.constant 1 : i32
      %swap3A_554 = arith.index_cast %swap3A_553 : i32 to index
      %swap3A_555 = arith.constant 16 : index
      %swap3A_556 = tpu.vector_load %arg10[%swap3A_554, %swap3A_555] {strides = array<i32>} : memref<3x128xi32, #tpu.memory_space<vmem>>, vector<1x16xi32>,
      %swap3A_557 = vector.shape_cast %swap3A_556 : vector<1x16xi32> to vector<16xi32>
      %swap3A_558 = vector.shape_cast %select_n3A_552 : vector<16xi32> to vector<1x16xi32>
      tpu.vector_store %arg10[%swap3A_554, %swap3A_555], %swap3A_558 {strides = array<i32>} : memref<3x128xi32, #tpu.memory_space<vmem>>, vector<1x16xi32>,
      %get3A_559 = arith.constant 1 : i32
      %get3A_560 = arith.index_cast %get3A_559 : i32 to index
      %get3A_561 = arith.constant 32 : index
      %get3A_562 = tpu.vector_load %arg7[%get3A_560, %get3A_561] {strides = array<i32>} : memref<3x128xi32, #tpu.memory_space<vmem>>, vector<1x16xi32>,
      %get3A_563 = vector.shape_cast %get3A_562 : vector<1x16xi32> to vector<16xi32>
      %sub3A_564 = vector.broadcast %mul3A_2 : i32 to vector<16xi32>
      %sub3A_565 = arith.subi %get3A_563, %sub3A_564 : vector<16xi32>
      %ge3A_566 = arith.constant 0 : i32
      %ge3A_567 = vector.broadcast %ge3A_566 : i32 to vector<16xi32>
      %ge3A_568 = arith.cmpi sge, %sub3A_565, %ge3A_567 : vector<16xi32>
      %lt3A_569 = arith.constant 75264 : i32
      %lt3A_570 = vector.broadcast %lt3A_569 : i32 to vector<16xi32>
      %lt3A_571 = arith.cmpi slt, %sub3A_565, %lt3A_570 : vector<16xi32>
      %and3A_572 = arith.andi %ge3A_568, %lt3A_571 : vector<16xi1>
      %jit3A_573 = arith.constant 75264 : i32
      %broadcast_in_dim3A_574 = vector.broadcast %jit3A_573 : i32 to vector<16xi32>
      %select_n3A_575 = arith.select %and3A_572, %sub3A_565, %broadcast_in_dim3A_574 : vector<16xi1>, vector<16xi32>
      %swap3A_576 = arith.constant 1 : i32
      %swap3A_577 = arith.index_cast %swap3A_576 : i32 to index
      %swap3A_578 = arith.constant 32 : index
      %swap3A_579 = tpu.vector_load %arg10[%swap3A_577, %swap3A_578] {strides = array<i32>} : memref<3x128xi32, #tpu.memory_space<vmem>>, vector<1x16xi32>,
      %swap3A_580 = vector.shape_cast %swap3A_579 : vector<1x16xi32> to vector<16xi32>
      %swap3A_581 = vector.shape_cast %select_n3A_575 : vector<16xi32> to vector<1x16xi32>
      tpu.vector_store %arg10[%swap3A_577, %swap3A_578], %swap3A_581 {strides = array<i32>} : memref<3x128xi32, #tpu.memory_space<vmem>>, vector<1x16xi32>,
      %get3A_582 = arith.constant 1 : i32
      %get3A_583 = arith.index_cast %get3A_582 : i32 to index
      %get3A_584 = arith.constant 48 : index
      %get3A_585 = tpu.vector_load %arg7[%get3A_583, %get3A_584] {strides = array<i32>} : memref<3x128xi32, #tpu.memory_space<vmem>>, vector<1x16xi32>,
      %get3A_586 = vector.shape_cast %get3A_585 : vector<1x16xi32> to vector<16xi32>
      %sub3A_587 = vector.broadcast %mul3A_2 : i32 to vector<16xi32>
      %sub3A_588 = arith.subi %get3A_586, %sub3A_587 : vector<16xi32>
      %ge3A_589 = arith.constant 0 : i32
      %ge3A_590 = vector.broadcast %ge3A_589 : i32 to vector<16xi32>
      %ge3A_591 = arith.cmpi sge, %sub3A_588, %ge3A_590 : vector<16xi32>
      %lt3A_592 = arith.constant 75264 : i32
      %lt3A_593 = vector.broadcast %lt3A_592 : i32 to vector<16xi32>
      %lt3A_594 = arith.cmpi slt, %sub3A_588, %lt3A_593 : vector<16xi32>
      %and3A_595 = arith.andi %ge3A_591, %lt3A_594 : vector<16xi1>
      %jit3A_596 = arith.constant 75264 : i32
      %broadcast_in_dim3A_597 = vector.broadcast %jit3A_596 : i32 to vector<16xi32>
      %select_n3A_598 = arith.select %and3A_595, %sub3A_588, %broadcast_in_dim3A_597 : vector<16xi1>, vector<16xi32>
      %swap3A_599 = arith.constant 1 : i32
      %swap3A_600 = arith.index_cast %swap3A_599 : i32 to index
      %swap3A_601 = arith.constant 48 : index
      %swap3A_602 = tpu.vector_load %arg10[%swap3A_600, %swap3A_601] {strides = array<i32>} : memref<3x128xi32, #tpu.memory_space<vmem>>, vector<1x16xi32>,
      %swap3A_603 = vector.shape_cast %swap3A_602 : vector<1x16xi32> to vector<16xi32>
      %swap3A_604 = vector.shape_cast %select_n3A_598 : vector<16xi32> to vector<1x16xi32>
      tpu.vector_store %arg10[%swap3A_600, %swap3A_601], %swap3A_604 {strides = array<i32>} : memref<3x128xi32, #tpu.memory_space<vmem>>, vector<1x16xi32>,
      %get3A_605 = arith.constant 1 : i32
      %get3A_606 = arith.index_cast %get3A_605 : i32 to index
      %get3A_607 = arith.constant 64 : index
      %get3A_608 = tpu.vector_load %arg7[%get3A_606, %get3A_607] {strides = array<i32>} : memref<3x128xi32, #tpu.memory_space<vmem>>, vector<1x16xi32>,
      %get3A_609 = vector.shape_cast %get3A_608 : vector<1x16xi32> to vector<16xi32>
      %sub3A_610 = vector.broadcast %mul3A_2 : i32 to vector<16xi32>
      %sub3A_611 = arith.subi %get3A_609, %sub3A_610 : vector<16xi32>
      %ge3A_612 = arith.constant 0 : i32
      %ge3A_613 = vector.broadcast %ge3A_612 : i32 to vector<16xi32>
      %ge3A_614 = arith.cmpi sge, %sub3A_611, %ge3A_613 : vector<16xi32>
      %lt3A_615 = arith.constant 75264 : i32
      %lt3A_616 = vector.broadcast %lt3A_615 : i32 to vector<16xi32>
      %lt3A_617 = arith.cmpi slt, %sub3A_611, %lt3A_616 : vector<16xi32>
      %and3A_618 = arith.andi %ge3A_614, %lt3A_617 : vector<16xi1>
      %jit3A_619 = arith.constant 75264 : i32
      %broadcast_in_dim3A_620 = vector.broadcast %jit3A_619 : i32 to vector<16xi32>
      %select_n3A_621 = arith.select %and3A_618, %sub3A_611, %broadcast_in_dim3A_620 : vector<16xi1>, vector<16xi32>
      %swap3A_622 = arith.constant 1 : i32
      %swap3A_623 = arith.index_cast %swap3A_622 : i32 to index
      %swap3A_624 = arith.constant 64 : index
      %swap3A_625 = tpu.vector_load %arg10[%swap3A_623, %swap3A_624] {strides = array<i32>} : memref<3x128xi32, #tpu.memory_space<vmem>>, vector<1x16xi32>,
      %swap3A_626 = vector.shape_cast %swap3A_625 : vector<1x16xi32> to vector<16xi32>
      %swap3A_627 = vector.shape_cast %select_n3A_621 : vector<16xi32> to vector<1x16xi32>
      tpu.vector_store %arg10[%swap3A_623, %swap3A_624], %swap3A_627 {strides = array<i32>} : memref<3x128xi32, #tpu.memory_space<vmem>>, vector<1x16xi32>,
      %get3A_628 = arith.constant 1 : i32
      %get3A_629 = arith.index_cast %get3A_628 : i32 to index
      %get3A_630 = arith.constant 80 : index
      %get3A_631 = tpu.vector_load %arg7[%get3A_629, %get3A_630] {strides = array<i32>} : memref<3x128xi32, #tpu.memory_space<vmem>>, vector<1x16xi32>,
      %get3A_632 = vector.shape_cast %get3A_631 : vector<1x16xi32> to vector<16xi32>
      %sub3A_633 = vector.broadcast %mul3A_2 : i32 to vector<16xi32>
      %sub3A_634 = arith.subi %get3A_632, %sub3A_633 : vector<16xi32>
      %ge3A_635 = arith.constant 0 : i32
      %ge3A_636 = vector.broadcast %ge3A_635 : i32 to vector<16xi32>
      %ge3A_637 = arith.cmpi sge, %sub3A_634, %ge3A_636 : vector<16xi32>
      %lt3A_638 = arith.constant 75264 : i32
      %lt3A_639 = vector.broadcast %lt3A_638 : i32 to vector<16xi32>
      %lt3A_640 = arith.cmpi slt, %sub3A_634, %lt3A_639 : vector<16xi32>
      %and3A_641 = arith.andi %ge3A_637, %lt3A_640 : vector<16xi1>
      %jit3A_642 = arith.constant 75264 : i32
      %broadcast_in_dim3A_643 = vector.broadcast %jit3A_642 : i32 to vector<16xi32>
      %select_n3A_644 = arith.select %and3A_641, %sub3A_634, %broadcast_in_dim3A_643 : vector<16xi1>, vector<16xi32>
      %swap3A_645 = arith.constant 1 : i32
      %swap3A_646 = arith.index_cast %swap3A_645 : i32 to index
      %swap3A_647 = arith.constant 80 : index
      %swap3A_648 = tpu.vector_load %arg10[%swap3A_646, %swap3A_647] {strides = array<i32>} : memref<3x128xi32, #tpu.memory_space<vmem>>, vector<1x16xi32>,
      %swap3A_649 = vector.shape_cast %swap3A_648 : vector<1x16xi32> to vector<16xi32>
      %swap3A_650 = vector.shape_cast %select_n3A_644 : vector<16xi32> to vector<1x16xi32>
      tpu.vector_store %arg10[%swap3A_646, %swap3A_647], %swap3A_650 {strides = array<i32>} : memref<3x128xi32, #tpu.memory_space<vmem>>, vector<1x16xi32>,
      %get3A_651 = arith.constant 1 : i32
      %get3A_652 = arith.index_cast %get3A_651 : i32 to index
      %get3A_653 = arith.constant 96 : index
      %get3A_654 = tpu.vector_load %arg7[%get3A_652, %get3A_653] {strides = array<i32>} : memref<3x128xi32, #tpu.memory_space<vmem>>, vector<1x16xi32>,
      %get3A_655 = vector.shape_cast %get3A_654 : vector<1x16xi32> to vector<16xi32>
      %sub3A_656 = vector.broadcast %mul3A_2 : i32 to vector<16xi32>
      %sub3A_657 = arith.subi %get3A_655, %sub3A_656 : vector<16xi32>
      %ge3A_658 = arith.constant 0 : i32
      %ge3A_659 = vector.broadcast %ge3A_658 : i32 to vector<16xi32>
      %ge3A_660 = arith.cmpi sge, %sub3A_657, %ge3A_659 : vector<16xi32>
      %lt3A_661 = arith.constant 75264 : i32
      %lt3A_662 = vector.broadcast %lt3A_661 : i32 to vector<16xi32>
      %lt3A_663 = arith.cmpi slt, %sub3A_657, %lt3A_662 : vector<16xi32>
      %and3A_664 = arith.andi %ge3A_660, %lt3A_663 : vector<16xi1>
      %jit3A_665 = arith.constant 75264 : i32
      %broadcast_in_dim3A_666 = vector.broadcast %jit3A_665 : i32 to vector<16xi32>
      %select_n3A_667 = arith.select %and3A_664, %sub3A_657, %broadcast_in_dim3A_666 : vector<16xi1>, vector<16xi32>
      %swap3A_668 = arith.constant 1 : i32
      %swap3A_669 = arith.index_cast %swap3A_668 : i32 to index
      %swap3A_670 = arith.constant 96 : index
      %swap3A_671 = tpu.vector_load %arg10[%swap3A_669, %swap3A_670] {strides = array<i32>} : memref<3x128xi32, #tpu.memory_space<vmem>>, vector<1x16xi32>,
      %swap3A_672 = vector.shape_cast %swap3A_671 : vector<1x16xi32> to vector<16xi32>
      %swap3A_673 = vector.shape_cast %select_n3A_667 : vector<16xi32> to vector<1x16xi32>
      tpu.vector_store %arg10[%swap3A_669, %swap3A_670], %swap3A_673 {strides = array<i32>} : memref<3x128xi32, #tpu.memory_space<vmem>>, vector<1x16xi32>,
      %get3A_674 = arith.constant 1 : i32
      %get3A_675 = arith.index_cast %get3A_674 : i32 to index
      %get3A_676 = arith.constant 112 : index
      %get3A_677 = tpu.vector_load %arg7[%get3A_675, %get3A_676] {strides = array<i32>} : memref<3x128xi32, #tpu.memory_space<vmem>>, vector<1x16xi32>,
      %get3A_678 = vector.shape_cast %get3A_677 : vector<1x16xi32> to vector<16xi32>
      %sub3A_679 = vector.broadcast %mul3A_2 : i32 to vector<16xi32>
      %sub3A_680 = arith.subi %get3A_678, %sub3A_679 : vector<16xi32>
      %ge3A_681 = arith.constant 0 : i32
      %ge3A_682 = vector.broadcast %ge3A_681 : i32 to vector<16xi32>
      %ge3A_683 = arith.cmpi sge, %sub3A_680, %ge3A_682 : vector<16xi32>
      %lt3A_684 = arith.constant 75264 : i32
      %lt3A_685 = vector.broadcast %lt3A_684 : i32 to vector<16xi32>
      %lt3A_686 = arith.cmpi slt, %sub3A_680, %lt3A_685 : vector<16xi32>
      %and3A_687 = arith.andi %ge3A_683, %lt3A_686 : vector<16xi1>
      %jit3A_688 = arith.constant 75264 : i32
      %broadcast_in_dim3A_689 = vector.broadcast %jit3A_688 : i32 to vector<16xi32>
      %select_n3A_690 = arith.select %and3A_687, %sub3A_680, %broadcast_in_dim3A_689 : vector<16xi1>, vector<16xi32>
      %swap3A_691 = arith.constant 1 : i32
      %swap3A_692 = arith.index_cast %swap3A_691 : i32 to index
      %swap3A_693 = arith.constant 112 : index
      %swap3A_694 = tpu.vector_load %arg10[%swap3A_692, %swap3A_693] {strides = array<i32>} : memref<3x128xi32, #tpu.memory_space<vmem>>, vector<1x16xi32>,
      %swap3A_695 = vector.shape_cast %swap3A_694 : vector<1x16xi32> to vector<16xi32>
      %swap3A_696 = vector.shape_cast %select_n3A_690 : vector<16xi32> to vector<1x16xi32>
      tpu.vector_store %arg10[%swap3A_692, %swap3A_693], %swap3A_696 {strides = array<i32>} : memref<3x128xi32, #tpu.memory_space<vmem>>, vector<1x16xi32>,
      %scan3A_697 = arith.constant 0 : i32
      %scan3A_698 = arith.constant 8 : i32
      %scan3A_699 = arith.addi %scan3A_697, %scan3A_698 : i32
      %scan3A_700 = arith.constant 1 : i32
      scf.for %scan3A_967 = %scan3A_697 to %scan3A_699 step %scan3A_700  : i32 {
        %mul3A_968 = arith.constant 1 : i32
        %mul3A_969 = arith.muli %scan3A_967, %mul3A_968 : i32
        %add3A_970 = arith.constant 0 : i32
        %add3A_971 = arith.addi %add3A_970, %mul3A_969 : i32
        %mul3A_972 = arith.constant 16 : i32
        %mul3A_973 = arith.muli %add3A_971, %mul3A_972 : i32
        %get3A_974 = arith.constant 1 : i32
        %get3A_975 = arith.index_cast %get3A_974 : i32 to index
        %get3A_976 = arith.index_cast %mul3A_973 : i32 to index
        %get3A_977 = tpu.vector_load %arg9[%get3A_975, %get3A_976] {strides = array<i32>} : memref<3x128xf32, #tpu.memory_space<vmem>>, vector<1x16xf32>,
        %get3A_978 = vector.shape_cast %get3A_977 : vector<1x16xf32> to vector<16xf32>
        %add3A_979 = arith.constant 0 : i32
        %add3A_980 = arith.addi %mul3A_973, %add3A_979 : i32
        %get3A_981 = arith.constant 1 : i32
        %get3A_982 = arith.index_cast %get3A_981 : i32 to index
        %get3A_983 = arith.index_cast %add3A_980 : i32 to index
        %get3A_984 = arith.constant 0 : index
        %get3A_985 = tpu.vector_load %arg11[%get3A_982, %get3A_983, %get3A_984] {strides = array<i32>} : memref<3x128x16xf32, #tpu.memory_space<vmem>>, vector<1x1x16xf32>,
        %get3A_986 = vector.shape_cast %get3A_985 : vector<1x1x16xf32> to vector<16xf32>
        %slice3A = vector.extract_strided_slice %get3A_978 {offsets = [0], sizes = [1], strides = [1]} : vector<16xf32> to vector<1xf32>
        %squeeze3A = vector.extract %slice3A[0] : f32 from vector<1xf32>
        %mul3A_987 = vector.broadcast %squeeze3A : f32 to vector<16xf32>
        %mul3A_988 = arith.mulf %get3A_986, %mul3A_987 : vector<16xf32>
        %add3A_989 = arith.constant 0 : i32
        %add3A_990 = arith.addi %mul3A_973, %add3A_989 : i32
        %swap3A_991 = arith.constant 1 : i32
        %swap3A_992 = arith.index_cast %swap3A_991 : i32 to index
        %swap3A_993 = arith.index_cast %add3A_990 : i32 to index
        %swap3A_994 = arith.constant 0 : index
        %swap3A_995 = tpu.vector_load %arg12[%swap3A_992, %swap3A_993, %swap3A_994] {strides = array<i32>} : memref<3x128x16xf32, #tpu.memory_space<vmem>>, vector<1x1x16xf32>,
        %swap3A_996 = vector.shape_cast %swap3A_995 : vector<1x1x16xf32> to vector<16xf32>
        %swap3A_997 = vector.shape_cast %mul3A_988 : vector<16xf32> to vector<1x1x16xf32>
        tpu.vector_store %arg12[%swap3A_992, %swap3A_993, %swap3A_994], %swap3A_997 {strides = array<i32>} : memref<3x128x16xf32, #tpu.memory_space<vmem>>, vector<1x1x16xf32>,
        %add3A_998 = arith.constant 1 : i32
        %add3A_999 = arith.addi %mul3A_973, %add3A_998 : i32
        %get3A_1000 = arith.constant 1 : i32
        %get3A_1001 = arith.index_cast %get3A_1000 : i32 to index
        %get3A_1002 = arith.index_cast %add3A_999 : i32 to index
        %get3A_1003 = arith.constant 0 : index
        %get3A_1004 = tpu.vector_load %arg11[%get3A_1001, %get3A_1002, %get3A_1003] {strides = array<i32>} : memref<3x128x16xf32, #tpu.memory_space<vmem>>, vector<1x1x16xf32>,
        %get3A_1005 = vector.shape_cast %get3A_1004 : vector<1x1x16xf32> to vector<16xf32>
        %slice3A_1006 = vector.extract_strided_slice %get3A_978 {offsets = [1], sizes = [1], strides = [1]} : vector<16xf32> to vector<1xf32>
        %squeeze3A_1007 = vector.extract %slice3A_1006[0] : f32 from vector<1xf32>
        %mul3A_1008 = vector.broadcast %squeeze3A_1007 : f32 to vector<16xf32>
        %mul3A_1009 = arith.mulf %get3A_1005, %mul3A_1008 : vector<16xf32>
        %add3A_1010 = arith.constant 1 : i32
        %add3A_1011 = arith.addi %mul3A_973, %add3A_1010 : i32
        %swap3A_1012 = arith.constant 1 : i32
        %swap3A_1013 = arith.index_cast %swap3A_1012 : i32 to index
        %swap3A_1014 = arith.index_cast %add3A_1011 : i32 to index
        %swap3A_1015 = arith.constant 0 : index
        %swap3A_1016 = tpu.vector_load %arg12[%swap3A_1013, %swap3A_1014, %swap3A_1015] {strides = array<i32>} : memref<3x128x16xf32, #tpu.memory_space<vmem>>, vector<1x1x16xf32>,
        %swap3A_1017 = vector.shape_cast %swap3A_1016 : vector<1x1x16xf32> to vector<16xf32>
        %swap3A_1018 = vector.shape_cast %mul3A_1009 : vector<16xf32> to vector<1x1x16xf32>
        tpu.vector_store %arg12[%swap3A_1013, %swap3A_1014, %swap3A_1015], %swap3A_1018 {strides = array<i32>} : memref<3x128x16xf32, #tpu.memory_space<vmem>>, vector<1x1x16xf32>,
        %add3A_1019 = arith.constant 2 : i32
        %add3A_1020 = arith.addi %mul3A_973, %add3A_1019 : i32
        %get3A_1021 = arith.constant 1 : i32
        %get3A_1022 = arith.index_cast %get3A_1021 : i32 to index
        %get3A_1023 = arith.index_cast %add3A_1020 : i32 to index
        %get3A_1024 = arith.constant 0 : index
        %get3A_1025 = tpu.vector_load %arg11[%get3A_1022, %get3A_1023, %get3A_1024] {strides = array<i32>} : memref<3x128x16xf32, #tpu.memory_space<vmem>>, vector<1x1x16xf32>,
        %get3A_1026 = vector.shape_cast %get3A_1025 : vector<1x1x16xf32> to vector<16xf32>
        %slice3A_1027 = vector.extract_strided_slice %get3A_978 {offsets = [2], sizes = [1], strides = [1]} : vector<16xf32> to vector<1xf32>
        %squeeze3A_1028 = vector.extract %slice3A_1027[0] : f32 from vector<1xf32>
        %mul3A_1029 = vector.broadcast %squeeze3A_1028 : f32 to vector<16xf32>
        %mul3A_1030 = arith.mulf %get3A_1026, %mul3A_1029 : vector<16xf32>
        %add3A_1031 = arith.constant 2 : i32
        %add3A_1032 = arith.addi %mul3A_973, %add3A_1031 : i32
        %swap3A_1033 = arith.constant 1 : i32
        %swap3A_1034 = arith.index_cast %swap3A_1033 : i32 to index
        %swap3A_1035 = arith.index_cast %add3A_1032 : i32 to index
        %swap3A_1036 = arith.constant 0 : index
        %swap3A_1037 = tpu.vector_load %arg12[%swap3A_1034, %swap3A_1035, %swap3A_1036] {strides = array<i32>} : memref<3x128x16xf32, #tpu.memory_space<vmem>>, vector<1x1x16xf32>,
        %swap3A_1038 = vector.shape_cast %swap3A_1037 : vector<1x1x16xf32> to vector<16xf32>
        %swap3A_1039 = vector.shape_cast %mul3A_1030 : vector<16xf32> to vector<1x1x16xf32>
        tpu.vector_store %arg12[%swap3A_1034, %swap3A_1035, %swap3A_1036], %swap3A_1039 {strides = array<i32>} : memref<3x128x16xf32, #tpu.memory_space<vmem>>, vector<1x1x16xf32>,
        %add3A_1040 = arith.constant 3 : i32
        %add3A_1041 = arith.addi %mul3A_973, %add3A_1040 : i32
        %get3A_1042 = arith.constant 1 : i32
        %get3A_1043 = arith.index_cast %get3A_1042 : i32 to index
        %get3A_1044 = arith.index_cast %add3A_1041 : i32 to index
        %get3A_1045 = arith.constant 0 : index
        %get3A_1046 = tpu.vector_load %arg11[%get3A_1043, %get3A_1044, %get3A_1045] {strides = array<i32>} : memref<3x128x16xf32, #tpu.memory_space<vmem>>, vector<1x1x16xf32>,
        %get3A_1047 = vector.shape_cast %get3A_1046 : vector<1x1x16xf32> to vector<16xf32>
        %slice3A_1048 = vector.extract_strided_slice %get3A_978 {offsets = [3], sizes = [1], strides = [1]} : vector<16xf32> to vector<1xf32>
        %squeeze3A_1049 = vector.extract %slice3A_1048[0] : f32 from vector<1xf32>
        %mul3A_1050 = vector.broadcast %squeeze3A_1049 : f32 to vector<16xf32>
        %mul3A_1051 = arith.mulf %get3A_1047, %mul3A_1050 : vector<16xf32>
        %add3A_1052 = arith.constant 3 : i32
        %add3A_1053 = arith.addi %mul3A_973, %add3A_1052 : i32
        %swap3A_1054 = arith.constant 1 : i32
        %swap3A_1055 = arith.index_cast %swap3A_1054 : i32 to index
        %swap3A_1056 = arith.index_cast %add3A_1053 : i32 to index
        %swap3A_1057 = arith.constant 0 : index
        %swap3A_1058 = tpu.vector_load %arg12[%swap3A_1055, %swap3A_1056, %swap3A_1057] {strides = array<i32>} : memref<3x128x16xf32, #tpu.memory_space<vmem>>, vector<1x1x16xf32>,
        %swap3A_1059 = vector.shape_cast %swap3A_1058 : vector<1x1x16xf32> to vector<16xf32>
        %swap3A_1060 = vector.shape_cast %mul3A_1051 : vector<16xf32> to vector<1x1x16xf32>
        tpu.vector_store %arg12[%swap3A_1055, %swap3A_1056, %swap3A_1057], %swap3A_1060 {strides = array<i32>} : memref<3x128x16xf32, #tpu.memory_space<vmem>>, vector<1x1x16xf32>,
        %add3A_1061 = arith.constant 4 : i32
        %add3A_1062 = arith.addi %mul3A_973, %add3A_1061 : i32
        %get3A_1063 = arith.constant 1 : i32
        %get3A_1064 = arith.index_cast %get3A_1063 : i32 to index
        %get3A_1065 = arith.index_cast %add3A_1062 : i32 to index
        %get3A_1066 = arith.constant 0 : index
        %get3A_1067 = tpu.vector_load %arg11[%get3A_1064, %get3A_1065, %get3A_1066] {strides = array<i32>} : memref<3x128x16xf32, #tpu.memory_space<vmem>>, vector<1x1x16xf32>,
        %get3A_1068 = vector.shape_cast %get3A_1067 : vector<1x1x16xf32> to vector<16xf32>
        %slice3A_1069 = vector.extract_strided_slice %get3A_978 {offsets = [4], sizes = [1], strides = [1]} : vector<16xf32> to vector<1xf32>
        %squeeze3A_1070 = vector.extract %slice3A_1069[0] : f32 from vector<1xf32>
        %mul3A_1071 = vector.broadcast %squeeze3A_1070 : f32 to vector<16xf32>
        %mul3A_1072 = arith.mulf %get3A_1068, %mul3A_1071 : vector<16xf32>
        %add3A_1073 = arith.constant 4 : i32
        %add3A_1074 = arith.addi %mul3A_973, %add3A_1073 : i32
        %swap3A_1075 = arith.constant 1 : i32
        %swap3A_1076 = arith.index_cast %swap3A_1075 : i32 to index
        %swap3A_1077 = arith.index_cast %add3A_1074 : i32 to index
        %swap3A_1078 = arith.constant 0 : index
        %swap3A_1079 = tpu.vector_load %arg12[%swap3A_1076, %swap3A_1077, %swap3A_1078] {strides = array<i32>} : memref<3x128x16xf32, #tpu.memory_space<vmem>>, vector<1x1x16xf32>,
        %swap3A_1080 = vector.shape_cast %swap3A_1079 : vector<1x1x16xf32> to vector<16xf32>
        %swap3A_1081 = vector.shape_cast %mul3A_1072 : vector<16xf32> to vector<1x1x16xf32>
        tpu.vector_store %arg12[%swap3A_1076, %swap3A_1077, %swap3A_1078], %swap3A_1081 {strides = array<i32>} : memref<3x128x16xf32, #tpu.memory_space<vmem>>, vector<1x1x16xf32>,
        %add3A_1082 = arith.constant 5 : i32
        %add3A_1083 = arith.addi %mul3A_973, %add3A_1082 : i32
        %get3A_1084 = arith.constant 1 : i32
        %get3A_1085 = arith.index_cast %get3A_1084 : i32 to index
        %get3A_1086 = arith.index_cast %add3A_1083 : i32 to index
        %get3A_1087 = arith.constant 0 : index
        %get3A_1088 = tpu.vector_load %arg11[%get3A_1085, %get3A_1086, %get3A_1087] {strides = array<i32>} : memref<3x128x16xf32, #tpu.memory_space<vmem>>, vector<1x1x16xf32>,
        %get3A_1089 = vector.shape_cast %get3A_1088 : vector<1x1x16xf32> to vector<16xf32>
        %slice3A_1090 = vector.extract_strided_slice %get3A_978 {offsets = [5], sizes = [1], strides = [1]} : vector<16xf32> to vector<1xf32>
        %squeeze3A_1091 = vector.extract %slice3A_1090[0] : f32 from vector<1xf32>
        %mul3A_1092 = vector.broadcast %squeeze3A_1091 : f32 to vector<16xf32>
        %mul3A_1093 = arith.mulf %get3A_1089, %mul3A_1092 : vector<16xf32>
        %add3A_1094 = arith.constant 5 : i32
        %add3A_1095 = arith.addi %mul3A_973, %add3A_1094 : i32
        %swap3A_1096 = arith.constant 1 : i32
        %swap3A_1097 = arith.index_cast %swap3A_1096 : i32 to index
        %swap3A_1098 = arith.index_cast %add3A_1095 : i32 to index
        %swap3A_1099 = arith.constant 0 : index
        %swap3A_1100 = tpu.vector_load %arg12[%swap3A_1097, %swap3A_1098, %swap3A_1099] {strides = array<i32>} : memref<3x128x16xf32, #tpu.memory_space<vmem>>, vector<1x1x16xf32>,
        %swap3A_1101 = vector.shape_cast %swap3A_1100 : vector<1x1x16xf32> to vector<16xf32>
        %swap3A_1102 = vector.shape_cast %mul3A_1093 : vector<16xf32> to vector<1x1x16xf32>
        tpu.vector_store %arg12[%swap3A_1097, %swap3A_1098, %swap3A_1099], %swap3A_1102 {strides = array<i32>} : memref<3x128x16xf32, #tpu.memory_space<vmem>>, vector<1x1x16xf32>,
        %add3A_1103 = arith.constant 6 : i32
        %add3A_1104 = arith.addi %mul3A_973, %add3A_1103 : i32
        %get3A_1105 = arith.constant 1 : i32
        %get3A_1106 = arith.index_cast %get3A_1105 : i32 to index
        %get3A_1107 = arith.index_cast %add3A_1104 : i32 to index
        %get3A_1108 = arith.constant 0 : index
        %get3A_1109 = tpu.vector_load %arg11[%get3A_1106, %get3A_1107, %get3A_1108] {strides = array<i32>} : memref<3x128x16xf32, #tpu.memory_space<vmem>>, vector<1x1x16xf32>,
        %get3A_1110 = vector.shape_cast %get3A_1109 : vector<1x1x16xf32> to vector<16xf32>
        %slice3A_1111 = vector.extract_strided_slice %get3A_978 {offsets = [6], sizes = [1], strides = [1]} : vector<16xf32> to vector<1xf32>
        %squeeze3A_1112 = vector.extract %slice3A_1111[0] : f32 from vector<1xf32>
        %mul3A_1113 = vector.broadcast %squeeze3A_1112 : f32 to vector<16xf32>
        %mul3A_1114 = arith.mulf %get3A_1110, %mul3A_1113 : vector<16xf32>
        %add3A_1115 = arith.constant 6 : i32
        %add3A_1116 = arith.addi %mul3A_973, %add3A_1115 : i32
        %swap3A_1117 = arith.constant 1 : i32
        %swap3A_1118 = arith.index_cast %swap3A_1117 : i32 to index
        %swap3A_1119 = arith.index_cast %add3A_1116 : i32 to index
        %swap3A_1120 = arith.constant 0 : index
        %swap3A_1121 = tpu.vector_load %arg12[%swap3A_1118, %swap3A_1119, %swap3A_1120] {strides = array<i32>} : memref<3x128x16xf32, #tpu.memory_space<vmem>>, vector<1x1x16xf32>,
        %swap3A_1122 = vector.shape_cast %swap3A_1121 : vector<1x1x16xf32> to vector<16xf32>
        %swap3A_1123 = vector.shape_cast %mul3A_1114 : vector<16xf32> to vector<1x1x16xf32>
        tpu.vector_store %arg12[%swap3A_1118, %swap3A_1119, %swap3A_1120], %swap3A_1123 {strides = array<i32>} : memref<3x128x16xf32, #tpu.memory_space<vmem>>, vector<1x1x16xf32>,
        %add3A_1124 = arith.constant 7 : i32
        %add3A_1125 = arith.addi %mul3A_973, %add3A_1124 : i32
        %get3A_1126 = arith.constant 1 : i32
        %get3A_1127 = arith.index_cast %get3A_1126 : i32 to index
        %get3A_1128 = arith.index_cast %add3A_1125 : i32 to index
        %get3A_1129 = arith.constant 0 : index
        %get3A_1130 = tpu.vector_load %arg11[%get3A_1127, %get3A_1128, %get3A_1129] {strides = array<i32>} : memref<3x128x16xf32, #tpu.memory_space<vmem>>, vector<1x1x16xf32>,
        %get3A_1131 = vector.shape_cast %get3A_1130 : vector<1x1x16xf32> to vector<16xf32>
        %slice3A_1132 = vector.extract_strided_slice %get3A_978 {offsets = [7], sizes = [1], strides = [1]} : vector<16xf32> to vector<1xf32>
        %squeeze3A_1133 = vector.extract %slice3A_1132[0] : f32 from vector<1xf32>
        %mul3A_1134 = vector.broadcast %squeeze3A_1133 : f32 to vector<16xf32>
        %mul3A_1135 = arith.mulf %get3A_1131, %mul3A_1134 : vector<16xf32>
        %add3A_1136 = arith.constant 7 : i32
        %add3A_1137 = arith.addi %mul3A_973, %add3A_1136 : i32
        %swap3A_1138 = arith.constant 1 : i32
        %swap3A_1139 = arith.index_cast %swap3A_1138 : i32 to index
        %swap3A_1140 = arith.index_cast %add3A_1137 : i32 to index
        %swap3A_1141 = arith.constant 0 : index
        %swap3A_1142 = tpu.vector_load %arg12[%swap3A_1139, %swap3A_1140, %swap3A_1141] {strides = array<i32>} : memref<3x128x16xf32, #tpu.memory_space<vmem>>, vector<1x1x16xf32>,
        %swap3A_1143 = vector.shape_cast %swap3A_1142 : vector<1x1x16xf32> to vector<16xf32>
        %swap3A_1144 = vector.shape_cast %mul3A_1135 : vector<16xf32> to vector<1x1x16xf32>
        tpu.vector_store %arg12[%swap3A_1139, %swap3A_1140, %swap3A_1141], %swap3A_1144 {strides = array<i32>} : memref<3x128x16xf32, #tpu.memory_space<vmem>>, vector<1x1x16xf32>,
        %add3A_1145 = arith.constant 8 : i32
        %add3A_1146 = arith.addi %mul3A_973, %add3A_1145 : i32
        %get3A_1147 = arith.constant 1 : i32
        %get3A_1148 = arith.index_cast %get3A_1147 : i32 to index
        %get3A_1149 = arith.index_cast %add3A_1146 : i32 to index
        %get3A_1150 = arith.constant 0 : index
        %get3A_1151 = tpu.vector_load %arg11[%get3A_1148, %get3A_1149, %get3A_1150] {strides = array<i32>} : memref<3x128x16xf32, #tpu.memory_space<vmem>>, vector<1x1x16xf32>,
        %get3A_1152 = vector.shape_cast %get3A_1151 : vector<1x1x16xf32> to vector<16xf32>
        %slice3A_1153 = vector.extract_strided_slice %get3A_978 {offsets = [8], sizes = [1], strides = [1]} : vector<16xf32> to vector<1xf32>
        %squeeze3A_1154 = vector.extract %slice3A_1153[0] : f32 from vector<1xf32>
        %mul3A_1155 = vector.broadcast %squeeze3A_1154 : f32 to vector<16xf32>
        %mul3A_1156 = arith.mulf %get3A_1152, %mul3A_1155 : vector<16xf32>
        %add3A_1157 = arith.constant 8 : i32
        %add3A_1158 = arith.addi %mul3A_973, %add3A_1157 : i32
        %swap3A_1159 = arith.constant 1 : i32
        %swap3A_1160 = arith.index_cast %swap3A_1159 : i32 to index
        %swap3A_1161 = arith.index_cast %add3A_1158 : i32 to index
        %swap3A_1162 = arith.constant 0 : index
        %swap3A_1163 = tpu.vector_load %arg12[%swap3A_1160, %swap3A_1161, %swap3A_1162] {strides = array<i32>} : memref<3x128x16xf32, #tpu.memory_space<vmem>>, vector<1x1x16xf32>,
        %swap3A_1164 = vector.shape_cast %swap3A_1163 : vector<1x1x16xf32> to vector<16xf32>
        %swap3A_1165 = vector.shape_cast %mul3A_1156 : vector<16xf32> to vector<1x1x16xf32>
        tpu.vector_store %arg12[%swap3A_1160, %swap3A_1161, %swap3A_1162], %swap3A_1165 {strides = array<i32>} : memref<3x128x16xf32, #tpu.memory_space<vmem>>, vector<1x1x16xf32>,
        %add3A_1166 = arith.constant 9 : i32
        %add3A_1167 = arith.addi %mul3A_973, %add3A_1166 : i32
        %get3A_1168 = arith.constant 1 : i32
        %get3A_1169 = arith.index_cast %get3A_1168 : i32 to index
        %get3A_1170 = arith.index_cast %add3A_1167 : i32 to index
        %get3A_1171 = arith.constant 0 : index
        %get3A_1172 = tpu.vector_load %arg11[%get3A_1169, %get3A_1170, %get3A_1171] {strides = array<i32>} : memref<3x128x16xf32, #tpu.memory_space<vmem>>, vector<1x1x16xf32>,
        %get3A_1173 = vector.shape_cast %get3A_1172 : vector<1x1x16xf32> to vector<16xf32>
        %slice3A_1174 = vector.extract_strided_slice %get3A_978 {offsets = [9], sizes = [1], strides = [1]} : vector<16xf32> to vector<1xf32>
        %squeeze3A_1175 = vector.extract %slice3A_1174[0] : f32 from vector<1xf32>
        %mul3A_1176 = vector.broadcast %squeeze3A_1175 : f32 to vector<16xf32>
        %mul3A_1177 = arith.mulf %get3A_1173, %mul3A_1176 : vector<16xf32>
        %add3A_1178 = arith.constant 9 : i32
        %add3A_1179 = arith.addi %mul3A_973, %add3A_1178 : i32
        %swap3A_1180 = arith.constant 1 : i32
        %swap3A_1181 = arith.index_cast %swap3A_1180 : i32 to index
        %swap3A_1182 = arith.index_cast %add3A_1179 : i32 to index
        %swap3A_1183 = arith.constant 0 : index
        %swap3A_1184 = tpu.vector_load %arg12[%swap3A_1181, %swap3A_1182, %swap3A_1183] {strides = array<i32>} : memref<3x128x16xf32, #tpu.memory_space<vmem>>, vector<1x1x16xf32>,
        %swap3A_1185 = vector.shape_cast %swap3A_1184 : vector<1x1x16xf32> to vector<16xf32>
        %swap3A_1186 = vector.shape_cast %mul3A_1177 : vector<16xf32> to vector<1x1x16xf32>
        tpu.vector_store %arg12[%swap3A_1181, %swap3A_1182, %swap3A_1183], %swap3A_1186 {strides = array<i32>} : memref<3x128x16xf32, #tpu.memory_space<vmem>>, vector<1x1x16xf32>,
        %add3A_1187 = arith.constant 10 : i32
        %add3A_1188 = arith.addi %mul3A_973, %add3A_1187 : i32
        %get3A_1189 = arith.constant 1 : i32
        %get3A_1190 = arith.index_cast %get3A_1189 : i32 to index
        %get3A_1191 = arith.index_cast %add3A_1188 : i32 to index
        %get3A_1192 = arith.constant 0 : index
        %get3A_1193 = tpu.vector_load %arg11[%get3A_1190, %get3A_1191, %get3A_1192] {strides = array<i32>} : memref<3x128x16xf32, #tpu.memory_space<vmem>>, vector<1x1x16xf32>,
        %get3A_1194 = vector.shape_cast %get3A_1193 : vector<1x1x16xf32> to vector<16xf32>
        %slice3A_1195 = vector.extract_strided_slice %get3A_978 {offsets = [10], sizes = [1], strides = [1]} : vector<16xf32> to vector<1xf32>
        %squeeze3A_1196 = vector.extract %slice3A_1195[0] : f32 from vector<1xf32>
        %mul3A_1197 = vector.broadcast %squeeze3A_1196 : f32 to vector<16xf32>
        %mul3A_1198 = arith.mulf %get3A_1194, %mul3A_1197 : vector<16xf32>
        %add3A_1199 = arith.constant 10 : i32
        %add3A_1200 = arith.addi %mul3A_973, %add3A_1199 : i32
        %swap3A_1201 = arith.constant 1 : i32
        %swap3A_1202 = arith.index_cast %swap3A_1201 : i32 to index
        %swap3A_1203 = arith.index_cast %add3A_1200 : i32 to index
        %swap3A_1204 = arith.constant 0 : index
        %swap3A_1205 = tpu.vector_load %arg12[%swap3A_1202, %swap3A_1203, %swap3A_1204] {strides = array<i32>} : memref<3x128x16xf32, #tpu.memory_space<vmem>>, vector<1x1x16xf32>,
        %swap3A_1206 = vector.shape_cast %swap3A_1205 : vector<1x1x16xf32> to vector<16xf32>
        %swap3A_1207 = vector.shape_cast %mul3A_1198 : vector<16xf32> to vector<1x1x16xf32>
        tpu.vector_store %arg12[%swap3A_1202, %swap3A_1203, %swap3A_1204], %swap3A_1207 {strides = array<i32>} : memref<3x128x16xf32, #tpu.memory_space<vmem>>, vector<1x1x16xf32>,
        %add3A_1208 = arith.constant 11 : i32
        %add3A_1209 = arith.addi %mul3A_973, %add3A_1208 : i32
        %get3A_1210 = arith.constant 1 : i32
        %get3A_1211 = arith.index_cast %get3A_1210 : i32 to index
        %get3A_1212 = arith.index_cast %add3A_1209 : i32 to index
        %get3A_1213 = arith.constant 0 : index
        %get3A_1214 = tpu.vector_load %arg11[%get3A_1211, %get3A_1212, %get3A_1213] {strides = array<i32>} : memref<3x128x16xf32, #tpu.memory_space<vmem>>, vector<1x1x16xf32>,
        %get3A_1215 = vector.shape_cast %get3A_1214 : vector<1x1x16xf32> to vector<16xf32>
        %slice3A_1216 = vector.extract_strided_slice %get3A_978 {offsets = [11], sizes = [1], strides = [1]} : vector<16xf32> to vector<1xf32>
        %squeeze3A_1217 = vector.extract %slice3A_1216[0] : f32 from vector<1xf32>
        %mul3A_1218 = vector.broadcast %squeeze3A_1217 : f32 to vector<16xf32>
        %mul3A_1219 = arith.mulf %get3A_1215, %mul3A_1218 : vector<16xf32>
        %add3A_1220 = arith.constant 11 : i32
        %add3A_1221 = arith.addi %mul3A_973, %add3A_1220 : i32
        %swap3A_1222 = arith.constant 1 : i32
        %swap3A_1223 = arith.index_cast %swap3A_1222 : i32 to index
        %swap3A_1224 = arith.index_cast %add3A_1221 : i32 to index
        %swap3A_1225 = arith.constant 0 : index
        %swap3A_1226 = tpu.vector_load %arg12[%swap3A_1223, %swap3A_1224, %swap3A_1225] {strides = array<i32>} : memref<3x128x16xf32, #tpu.memory_space<vmem>>, vector<1x1x16xf32>,
        %swap3A_1227 = vector.shape_cast %swap3A_1226 : vector<1x1x16xf32> to vector<16xf32>
        %swap3A_1228 = vector.shape_cast %mul3A_1219 : vector<16xf32> to vector<1x1x16xf32>
        tpu.vector_store %arg12[%swap3A_1223, %swap3A_1224, %swap3A_1225], %swap3A_1228 {strides = array<i32>} : memref<3x128x16xf32, #tpu.memory_space<vmem>>, vector<1x1x16xf32>,
        %add3A_1229 = arith.constant 12 : i32
        %add3A_1230 = arith.addi %mul3A_973, %add3A_1229 : i32
        %get3A_1231 = arith.constant 1 : i32
        %get3A_1232 = arith.index_cast %get3A_1231 : i32 to index
        %get3A_1233 = arith.index_cast %add3A_1230 : i32 to index
        %get3A_1234 = arith.constant 0 : index
        %get3A_1235 = tpu.vector_load %arg11[%get3A_1232, %get3A_1233, %get3A_1234] {strides = array<i32>} : memref<3x128x16xf32, #tpu.memory_space<vmem>>, vector<1x1x16xf32>,
        %get3A_1236 = vector.shape_cast %get3A_1235 : vector<1x1x16xf32> to vector<16xf32>
        %slice3A_1237 = vector.extract_strided_slice %get3A_978 {offsets = [12], sizes = [1], strides = [1]} : vector<16xf32> to vector<1xf32>
        %squeeze3A_1238 = vector.extract %slice3A_1237[0] : f32 from vector<1xf32>
        %mul3A_1239 = vector.broadcast %squeeze3A_1238 : f32 to vector<16xf32>
        %mul3A_1240 = arith.mulf %get3A_1236, %mul3A_1239 : vector<16xf32>
        %add3A_1241 = arith.constant 12 : i32
        %add3A_1242 = arith.addi %mul3A_973, %add3A_1241 : i32
        %swap3A_1243 = arith.constant 1 : i32
        %swap3A_1244 = arith.index_cast %swap3A_1243 : i32 to index
        %swap3A_1245 = arith.index_cast %add3A_1242 : i32 to index
        %swap3A_1246 = arith.constant 0 : index
        %swap3A_1247 = tpu.vector_load %arg12[%swap3A_1244, %swap3A_1245, %swap3A_1246] {strides = array<i32>} : memref<3x128x16xf32, #tpu.memory_space<vmem>>, vector<1x1x16xf32>,
        %swap3A_1248 = vector.shape_cast %swap3A_1247 : vector<1x1x16xf32> to vector<16xf32>
        %swap3A_1249 = vector.shape_cast %mul3A_1240 : vector<16xf32> to vector<1x1x16xf32>
        tpu.vector_store %arg12[%swap3A_1244, %swap3A_1245, %swap3A_1246], %swap3A_1249 {strides = array<i32>} : memref<3x128x16xf32, #tpu.memory_space<vmem>>, vector<1x1x16xf32>,
        %add3A_1250 = arith.constant 13 : i32
        %add3A_1251 = arith.addi %mul3A_973, %add3A_1250 : i32
        %get3A_1252 = arith.constant 1 : i32
        %get3A_1253 = arith.index_cast %get3A_1252 : i32 to index
        %get3A_1254 = arith.index_cast %add3A_1251 : i32 to index
        %get3A_1255 = arith.constant 0 : index
        %get3A_1256 = tpu.vector_load %arg11[%get3A_1253, %get3A_1254, %get3A_1255] {strides = array<i32>} : memref<3x128x16xf32, #tpu.memory_space<vmem>>, vector<1x1x16xf32>,
        %get3A_1257 = vector.shape_cast %get3A_1256 : vector<1x1x16xf32> to vector<16xf32>
        %slice3A_1258 = vector.extract_strided_slice %get3A_978 {offsets = [13], sizes = [1], strides = [1]} : vector<16xf32> to vector<1xf32>
        %squeeze3A_1259 = vector.extract %slice3A_1258[0] : f32 from vector<1xf32>
        %mul3A_1260 = vector.broadcast %squeeze3A_1259 : f32 to vector<16xf32>
        %mul3A_1261 = arith.mulf %get3A_1257, %mul3A_1260 : vector<16xf32>
        %add3A_1262 = arith.constant 13 : i32
        %add3A_1263 = arith.addi %mul3A_973, %add3A_1262 : i32
        %swap3A_1264 = arith.constant 1 : i32
        %swap3A_1265 = arith.index_cast %swap3A_1264 : i32 to index
        %swap3A_1266 = arith.index_cast %add3A_1263 : i32 to index
        %swap3A_1267 = arith.constant 0 : index
        %swap3A_1268 = tpu.vector_load %arg12[%swap3A_1265, %swap3A_1266, %swap3A_1267] {strides = array<i32>} : memref<3x128x16xf32, #tpu.memory_space<vmem>>, vector<1x1x16xf32>,
        %swap3A_1269 = vector.shape_cast %swap3A_1268 : vector<1x1x16xf32> to vector<16xf32>
        %swap3A_1270 = vector.shape_cast %mul3A_1261 : vector<16xf32> to vector<1x1x16xf32>
        tpu.vector_store %arg12[%swap3A_1265, %swap3A_1266, %swap3A_1267], %swap3A_1270 {strides = array<i32>} : memref<3x128x16xf32, #tpu.memory_space<vmem>>, vector<1x1x16xf32>,
        %add3A_1271 = arith.constant 14 : i32
        %add3A_1272 = arith.addi %mul3A_973, %add3A_1271 : i32
        %get3A_1273 = arith.constant 1 : i32
        %get3A_1274 = arith.index_cast %get3A_1273 : i32 to index
        %get3A_1275 = arith.index_cast %add3A_1272 : i32 to index
        %get3A_1276 = arith.constant 0 : index
        %get3A_1277 = tpu.vector_load %arg11[%get3A_1274, %get3A_1275, %get3A_1276] {strides = array<i32>} : memref<3x128x16xf32, #tpu.memory_space<vmem>>, vector<1x1x16xf32>,
        %get3A_1278 = vector.shape_cast %get3A_1277 : vector<1x1x16xf32> to vector<16xf32>
        %slice3A_1279 = vector.extract_strided_slice %get3A_978 {offsets = [14], sizes = [1], strides = [1]} : vector<16xf32> to vector<1xf32>
        %squeeze3A_1280 = vector.extract %slice3A_1279[0] : f32 from vector<1xf32>
        %mul3A_1281 = vector.broadcast %squeeze3A_1280 : f32 to vector<16xf32>
        %mul3A_1282 = arith.mulf %get3A_1278, %mul3A_1281 : vector<16xf32>
        %add3A_1283 = arith.constant 14 : i32
        %add3A_1284 = arith.addi %mul3A_973, %add3A_1283 : i32
        %swap3A_1285 = arith.constant 1 : i32
        %swap3A_1286 = arith.index_cast %swap3A_1285 : i32 to index
        %swap3A_1287 = arith.index_cast %add3A_1284 : i32 to index
        %swap3A_1288 = arith.constant 0 : index
        %swap3A_1289 = tpu.vector_load %arg12[%swap3A_1286, %swap3A_1287, %swap3A_1288] {strides = array<i32>} : memref<3x128x16xf32, #tpu.memory_space<vmem>>, vector<1x1x16xf32>,
        %swap3A_1290 = vector.shape_cast %swap3A_1289 : vector<1x1x16xf32> to vector<16xf32>
        %swap3A_1291 = vector.shape_cast %mul3A_1282 : vector<16xf32> to vector<1x1x16xf32>
        tpu.vector_store %arg12[%swap3A_1286, %swap3A_1287, %swap3A_1288], %swap3A_1291 {strides = array<i32>} : memref<3x128x16xf32, #tpu.memory_space<vmem>>, vector<1x1x16xf32>,
        %add3A_1292 = arith.constant 15 : i32
        %add3A_1293 = arith.addi %mul3A_973, %add3A_1292 : i32
        %get3A_1294 = arith.constant 1 : i32
        %get3A_1295 = arith.index_cast %get3A_1294 : i32 to index
        %get3A_1296 = arith.index_cast %add3A_1293 : i32 to index
        %get3A_1297 = arith.constant 0 : index
        %get3A_1298 = tpu.vector_load %arg11[%get3A_1295, %get3A_1296, %get3A_1297] {strides = array<i32>} : memref<3x128x16xf32, #tpu.memory_space<vmem>>, vector<1x1x16xf32>,
        %get3A_1299 = vector.shape_cast %get3A_1298 : vector<1x1x16xf32> to vector<16xf32>
        %slice3A_1300 = vector.extract_strided_slice %get3A_978 {offsets = [15], sizes = [1], strides = [1]} : vector<16xf32> to vector<1xf32>
        %squeeze3A_1301 = vector.extract %slice3A_1300[0] : f32 from vector<1xf32>
        %mul3A_1302 = vector.broadcast %squeeze3A_1301 : f32 to vector<16xf32>
        %mul3A_1303 = arith.mulf %get3A_1299, %mul3A_1302 : vector<16xf32>
        %add3A_1304 = arith.constant 15 : i32
        %add3A_1305 = arith.addi %mul3A_973, %add3A_1304 : i32
        %swap3A_1306 = arith.constant 1 : i32
        %swap3A_1307 = arith.index_cast %swap3A_1306 : i32 to index
        %swap3A_1308 = arith.index_cast %add3A_1305 : i32 to index
        %swap3A_1309 = arith.constant 0 : index
        %swap3A_1310 = tpu.vector_load %arg12[%swap3A_1307, %swap3A_1308, %swap3A_1309] {strides = array<i32>} : memref<3x128x16xf32, #tpu.memory_space<vmem>>, vector<1x1x16xf32>,
        %swap3A_1311 = vector.shape_cast %swap3A_1310 : vector<1x1x16xf32> to vector<16xf32>
        %swap3A_1312 = vector.shape_cast %mul3A_1303 : vector<16xf32> to vector<1x1x16xf32>
        tpu.vector_store %arg12[%swap3A_1307, %swap3A_1308, %swap3A_1309], %swap3A_1312 {strides = array<i32>} : memref<3x128x16xf32, #tpu.memory_space<vmem>>, vector<1x1x16xf32>,
      }
      %scan3A_701 = arith.constant 8 : i32
      %dma_start3A_702 = arith.constant 1 : i32
      %dma_start3A_703 = arith.constant 1 : i32
      %dma_start3A_704 = arith.constant 0 : i32
      %dma_start3A_705 = arith.constant 0 : i32
      %dma_start3A_706 = tpu.memref_slice %arg12[%dma_start3A_702, %dma_start3A_704, %dma_start3A_705] : memref<3x128x16xf32, #tpu.memory_space<vmem>> -> memref<1x128x16xf32, #tpu.memory_space<vmem>>
      %dma_start3A_707 = tpu.memref_squeeze %dma_start3A_706 : memref<1x128x16xf32, #tpu.memory_space<vmem>> -> memref<128x16xf32, #tpu.memory_space<vmem>>
      %dma_start3A_708 = arith.constant 0 : i32
      %dma_start3A_709 = tpu.memref_slice %arg10[%dma_start3A_703, %dma_start3A_708] : memref<3x128xi32, #tpu.memory_space<vmem>> -> memref<1x128xi32, #tpu.memory_space<vmem>>
      %dma_start3A_710 = tpu.memref_squeeze %dma_start3A_709 : memref<1x128xi32, #tpu.memory_space<vmem>> -> memref<128xi32, #tpu.memory_space<vmem>>
      %dma_start3A_711 = arith.constant 0 : i32
      %dma_start3A_712 = arith.constant 0 : i32
      %dma_start3A_713 = tpu.memref_slice %arg14[%dma_start3A_711, %dma_start3A_712] : memref<75272x16xf32, #tpu.memory_space<vmem_shared>> -> memref<75272x16xf32, #tpu.memory_space<vmem_shared>>
      tpu.enqueue_indirect_dma source(%dma_start3A_707 : memref<128x16xf32, #tpu.memory_space<vmem>>) target(%dma_start3A_713 : memref<75272x16xf32, #tpu.memory_space<vmem_shared>>) offsets(%dma_start3A_710 : memref<128xi32, #tpu.memory_space<vmem>>) semaphore(%arg22 : memref<!tpu.dma_semaphore, #tpu.memory_space<semaphore_mem>>) {add = true}
      %add3A_714 = arith.constant 2 : i32
      %add3A_715 = arith.addi %add3A_492, %add3A_714 : i32
      %lt3A_716 = arith.constant 294 : i32
      %lt3A_717 = arith.cmpi slt, %add3A_715, %lt3A_716 : i32
      %convert_element_type3A_718 = arith.extui %lt3A_717 : i1 to i32
      %cond3A_719 = arith.constant 0 : i32
      %cond3A_720 = arith.cmpi ne, %convert_element_type3A_718, %cond3A_719 : i32
      scf.if %cond3A_720 {
        %dma_wait3A_967 = arith.constant 0 : i32
        %dma_wait3A_968 = arith.constant 0 : i32
        %dma_wait3A_969 = tpu.memref_slice %arg7[%dma_wait3A_967, %dma_wait3A_968] : memref<3x128xi32, #tpu.memory_space<vmem>> -> memref<1x128xi32, #tpu.memory_space<vmem>>
        %dma_wait3A_970 = tpu.memref_squeeze %dma_wait3A_969 : memref<1x128xi32, #tpu.memory_space<vmem>> -> memref<128xi32, #tpu.memory_space<vmem>>
        %dma_wait3A_971 = arith.constant 0 : i32
        %dma_wait3A_972 = tpu.memref_slice %arg3[%dma_wait3A_971] : memref<602112xi32, #tpu.memory_space<hbm>> -> memref<128xi32, #tpu.memory_space<hbm>>
        %dma_wait3A_973 = arith.constant 0 : i32
        %dma_wait3A_974 = tpu.memref_slice %arg7[%dma_wait3A_967, %dma_wait3A_973] : memref<3x128xi32, #tpu.memory_space<vmem>> -> memref<1x128xi32, #tpu.memory_space<vmem>>
        %dma_wait3A_975 = tpu.memref_squeeze %dma_wait3A_974 : memref<1x128xi32, #tpu.memory_space<vmem>> -> memref<128xi32, #tpu.memory_space<vmem>>
        %dma_wait3A_976 = arith.constant 0 : i32
        %dma_wait3A_977 = tpu.memref_slice %arg3[%dma_wait3A_976] : memref<602112xi32, #tpu.memory_space<hbm>> -> memref<128xi32, #tpu.memory_space<hbm>>
        tpu.wait_dma2 semaphore(%arg15 : memref<!tpu.dma_semaphore, #tpu.memory_space<semaphore_mem>>) src(%dma_wait3A_977 : memref<128xi32, #tpu.memory_space<hbm>>) dst(%dma_wait3A_975 : memref<128xi32, #tpu.memory_space<vmem>>)
        %dma_wait3A_978 = arith.constant 0 : i32
        %dma_wait3A_979 = arith.constant 0 : i32
        %dma_wait3A_980 = tpu.memref_slice %arg8[%dma_wait3A_978, %dma_wait3A_979] : memref<3x128xi32, #tpu.memory_space<vmem>> -> memref<1x128xi32, #tpu.memory_space<vmem>>
        %dma_wait3A_981 = tpu.memref_squeeze %dma_wait3A_980 : memref<1x128xi32, #tpu.memory_space<vmem>> -> memref<128xi32, #tpu.memory_space<vmem>>
        %dma_wait3A_982 = arith.constant 0 : i32
        %dma_wait3A_983 = tpu.memref_slice %arg4[%dma_wait3A_982] : memref<602112xi32, #tpu.memory_space<hbm>> -> memref<128xi32, #tpu.memory_space<hbm>>
        %dma_wait3A_984 = arith.constant 0 : i32
        %dma_wait3A_985 = tpu.memref_slice %arg8[%dma_wait3A_978, %dma_wait3A_984] : memref<3x128xi32, #tpu.memory_space<vmem>> -> memref<1x128xi32, #tpu.memory_space<vmem>>
        %dma_wait3A_986 = tpu.memref_squeeze %dma_wait3A_985 : memref<1x128xi32, #tpu.memory_space<vmem>> -> memref<128xi32, #tpu.memory_space<vmem>>
        %dma_wait3A_987 = arith.constant 0 : i32
        %dma_wait3A_988 = tpu.memref_slice %arg4[%dma_wait3A_987] : memref<602112xi32, #tpu.memory_space<hbm>> -> memref<128xi32, #tpu.memory_space<hbm>>
        tpu.wait_dma2 semaphore(%arg15 : memref<!tpu.dma_semaphore, #tpu.memory_space<semaphore_mem>>) src(%dma_wait3A_988 : memref<128xi32, #tpu.memory_space<hbm>>) dst(%dma_wait3A_986 : memref<128xi32, #tpu.memory_space<vmem>>)
        %dma_wait3A_989 = arith.constant 0 : i32
        %dma_wait3A_990 = arith.constant 0 : i32
        %dma_wait3A_991 = tpu.memref_slice %arg9[%dma_wait3A_989, %dma_wait3A_990] : memref<3x128xf32, #tpu.memory_space<vmem>> -> memref<1x128xf32, #tpu.memory_space<vmem>>
        %dma_wait3A_992 = tpu.memref_squeeze %dma_wait3A_991 : memref<1x128xf32, #tpu.memory_space<vmem>> -> memref<128xf32, #tpu.memory_space<vmem>>
        %dma_wait3A_993 = arith.constant 0 : i32
        %dma_wait3A_994 = tpu.memref_slice %arg5[%dma_wait3A_993] : memref<602112xf32, #tpu.memory_space<hbm>> -> memref<128xf32, #tpu.memory_space<hbm>>
        %dma_wait3A_995 = arith.constant 0 : i32
        %dma_wait3A_996 = tpu.memref_slice %arg9[%dma_wait3A_989, %dma_wait3A_995] : memref<3x128xf32, #tpu.memory_space<vmem>> -> memref<1x128xf32, #tpu.memory_space<vmem>>
        %dma_wait3A_997 = tpu.memref_squeeze %dma_wait3A_996 : memref<1x128xf32, #tpu.memory_space<vmem>> -> memref<128xf32, #tpu.memory_space<vmem>>
        %dma_wait3A_998 = arith.constant 0 : i32
        %dma_wait3A_999 = tpu.memref_slice %arg5[%dma_wait3A_998] : memref<602112xf32, #tpu.memory_space<hbm>> -> memref<128xf32, #tpu.memory_space<hbm>>
        tpu.wait_dma2 semaphore(%arg15 : memref<!tpu.dma_semaphore, #tpu.memory_space<semaphore_mem>>) src(%dma_wait3A_999 : memref<128xf32, #tpu.memory_space<hbm>>) dst(%dma_wait3A_997 : memref<128xf32, #tpu.memory_space<vmem>>)
        %dma_start3A_1000 = arith.constant 0 : i32
        %dma_start3A_1001 = arith.constant 0 : i32
        %dma_start3A_1002 = arith.constant 0 : i32
        %dma_start3A_1003 = arith.constant 0 : i32
        %dma_start3A_1004 = tpu.memref_slice %arg11[%dma_start3A_1001, %dma_start3A_1002, %dma_start3A_1003] : memref<3x128x16xf32, #tpu.memory_space<vmem>> -> memref<1x128x16xf32, #tpu.memory_space<vmem>>
        %dma_start3A_1005 = tpu.memref_squeeze %dma_start3A_1004 : memref<1x128x16xf32, #tpu.memory_space<vmem>> -> memref<128x16xf32, #tpu.memory_space<vmem>>
        %dma_start3A_1006 = arith.constant 0 : i32
        %dma_start3A_1007 = tpu.memref_slice %arg8[%dma_start3A_1000, %dma_start3A_1006] : memref<3x128xi32, #tpu.memory_space<vmem>> -> memref<1x128xi32, #tpu.memory_space<vmem>>
        %dma_start3A_1008 = tpu.memref_squeeze %dma_start3A_1007 : memref<1x128xi32, #tpu.memory_space<vmem>> -> memref<128xi32, #tpu.memory_space<vmem>>
        %dma_start3A_1009 = arith.constant 0 : i32
        %dma_start3A_1010 = arith.constant 0 : i32
        %dma_start3A_1011 = tpu.memref_slice %arg2[%dma_start3A_1009, %dma_start3A_1010] : memref<786432x16xf32, #tpu.memory_space<hbm>> -> memref<786432x16xf32, #tpu.memory_space<hbm>>
        tpu.enqueue_indirect_dma source(%dma_start3A_1011 : memref<786432x16xf32, #tpu.memory_space<hbm>>) target(%dma_start3A_1005 : memref<128x16xf32, #tpu.memory_space<vmem>>) offsets(%dma_start3A_1008 : memref<128xi32, #tpu.memory_space<vmem>>) semaphore(%arg18 : memref<!tpu.dma_semaphore, #tpu.memory_space<semaphore_mem>>)
      } else {
      }
      %add3A_721 = arith.constant 3 : i32
      %add3A_722 = arith.addi %add3A_492, %add3A_721 : i32
      %lt3A_723 = arith.constant 294 : i32
      %lt3A_724 = arith.cmpi slt, %add3A_722, %lt3A_723 : i32
      %convert_element_type3A_725 = arith.extui %lt3A_724 : i1 to i32
      %cond3A_726 = arith.constant 0 : i32
      %cond3A_727 = arith.cmpi ne, %convert_element_type3A_725, %cond3A_726 : i32
      scf.if %cond3A_727 {
        %add3A_967 = arith.constant 3 : i32
        %add3A_968 = arith.addi %add3A_492, %add3A_967 : i32
        %mul3A_969 = arith.constant 128 : i32
        %mul3A_970 = arith.muli %add3A_968, %mul3A_969 : i32
        %add3A_971 = arith.addi %mul3A_0, %mul3A_970 : i32
        %dma_start3A_972 = arith.constant 1 : i32
        %dma_start3A_973 = arith.constant 0 : i32
        %dma_start3A_974 = tpu.memref_slice %arg7[%dma_start3A_972, %dma_start3A_973] : memref<3x128xi32, #tpu.memory_space<vmem>> -> memref<1x128xi32, #tpu.memory_space<vmem>>
        %dma_start3A_975 = tpu.memref_squeeze %dma_start3A_974 : memref<1x128xi32, #tpu.memory_space<vmem>> -> memref<128xi32, #tpu.memory_space<vmem>>
        %dma_start3A_976 = tpu.memref_slice %arg3[%add3A_971] : memref<602112xi32, #tpu.memory_space<hbm>> -> memref<128xi32, #tpu.memory_space<hbm>>
        %dma_start3A_977 = arith.constant 0 : i32
        %dma_start3A_978 = tpu.memref_slice %arg7[%dma_start3A_972, %dma_start3A_977] : memref<3x128xi32, #tpu.memory_space<vmem>> -> memref<1x128xi32, #tpu.memory_space<vmem>>
        %dma_start3A_979 = tpu.memref_squeeze %dma_start3A_978 : memref<1x128xi32, #tpu.memory_space<vmem>> -> memref<128xi32, #tpu.memory_space<vmem>>
        %dma_start3A_980 = tpu.memref_slice %arg3[%add3A_971] : memref<602112xi32, #tpu.memory_space<hbm>> -> memref<128xi32, #tpu.memory_space<hbm>>
        tpu.enqueue_dma source(%dma_start3A_980 : memref<128xi32, #tpu.memory_space<hbm>>) target(%dma_start3A_979 : memref<128xi32, #tpu.memory_space<vmem>>) target_semaphore(%arg16 : memref<!tpu.dma_semaphore, #tpu.memory_space<semaphore_mem>>)
        %dma_start3A_981 = arith.constant 1 : i32
        %dma_start3A_982 = arith.constant 0 : i32
        %dma_start3A_983 = tpu.memref_slice %arg8[%dma_start3A_981, %dma_start3A_982] : memref<3x128xi32, #tpu.memory_space<vmem>> -> memref<1x128xi32, #tpu.memory_space<vmem>>
        %dma_start3A_984 = tpu.memref_squeeze %dma_start3A_983 : memref<1x128xi32, #tpu.memory_space<vmem>> -> memref<128xi32, #tpu.memory_space<vmem>>
        %dma_start3A_985 = tpu.memref_slice %arg4[%add3A_971] : memref<602112xi32, #tpu.memory_space<hbm>> -> memref<128xi32, #tpu.memory_space<hbm>>
        %dma_start3A_986 = arith.constant 0 : i32
        %dma_start3A_987 = tpu.memref_slice %arg8[%dma_start3A_981, %dma_start3A_986] : memref<3x128xi32, #tpu.memory_space<vmem>> -> memref<1x128xi32, #tpu.memory_space<vmem>>
        %dma_start3A_988 = tpu.memref_squeeze %dma_start3A_987 : memref<1x128xi32, #tpu.memory_space<vmem>> -> memref<128xi32, #tpu.memory_space<vmem>>
        %dma_start3A_989 = tpu.memref_slice %arg4[%add3A_971] : memref<602112xi32, #tpu.memory_space<hbm>> -> memref<128xi32, #tpu.memory_space<hbm>>
        tpu.enqueue_dma source(%dma_start3A_989 : memref<128xi32, #tpu.memory_space<hbm>>) target(%dma_start3A_988 : memref<128xi32, #tpu.memory_space<vmem>>) target_semaphore(%arg16 : memref<!tpu.dma_semaphore, #tpu.memory_space<semaphore_mem>>)
        %dma_start3A_990 = arith.constant 1 : i32
        %dma_start3A_991 = arith.constant 0 : i32
        %dma_start3A_992 = tpu.memref_slice %arg9[%dma_start3A_990, %dma_start3A_991] : memref<3x128xf32, #tpu.memory_space<vmem>> -> memref<1x128xf32, #tpu.memory_space<vmem>>
        %dma_start3A_993 = tpu.memref_squeeze %dma_start3A_992 : memref<1x128xf32, #tpu.memory_space<vmem>> -> memref<128xf32, #tpu.memory_space<vmem>>
        %dma_start3A_994 = tpu.memref_slice %arg5[%add3A_971] : memref<602112xf32, #tpu.memory_space<hbm>> -> memref<128xf32, #tpu.memory_space<hbm>>
        %dma_start3A_995 = arith.constant 0 : i32
        %dma_start3A_996 = tpu.memref_slice %arg9[%dma_start3A_990, %dma_start3A_995] : memref<3x128xf32, #tpu.memory_space<vmem>> -> memref<1x128xf32, #tpu.memory_space<vmem>>
        %dma_start3A_997 = tpu.memref_squeeze %dma_start3A_996 : memref<1x128xf32, #tpu.memory_space<vmem>> -> memref<128xf32, #tpu.memory_space<vmem>>
        %dma_start3A_998 = tpu.memref_slice %arg5[%add3A_971] : memref<602112xf32, #tpu.memory_space<hbm>> -> memref<128xf32, #tpu.memory_space<hbm>>
        tpu.enqueue_dma source(%dma_start3A_998 : memref<128xf32, #tpu.memory_space<hbm>>) target(%dma_start3A_997 : memref<128xf32, #tpu.memory_space<vmem>>) target_semaphore(%arg16 : memref<!tpu.dma_semaphore, #tpu.memory_space<semaphore_mem>>)
      } else {
      }
      %mul3A_728 = arith.constant 3 : i32
      %mul3A_729 = arith.muli %add3A_259, %mul3A_728 : i32
      %add3A_730 = arith.constant 2 : i32
      %add3A_731 = arith.addi %mul3A_729, %add3A_730 : i32
      %dma_wait3A_732 = arith.constant 2 : i32
      %dma_wait3A_733 = arith.constant 0 : i32
      %dma_wait3A_734 = arith.constant 0 : i32
      %dma_wait3A_735 = tpu.memref_slice %arg11[%dma_wait3A_732, %dma_wait3A_733, %dma_wait3A_734] : memref<3x128x16xf32, #tpu.memory_space<vmem>> -> memref<1x128x16xf32, #tpu.memory_space<vmem>>
      %dma_wait3A_736 = tpu.memref_squeeze %dma_wait3A_735 : memref<1x128x16xf32, #tpu.memory_space<vmem>> -> memref<128x16xf32, #tpu.memory_space<vmem>>
      %dma_wait3A_737 = arith.constant 0 : i32
      %dma_wait3A_738 = arith.constant 0 : i32
      %dma_wait3A_739 = tpu.memref_slice %arg2[%dma_wait3A_737, %dma_wait3A_738] : memref<786432x16xf32, #tpu.memory_space<hbm>> -> memref<128x16xf32, #tpu.memory_space<hbm>>
      %dma_wait3A_740 = arith.constant 0 : i32
      %dma_wait3A_741 = arith.constant 0 : i32
      %dma_wait3A_742 = tpu.memref_slice %arg11[%dma_wait3A_732, %dma_wait3A_740, %dma_wait3A_741] : memref<3x128x16xf32, #tpu.memory_space<vmem>> -> memref<1x128x16xf32, #tpu.memory_space<vmem>>
      %dma_wait3A_743 = tpu.memref_squeeze %dma_wait3A_742 : memref<1x128x16xf32, #tpu.memory_space<vmem>> -> memref<128x16xf32, #tpu.memory_space<vmem>>
      %dma_wait3A_744 = arith.constant 0 : i32
      %dma_wait3A_745 = arith.constant 0 : i32
      %dma_wait3A_746 = tpu.memref_slice %arg2[%dma_wait3A_744, %dma_wait3A_745] : memref<786432x16xf32, #tpu.memory_space<hbm>> -> memref<128x16xf32, #tpu.memory_space<hbm>>
      tpu.wait_dma2 semaphore(%arg20 : memref<!tpu.dma_semaphore, #tpu.memory_space<semaphore_mem>>) src(%dma_wait3A_746 : memref<128x16xf32, #tpu.memory_space<hbm>>) dst(%dma_wait3A_743 : memref<128x16xf32, #tpu.memory_space<vmem>>)
      %gt3A_747 = arith.constant 0 : i32
      %gt3A_748 = arith.cmpi sgt, %add3A_259, %gt3A_747 : i32
      %convert_element_type3A_749 = arith.extui %gt3A_748 : i1 to i32
      %cond3A_750 = arith.constant 0 : i32
      %cond3A_751 = arith.cmpi ne, %convert_element_type3A_749, %cond3A_750 : i32
      scf.if %cond3A_751 {
        %dma_wait3A_967 = arith.constant 2 : i32
        %dma_wait3A_968 = arith.constant 0 : i32
        %dma_wait3A_969 = arith.constant 0 : i32
        %dma_wait3A_970 = tpu.memref_slice %arg12[%dma_wait3A_967, %dma_wait3A_968, %dma_wait3A_969] : memref<3x128x16xf32, #tpu.memory_space<vmem>> -> memref<1x128x16xf32, #tpu.memory_space<vmem>>
        %dma_wait3A_971 = tpu.memref_squeeze %dma_wait3A_970 : memref<1x128x16xf32, #tpu.memory_space<vmem>> -> memref<128x16xf32, #tpu.memory_space<vmem>>
        %dma_wait3A_972 = arith.constant 0 : i32
        %dma_wait3A_973 = arith.constant 0 : i32
        %dma_wait3A_974 = tpu.memref_slice %arg14[%dma_wait3A_972, %dma_wait3A_973] : memref<75272x16xf32, #tpu.memory_space<vmem_shared>> -> memref<128x16xf32, #tpu.memory_space<vmem_shared>>
        %dma_wait3A_975 = arith.constant 0 : i32
        %dma_wait3A_976 = arith.constant 0 : i32
        %dma_wait3A_977 = tpu.memref_slice %arg14[%dma_wait3A_975, %dma_wait3A_976] : memref<75272x16xf32, #tpu.memory_space<vmem_shared>> -> memref<128x16xf32, #tpu.memory_space<vmem_shared>>
        %dma_wait3A_978 = arith.constant 0 : i32
        %dma_wait3A_979 = arith.constant 0 : i32
        %dma_wait3A_980 = tpu.memref_slice %arg12[%dma_wait3A_967, %dma_wait3A_978, %dma_wait3A_979] : memref<3x128x16xf32, #tpu.memory_space<vmem>> -> memref<1x128x16xf32, #tpu.memory_space<vmem>>
        %dma_wait3A_981 = tpu.memref_squeeze %dma_wait3A_980 : memref<1x128x16xf32, #tpu.memory_space<vmem>> -> memref<128x16xf32, #tpu.memory_space<vmem>>
        tpu.wait_dma2 semaphore(%arg23 : memref<!tpu.dma_semaphore, #tpu.memory_space<semaphore_mem>>) src(%dma_wait3A_981 : memref<128x16xf32, #tpu.memory_space<vmem>>) dst(%dma_wait3A_977 : memref<128x16xf32, #tpu.memory_space<vmem_shared>>)
      } else {
      }
      %get3A_752 = arith.constant 2 : i32
      %get3A_753 = arith.index_cast %get3A_752 : i32 to index
      %get3A_754 = arith.constant 0 : index
      %get3A_755 = tpu.vector_load %arg7[%get3A_753, %get3A_754] {strides = array<i32>} : memref<3x128xi32, #tpu.memory_space<vmem>>, vector<1x16xi32>,
      %get3A_756 = vector.shape_cast %get3A_755 : vector<1x16xi32> to vector<16xi32>
      %sub3A_757 = vector.broadcast %mul3A_2 : i32 to vector<16xi32>
      %sub3A_758 = arith.subi %get3A_756, %sub3A_757 : vector<16xi32>
      %ge3A_759 = arith.constant 0 : i32
      %ge3A_760 = vector.broadcast %ge3A_759 : i32 to vector<16xi32>
      %ge3A_761 = arith.cmpi sge, %sub3A_758, %ge3A_760 : vector<16xi32>
      %lt3A_762 = arith.constant 75264 : i32
      %lt3A_763 = vector.broadcast %lt3A_762 : i32 to vector<16xi32>
      %lt3A_764 = arith.cmpi slt, %sub3A_758, %lt3A_763 : vector<16xi32>
      %and3A_765 = arith.andi %ge3A_761, %lt3A_764 : vector<16xi1>
      %jit3A_766 = arith.constant 75264 : i32
      %broadcast_in_dim3A_767 = vector.broadcast %jit3A_766 : i32 to vector<16xi32>
      %select_n3A_768 = arith.select %and3A_765, %sub3A_758, %broadcast_in_dim3A_767 : vector<16xi1>, vector<16xi32>
      %swap3A_769 = arith.constant 2 : i32
      %swap3A_770 = arith.index_cast %swap3A_769 : i32 to index
      %swap3A_771 = arith.constant 0 : index
      %swap3A_772 = tpu.vector_load %arg10[%swap3A_770, %swap3A_771] {strides = array<i32>} : memref<3x128xi32, #tpu.memory_space<vmem>>, vector<1x16xi32>,
      %swap3A_773 = vector.shape_cast %swap3A_772 : vector<1x16xi32> to vector<16xi32>
      %swap3A_774 = vector.shape_cast %select_n3A_768 : vector<16xi32> to vector<1x16xi32>
      tpu.vector_store %arg10[%swap3A_770, %swap3A_771], %swap3A_774 {strides = array<i32>} : memref<3x128xi32, #tpu.memory_space<vmem>>, vector<1x16xi32>,
      %get3A_775 = arith.constant 2 : i32
      %get3A_776 = arith.index_cast %get3A_775 : i32 to index
      %get3A_777 = arith.constant 16 : index
      %get3A_778 = tpu.vector_load %arg7[%get3A_776, %get3A_777] {strides = array<i32>} : memref<3x128xi32, #tpu.memory_space<vmem>>, vector<1x16xi32>,
      %get3A_779 = vector.shape_cast %get3A_778 : vector<1x16xi32> to vector<16xi32>
      %sub3A_780 = vector.broadcast %mul3A_2 : i32 to vector<16xi32>
      %sub3A_781 = arith.subi %get3A_779, %sub3A_780 : vector<16xi32>
      %ge3A_782 = arith.constant 0 : i32
      %ge3A_783 = vector.broadcast %ge3A_782 : i32 to vector<16xi32>
      %ge3A_784 = arith.cmpi sge, %sub3A_781, %ge3A_783 : vector<16xi32>
      %lt3A_785 = arith.constant 75264 : i32
      %lt3A_786 = vector.broadcast %lt3A_785 : i32 to vector<16xi32>
      %lt3A_787 = arith.cmpi slt, %sub3A_781, %lt3A_786 : vector<16xi32>
      %and3A_788 = arith.andi %ge3A_784, %lt3A_787 : vector<16xi1>
      %jit3A_789 = arith.constant 75264 : i32
      %broadcast_in_dim3A_790 = vector.broadcast %jit3A_789 : i32 to vector<16xi32>
      %select_n3A_791 = arith.select %and3A_788, %sub3A_781, %broadcast_in_dim3A_790 : vector<16xi1>, vector<16xi32>
      %swap3A_792 = arith.constant 2 : i32
      %swap3A_793 = arith.index_cast %swap3A_792 : i32 to index
      %swap3A_794 = arith.constant 16 : index
      %swap3A_795 = tpu.vector_load %arg10[%swap3A_793, %swap3A_794] {strides = array<i32>} : memref<3x128xi32, #tpu.memory_space<vmem>>, vector<1x16xi32>,
      %swap3A_796 = vector.shape_cast %swap3A_795 : vector<1x16xi32> to vector<16xi32>
      %swap3A_797 = vector.shape_cast %select_n3A_791 : vector<16xi32> to vector<1x16xi32>
      tpu.vector_store %arg10[%swap3A_793, %swap3A_794], %swap3A_797 {strides = array<i32>} : memref<3x128xi32, #tpu.memory_space<vmem>>, vector<1x16xi32>,
      %get3A_798 = arith.constant 2 : i32
      %get3A_799 = arith.index_cast %get3A_798 : i32 to index
      %get3A_800 = arith.constant 32 : index
      %get3A_801 = tpu.vector_load %arg7[%get3A_799, %get3A_800] {strides = array<i32>} : memref<3x128xi32, #tpu.memory_space<vmem>>, vector<1x16xi32>,
      %get3A_802 = vector.shape_cast %get3A_801 : vector<1x16xi32> to vector<16xi32>
      %sub3A_803 = vector.broadcast %mul3A_2 : i32 to vector<16xi32>
      %sub3A_804 = arith.subi %get3A_802, %sub3A_803 : vector<16xi32>
      %ge3A_805 = arith.constant 0 : i32
      %ge3A_806 = vector.broadcast %ge3A_805 : i32 to vector<16xi32>
      %ge3A_807 = arith.cmpi sge, %sub3A_804, %ge3A_806 : vector<16xi32>
      %lt3A_808 = arith.constant 75264 : i32
      %lt3A_809 = vector.broadcast %lt3A_808 : i32 to vector<16xi32>
      %lt3A_810 = arith.cmpi slt, %sub3A_804, %lt3A_809 : vector<16xi32>
      %and3A_811 = arith.andi %ge3A_807, %lt3A_810 : vector<16xi1>
      %jit3A_812 = arith.constant 75264 : i32
      %broadcast_in_dim3A_813 = vector.broadcast %jit3A_812 : i32 to vector<16xi32>
      %select_n3A_814 = arith.select %and3A_811, %sub3A_804, %broadcast_in_dim3A_813 : vector<16xi1>, vector<16xi32>
      %swap3A_815 = arith.constant 2 : i32
      %swap3A_816 = arith.index_cast %swap3A_815 : i32 to index
      %swap3A_817 = arith.constant 32 : index
      %swap3A_818 = tpu.vector_load %arg10[%swap3A_816, %swap3A_817] {strides = array<i32>} : memref<3x128xi32, #tpu.memory_space<vmem>>, vector<1x16xi32>,
      %swap3A_819 = vector.shape_cast %swap3A_818 : vector<1x16xi32> to vector<16xi32>
      %swap3A_820 = vector.shape_cast %select_n3A_814 : vector<16xi32> to vector<1x16xi32>
      tpu.vector_store %arg10[%swap3A_816, %swap3A_817], %swap3A_820 {strides = array<i32>} : memref<3x128xi32, #tpu.memory_space<vmem>>, vector<1x16xi32>,
      %get3A_821 = arith.constant 2 : i32
      %get3A_822 = arith.index_cast %get3A_821 : i32 to index
      %get3A_823 = arith.constant 48 : index
      %get3A_824 = tpu.vector_load %arg7[%get3A_822, %get3A_823] {strides = array<i32>} : memref<3x128xi32, #tpu.memory_space<vmem>>, vector<1x16xi32>,
      %get3A_825 = vector.shape_cast %get3A_824 : vector<1x16xi32> to vector<16xi32>
      %sub3A_826 = vector.broadcast %mul3A_2 : i32 to vector<16xi32>
      %sub3A_827 = arith.subi %get3A_825, %sub3A_826 : vector<16xi32>
      %ge3A_828 = arith.constant 0 : i32
      %ge3A_829 = vector.broadcast %ge3A_828 : i32 to vector<16xi32>
      %ge3A_830 = arith.cmpi sge, %sub3A_827, %ge3A_829 : vector<16xi32>
      %lt3A_831 = arith.constant 75264 : i32
      %lt3A_832 = vector.broadcast %lt3A_831 : i32 to vector<16xi32>
      %lt3A_833 = arith.cmpi slt, %sub3A_827, %lt3A_832 : vector<16xi32>
      %and3A_834 = arith.andi %ge3A_830, %lt3A_833 : vector<16xi1>
      %jit3A_835 = arith.constant 75264 : i32
      %broadcast_in_dim3A_836 = vector.broadcast %jit3A_835 : i32 to vector<16xi32>
      %select_n3A_837 = arith.select %and3A_834, %sub3A_827, %broadcast_in_dim3A_836 : vector<16xi1>, vector<16xi32>
      %swap3A_838 = arith.constant 2 : i32
      %swap3A_839 = arith.index_cast %swap3A_838 : i32 to index
      %swap3A_840 = arith.constant 48 : index
      %swap3A_841 = tpu.vector_load %arg10[%swap3A_839, %swap3A_840] {strides = array<i32>} : memref<3x128xi32, #tpu.memory_space<vmem>>, vector<1x16xi32>,
      %swap3A_842 = vector.shape_cast %swap3A_841 : vector<1x16xi32> to vector<16xi32>
      %swap3A_843 = vector.shape_cast %select_n3A_837 : vector<16xi32> to vector<1x16xi32>
      tpu.vector_store %arg10[%swap3A_839, %swap3A_840], %swap3A_843 {strides = array<i32>} : memref<3x128xi32, #tpu.memory_space<vmem>>, vector<1x16xi32>,
      %get3A_844 = arith.constant 2 : i32
      %get3A_845 = arith.index_cast %get3A_844 : i32 to index
      %get3A_846 = arith.constant 64 : index
      %get3A_847 = tpu.vector_load %arg7[%get3A_845, %get3A_846] {strides = array<i32>} : memref<3x128xi32, #tpu.memory_space<vmem>>, vector<1x16xi32>,
      %get3A_848 = vector.shape_cast %get3A_847 : vector<1x16xi32> to vector<16xi32>
      %sub3A_849 = vector.broadcast %mul3A_2 : i32 to vector<16xi32>
      %sub3A_850 = arith.subi %get3A_848, %sub3A_849 : vector<16xi32>
      %ge3A_851 = arith.constant 0 : i32
      %ge3A_852 = vector.broadcast %ge3A_851 : i32 to vector<16xi32>
      %ge3A_853 = arith.cmpi sge, %sub3A_850, %ge3A_852 : vector<16xi32>
      %lt3A_854 = arith.constant 75264 : i32
      %lt3A_855 = vector.broadcast %lt3A_854 : i32 to vector<16xi32>
      %lt3A_856 = arith.cmpi slt, %sub3A_850, %lt3A_855 : vector<16xi32>
      %and3A_857 = arith.andi %ge3A_853, %lt3A_856 : vector<16xi1>
      %jit3A_858 = arith.constant 75264 : i32
      %broadcast_in_dim3A_859 = vector.broadcast %jit3A_858 : i32 to vector<16xi32>
      %select_n3A_860 = arith.select %and3A_857, %sub3A_850, %broadcast_in_dim3A_859 : vector<16xi1>, vector<16xi32>
      %swap3A_861 = arith.constant 2 : i32
      %swap3A_862 = arith.index_cast %swap3A_861 : i32 to index
      %swap3A_863 = arith.constant 64 : index
      %swap3A_864 = tpu.vector_load %arg10[%swap3A_862, %swap3A_863] {strides = array<i32>} : memref<3x128xi32, #tpu.memory_space<vmem>>, vector<1x16xi32>,
      %swap3A_865 = vector.shape_cast %swap3A_864 : vector<1x16xi32> to vector<16xi32>
      %swap3A_866 = vector.shape_cast %select_n3A_860 : vector<16xi32> to vector<1x16xi32>
      tpu.vector_store %arg10[%swap3A_862, %swap3A_863], %swap3A_866 {strides = array<i32>} : memref<3x128xi32, #tpu.memory_space<vmem>>, vector<1x16xi32>,
      %get3A_867 = arith.constant 2 : i32
      %get3A_868 = arith.index_cast %get3A_867 : i32 to index
      %get3A_869 = arith.constant 80 : index
      %get3A_870 = tpu.vector_load %arg7[%get3A_868, %get3A_869] {strides = array<i32>} : memref<3x128xi32, #tpu.memory_space<vmem>>, vector<1x16xi32>,
      %get3A_871 = vector.shape_cast %get3A_870 : vector<1x16xi32> to vector<16xi32>
      %sub3A_872 = vector.broadcast %mul3A_2 : i32 to vector<16xi32>
      %sub3A_873 = arith.subi %get3A_871, %sub3A_872 : vector<16xi32>
      %ge3A_874 = arith.constant 0 : i32
      %ge3A_875 = vector.broadcast %ge3A_874 : i32 to vector<16xi32>
      %ge3A_876 = arith.cmpi sge, %sub3A_873, %ge3A_875 : vector<16xi32>
      %lt3A_877 = arith.constant 75264 : i32
      %lt3A_878 = vector.broadcast %lt3A_877 : i32 to vector<16xi32>
      %lt3A_879 = arith.cmpi slt, %sub3A_873, %lt3A_878 : vector<16xi32>
      %and3A_880 = arith.andi %ge3A_876, %lt3A_879 : vector<16xi1>
      %jit3A_881 = arith.constant 75264 : i32
      %broadcast_in_dim3A_882 = vector.broadcast %jit3A_881 : i32 to vector<16xi32>
      %select_n3A_883 = arith.select %and3A_880, %sub3A_873, %broadcast_in_dim3A_882 : vector<16xi1>, vector<16xi32>
      %swap3A_884 = arith.constant 2 : i32
      %swap3A_885 = arith.index_cast %swap3A_884 : i32 to index
      %swap3A_886 = arith.constant 80 : index
      %swap3A_887 = tpu.vector_load %arg10[%swap3A_885, %swap3A_886] {strides = array<i32>} : memref<3x128xi32, #tpu.memory_space<vmem>>, vector<1x16xi32>,
      %swap3A_888 = vector.shape_cast %swap3A_887 : vector<1x16xi32> to vector<16xi32>
      %swap3A_889 = vector.shape_cast %select_n3A_883 : vector<16xi32> to vector<1x16xi32>
      tpu.vector_store %arg10[%swap3A_885, %swap3A_886], %swap3A_889 {strides = array<i32>} : memref<3x128xi32, #tpu.memory_space<vmem>>, vector<1x16xi32>,
      %get3A_890 = arith.constant 2 : i32
      %get3A_891 = arith.index_cast %get3A_890 : i32 to index
      %get3A_892 = arith.constant 96 : index
      %get3A_893 = tpu.vector_load %arg7[%get3A_891, %get3A_892] {strides = array<i32>} : memref<3x128xi32, #tpu.memory_space<vmem>>, vector<1x16xi32>,
      %get3A_894 = vector.shape_cast %get3A_893 : vector<1x16xi32> to vector<16xi32>
      %sub3A_895 = vector.broadcast %mul3A_2 : i32 to vector<16xi32>
      %sub3A_896 = arith.subi %get3A_894, %sub3A_895 : vector<16xi32>
      %ge3A_897 = arith.constant 0 : i32
      %ge3A_898 = vector.broadcast %ge3A_897 : i32 to vector<16xi32>
      %ge3A_899 = arith.cmpi sge, %sub3A_896, %ge3A_898 : vector<16xi32>
      %lt3A_900 = arith.constant 75264 : i32
      %lt3A_901 = vector.broadcast %lt3A_900 : i32 to vector<16xi32>
      %lt3A_902 = arith.cmpi slt, %sub3A_896, %lt3A_901 : vector<16xi32>
      %and3A_903 = arith.andi %ge3A_899, %lt3A_902 : vector<16xi1>
      %jit3A_904 = arith.constant 75264 : i32
      %broadcast_in_dim3A_905 = vector.broadcast %jit3A_904 : i32 to vector<16xi32>
      %select_n3A_906 = arith.select %and3A_903, %sub3A_896, %broadcast_in_dim3A_905 : vector<16xi1>, vector<16xi32>
      %swap3A_907 = arith.constant 2 : i32
      %swap3A_908 = arith.index_cast %swap3A_907 : i32 to index
      %swap3A_909 = arith.constant 96 : index
      %swap3A_910 = tpu.vector_load %arg10[%swap3A_908, %swap3A_909] {strides = array<i32>} : memref<3x128xi32, #tpu.memory_space<vmem>>, vector<1x16xi32>,
      %swap3A_911 = vector.shape_cast %swap3A_910 : vector<1x16xi32> to vector<16xi32>
      %swap3A_912 = vector.shape_cast %select_n3A_906 : vector<16xi32> to vector<1x16xi32>
      tpu.vector_store %arg10[%swap3A_908, %swap3A_909], %swap3A_912 {strides = array<i32>} : memref<3x128xi32, #tpu.memory_space<vmem>>, vector<1x16xi32>,
      %get3A_913 = arith.constant 2 : i32
      %get3A_914 = arith.index_cast %get3A_913 : i32 to index
      %get3A_915 = arith.constant 112 : index
      %get3A_916 = tpu.vector_load %arg7[%get3A_914, %get3A_915] {strides = array<i32>} : memref<3x128xi32, #tpu.memory_space<vmem>>, vector<1x16xi32>,
      %get3A_917 = vector.shape_cast %get3A_916 : vector<1x16xi32> to vector<16xi32>
      %sub3A_918 = vector.broadcast %mul3A_2 : i32 to vector<16xi32>
      %sub3A_919 = arith.subi %get3A_917, %sub3A_918 : vector<16xi32>
      %ge3A_920 = arith.constant 0 : i32
      %ge3A_921 = vector.broadcast %ge3A_920 : i32 to vector<16xi32>
      %ge3A_922 = arith.cmpi sge, %sub3A_919, %ge3A_921 : vector<16xi32>
      %lt3A_923 = arith.constant 75264 : i32
      %lt3A_924 = vector.broadcast %lt3A_923 : i32 to vector<16xi32>
      %lt3A_925 = arith.cmpi slt, %sub3A_919, %lt3A_924 : vector<16xi32>
      %and3A_926 = arith.andi %ge3A_922, %lt3A_925 : vector<16xi1>
      %jit3A_927 = arith.constant 75264 : i32
      %broadcast_in_dim3A_928 = vector.broadcast %jit3A_927 : i32 to vector<16xi32>
      %select_n3A_929 = arith.select %and3A_926, %sub3A_919, %broadcast_in_dim3A_928 : vector<16xi1>, vector<16xi32>
      %swap3A_930 = arith.constant 2 : i32
      %swap3A_931 = arith.index_cast %swap3A_930 : i32 to index
      %swap3A_932 = arith.constant 112 : index
      %swap3A_933 = tpu.vector_load %arg10[%swap3A_931, %swap3A_932] {strides = array<i32>} : memref<3x128xi32, #tpu.memory_space<vmem>>, vector<1x16xi32>,
      %swap3A_934 = vector.shape_cast %swap3A_933 : vector<1x16xi32> to vector<16xi32>
      %swap3A_935 = vector.shape_cast %select_n3A_929 : vector<16xi32> to vector<1x16xi32>
      tpu.vector_store %arg10[%swap3A_931, %swap3A_932], %swap3A_935 {strides = array<i32>} : memref<3x128xi32, #tpu.memory_space<vmem>>, vector<1x16xi32>,
      %scan3A_936 = arith.constant 0 : i32
      %scan3A_937 = arith.constant 8 : i32
      %scan3A_938 = arith.addi %scan3A_936, %scan3A_937 : i32
      %scan3A_939 = arith.constant 1 : i32
      scf.for %scan3A_967 = %scan3A_936 to %scan3A_938 step %scan3A_939  : i32 {
        %mul3A_968 = arith.constant 1 : i32
        %mul3A_969 = arith.muli %scan3A_967, %mul3A_968 : i32
        %add3A_970 = arith.constant 0 : i32
        %add3A_971 = arith.addi %add3A_970, %mul3A_969 : i32
        %mul3A_972 = arith.constant 16 : i32
        %mul3A_973 = arith.muli %add3A_971, %mul3A_972 : i32
        %get3A_974 = arith.constant 2 : i32
        %get3A_975 = arith.index_cast %get3A_974 : i32 to index
        %get3A_976 = arith.index_cast %mul3A_973 : i32 to index
        %get3A_977 = tpu.vector_load %arg9[%get3A_975, %get3A_976] {strides = array<i32>} : memref<3x128xf32, #tpu.memory_space<vmem>>, vector<1x16xf32>,
        %get3A_978 = vector.shape_cast %get3A_977 : vector<1x16xf32> to vector<16xf32>
        %add3A_979 = arith.constant 0 : i32
        %add3A_980 = arith.addi %mul3A_973, %add3A_979 : i32
        %get3A_981 = arith.constant 2 : i32
        %get3A_982 = arith.index_cast %get3A_981 : i32 to index
        %get3A_983 = arith.index_cast %add3A_980 : i32 to index
        %get3A_984 = arith.constant 0 : index
        %get3A_985 = tpu.vector_load %arg11[%get3A_982, %get3A_983, %get3A_984] {strides = array<i32>} : memref<3x128x16xf32, #tpu.memory_space<vmem>>, vector<1x1x16xf32>,
        %get3A_986 = vector.shape_cast %get3A_985 : vector<1x1x16xf32> to vector<16xf32>
        %slice3A = vector.extract_strided_slice %get3A_978 {offsets = [0], sizes = [1], strides = [1]} : vector<16xf32> to vector<1xf32>
        %squeeze3A = vector.extract %slice3A[0] : f32 from vector<1xf32>
        %mul3A_987 = vector.broadcast %squeeze3A : f32 to vector<16xf32>
        %mul3A_988 = arith.mulf %get3A_986, %mul3A_987 : vector<16xf32>
        %add3A_989 = arith.constant 0 : i32
        %add3A_990 = arith.addi %mul3A_973, %add3A_989 : i32
        %swap3A_991 = arith.constant 2 : i32
        %swap3A_992 = arith.index_cast %swap3A_991 : i32 to index
        %swap3A_993 = arith.index_cast %add3A_990 : i32 to index
        %swap3A_994 = arith.constant 0 : index
        %swap3A_995 = tpu.vector_load %arg12[%swap3A_992, %swap3A_993, %swap3A_994] {strides = array<i32>} : memref<3x128x16xf32, #tpu.memory_space<vmem>>, vector<1x1x16xf32>,
        %swap3A_996 = vector.shape_cast %swap3A_995 : vector<1x1x16xf32> to vector<16xf32>
        %swap3A_997 = vector.shape_cast %mul3A_988 : vector<16xf32> to vector<1x1x16xf32>
        tpu.vector_store %arg12[%swap3A_992, %swap3A_993, %swap3A_994], %swap3A_997 {strides = array<i32>} : memref<3x128x16xf32, #tpu.memory_space<vmem>>, vector<1x1x16xf32>,
        %add3A_998 = arith.constant 1 : i32
        %add3A_999 = arith.addi %mul3A_973, %add3A_998 : i32
        %get3A_1000 = arith.constant 2 : i32
        %get3A_1001 = arith.index_cast %get3A_1000 : i32 to index
        %get3A_1002 = arith.index_cast %add3A_999 : i32 to index
        %get3A_1003 = arith.constant 0 : index
        %get3A_1004 = tpu.vector_load %arg11[%get3A_1001, %get3A_1002, %get3A_1003] {strides = array<i32>} : memref<3x128x16xf32, #tpu.memory_space<vmem>>, vector<1x1x16xf32>,
        %get3A_1005 = vector.shape_cast %get3A_1004 : vector<1x1x16xf32> to vector<16xf32>
        %slice3A_1006 = vector.extract_strided_slice %get3A_978 {offsets = [1], sizes = [1], strides = [1]} : vector<16xf32> to vector<1xf32>
        %squeeze3A_1007 = vector.extract %slice3A_1006[0] : f32 from vector<1xf32>
        %mul3A_1008 = vector.broadcast %squeeze3A_1007 : f32 to vector<16xf32>
        %mul3A_1009 = arith.mulf %get3A_1005, %mul3A_1008 : vector<16xf32>
        %add3A_1010 = arith.constant 1 : i32
        %add3A_1011 = arith.addi %mul3A_973, %add3A_1010 : i32
        %swap3A_1012 = arith.constant 2 : i32
        %swap3A_1013 = arith.index_cast %swap3A_1012 : i32 to index
        %swap3A_1014 = arith.index_cast %add3A_1011 : i32 to index
        %swap3A_1015 = arith.constant 0 : index
        %swap3A_1016 = tpu.vector_load %arg12[%swap3A_1013, %swap3A_1014, %swap3A_1015] {strides = array<i32>} : memref<3x128x16xf32, #tpu.memory_space<vmem>>, vector<1x1x16xf32>,
        %swap3A_1017 = vector.shape_cast %swap3A_1016 : vector<1x1x16xf32> to vector<16xf32>
        %swap3A_1018 = vector.shape_cast %mul3A_1009 : vector<16xf32> to vector<1x1x16xf32>
        tpu.vector_store %arg12[%swap3A_1013, %swap3A_1014, %swap3A_1015], %swap3A_1018 {strides = array<i32>} : memref<3x128x16xf32, #tpu.memory_space<vmem>>, vector<1x1x16xf32>,
        %add3A_1019 = arith.constant 2 : i32
        %add3A_1020 = arith.addi %mul3A_973, %add3A_1019 : i32
        %get3A_1021 = arith.constant 2 : i32
        %get3A_1022 = arith.index_cast %get3A_1021 : i32 to index
        %get3A_1023 = arith.index_cast %add3A_1020 : i32 to index
        %get3A_1024 = arith.constant 0 : index
        %get3A_1025 = tpu.vector_load %arg11[%get3A_1022, %get3A_1023, %get3A_1024] {strides = array<i32>} : memref<3x128x16xf32, #tpu.memory_space<vmem>>, vector<1x1x16xf32>,
        %get3A_1026 = vector.shape_cast %get3A_1025 : vector<1x1x16xf32> to vector<16xf32>
        %slice3A_1027 = vector.extract_strided_slice %get3A_978 {offsets = [2], sizes = [1], strides = [1]} : vector<16xf32> to vector<1xf32>
        %squeeze3A_1028 = vector.extract %slice3A_1027[0] : f32 from vector<1xf32>
        %mul3A_1029 = vector.broadcast %squeeze3A_1028 : f32 to vector<16xf32>
        %mul3A_1030 = arith.mulf %get3A_1026, %mul3A_1029 : vector<16xf32>
        %add3A_1031 = arith.constant 2 : i32
        %add3A_1032 = arith.addi %mul3A_973, %add3A_1031 : i32
        %swap3A_1033 = arith.constant 2 : i32
        %swap3A_1034 = arith.index_cast %swap3A_1033 : i32 to index
        %swap3A_1035 = arith.index_cast %add3A_1032 : i32 to index
        %swap3A_1036 = arith.constant 0 : index
        %swap3A_1037 = tpu.vector_load %arg12[%swap3A_1034, %swap3A_1035, %swap3A_1036] {strides = array<i32>} : memref<3x128x16xf32, #tpu.memory_space<vmem>>, vector<1x1x16xf32>,
        %swap3A_1038 = vector.shape_cast %swap3A_1037 : vector<1x1x16xf32> to vector<16xf32>
        %swap3A_1039 = vector.shape_cast %mul3A_1030 : vector<16xf32> to vector<1x1x16xf32>
        tpu.vector_store %arg12[%swap3A_1034, %swap3A_1035, %swap3A_1036], %swap3A_1039 {strides = array<i32>} : memref<3x128x16xf32, #tpu.memory_space<vmem>>, vector<1x1x16xf32>,
        %add3A_1040 = arith.constant 3 : i32
        %add3A_1041 = arith.addi %mul3A_973, %add3A_1040 : i32
        %get3A_1042 = arith.constant 2 : i32
        %get3A_1043 = arith.index_cast %get3A_1042 : i32 to index
        %get3A_1044 = arith.index_cast %add3A_1041 : i32 to index
        %get3A_1045 = arith.constant 0 : index
        %get3A_1046 = tpu.vector_load %arg11[%get3A_1043, %get3A_1044, %get3A_1045] {strides = array<i32>} : memref<3x128x16xf32, #tpu.memory_space<vmem>>, vector<1x1x16xf32>,
        %get3A_1047 = vector.shape_cast %get3A_1046 : vector<1x1x16xf32> to vector<16xf32>
        %slice3A_1048 = vector.extract_strided_slice %get3A_978 {offsets = [3], sizes = [1], strides = [1]} : vector<16xf32> to vector<1xf32>
        %squeeze3A_1049 = vector.extract %slice3A_1048[0] : f32 from vector<1xf32>
        %mul3A_1050 = vector.broadcast %squeeze3A_1049 : f32 to vector<16xf32>
        %mul3A_1051 = arith.mulf %get3A_1047, %mul3A_1050 : vector<16xf32>
        %add3A_1052 = arith.constant 3 : i32
        %add3A_1053 = arith.addi %mul3A_973, %add3A_1052 : i32
        %swap3A_1054 = arith.constant 2 : i32
        %swap3A_1055 = arith.index_cast %swap3A_1054 : i32 to index
        %swap3A_1056 = arith.index_cast %add3A_1053 : i32 to index
        %swap3A_1057 = arith.constant 0 : index
        %swap3A_1058 = tpu.vector_load %arg12[%swap3A_1055, %swap3A_1056, %swap3A_1057] {strides = array<i32>} : memref<3x128x16xf32, #tpu.memory_space<vmem>>, vector<1x1x16xf32>,
        %swap3A_1059 = vector.shape_cast %swap3A_1058 : vector<1x1x16xf32> to vector<16xf32>
        %swap3A_1060 = vector.shape_cast %mul3A_1051 : vector<16xf32> to vector<1x1x16xf32>
        tpu.vector_store %arg12[%swap3A_1055, %swap3A_1056, %swap3A_1057], %swap3A_1060 {strides = array<i32>} : memref<3x128x16xf32, #tpu.memory_space<vmem>>, vector<1x1x16xf32>,
        %add3A_1061 = arith.constant 4 : i32
        %add3A_1062 = arith.addi %mul3A_973, %add3A_1061 : i32
        %get3A_1063 = arith.constant 2 : i32
        %get3A_1064 = arith.index_cast %get3A_1063 : i32 to index
        %get3A_1065 = arith.index_cast %add3A_1062 : i32 to index
        %get3A_1066 = arith.constant 0 : index
        %get3A_1067 = tpu.vector_load %arg11[%get3A_1064, %get3A_1065, %get3A_1066] {strides = array<i32>} : memref<3x128x16xf32, #tpu.memory_space<vmem>>, vector<1x1x16xf32>,
        %get3A_1068 = vector.shape_cast %get3A_1067 : vector<1x1x16xf32> to vector<16xf32>
        %slice3A_1069 = vector.extract_strided_slice %get3A_978 {offsets = [4], sizes = [1], strides = [1]} : vector<16xf32> to vector<1xf32>
        %squeeze3A_1070 = vector.extract %slice3A_1069[0] : f32 from vector<1xf32>
        %mul3A_1071 = vector.broadcast %squeeze3A_1070 : f32 to vector<16xf32>
        %mul3A_1072 = arith.mulf %get3A_1068, %mul3A_1071 : vector<16xf32>
        %add3A_1073 = arith.constant 4 : i32
        %add3A_1074 = arith.addi %mul3A_973, %add3A_1073 : i32
        %swap3A_1075 = arith.constant 2 : i32
        %swap3A_1076 = arith.index_cast %swap3A_1075 : i32 to index
        %swap3A_1077 = arith.index_cast %add3A_1074 : i32 to index
        %swap3A_1078 = arith.constant 0 : index
        %swap3A_1079 = tpu.vector_load %arg12[%swap3A_1076, %swap3A_1077, %swap3A_1078] {strides = array<i32>} : memref<3x128x16xf32, #tpu.memory_space<vmem>>, vector<1x1x16xf32>,
        %swap3A_1080 = vector.shape_cast %swap3A_1079 : vector<1x1x16xf32> to vector<16xf32>
        %swap3A_1081 = vector.shape_cast %mul3A_1072 : vector<16xf32> to vector<1x1x16xf32>
        tpu.vector_store %arg12[%swap3A_1076, %swap3A_1077, %swap3A_1078], %swap3A_1081 {strides = array<i32>} : memref<3x128x16xf32, #tpu.memory_space<vmem>>, vector<1x1x16xf32>,
        %add3A_1082 = arith.constant 5 : i32
        %add3A_1083 = arith.addi %mul3A_973, %add3A_1082 : i32
        %get3A_1084 = arith.constant 2 : i32
        %get3A_1085 = arith.index_cast %get3A_1084 : i32 to index
        %get3A_1086 = arith.index_cast %add3A_1083 : i32 to index
        %get3A_1087 = arith.constant 0 : index
        %get3A_1088 = tpu.vector_load %arg11[%get3A_1085, %get3A_1086, %get3A_1087] {strides = array<i32>} : memref<3x128x16xf32, #tpu.memory_space<vmem>>, vector<1x1x16xf32>,
        %get3A_1089 = vector.shape_cast %get3A_1088 : vector<1x1x16xf32> to vector<16xf32>
        %slice3A_1090 = vector.extract_strided_slice %get3A_978 {offsets = [5], sizes = [1], strides = [1]} : vector<16xf32> to vector<1xf32>
        %squeeze3A_1091 = vector.extract %slice3A_1090[0] : f32 from vector<1xf32>
        %mul3A_1092 = vector.broadcast %squeeze3A_1091 : f32 to vector<16xf32>
        %mul3A_1093 = arith.mulf %get3A_1089, %mul3A_1092 : vector<16xf32>
        %add3A_1094 = arith.constant 5 : i32
        %add3A_1095 = arith.addi %mul3A_973, %add3A_1094 : i32
        %swap3A_1096 = arith.constant 2 : i32
        %swap3A_1097 = arith.index_cast %swap3A_1096 : i32 to index
        %swap3A_1098 = arith.index_cast %add3A_1095 : i32 to index
        %swap3A_1099 = arith.constant 0 : index
        %swap3A_1100 = tpu.vector_load %arg12[%swap3A_1097, %swap3A_1098, %swap3A_1099] {strides = array<i32>} : memref<3x128x16xf32, #tpu.memory_space<vmem>>, vector<1x1x16xf32>,
        %swap3A_1101 = vector.shape_cast %swap3A_1100 : vector<1x1x16xf32> to vector<16xf32>
        %swap3A_1102 = vector.shape_cast %mul3A_1093 : vector<16xf32> to vector<1x1x16xf32>
        tpu.vector_store %arg12[%swap3A_1097, %swap3A_1098, %swap3A_1099], %swap3A_1102 {strides = array<i32>} : memref<3x128x16xf32, #tpu.memory_space<vmem>>, vector<1x1x16xf32>,
        %add3A_1103 = arith.constant 6 : i32
        %add3A_1104 = arith.addi %mul3A_973, %add3A_1103 : i32
        %get3A_1105 = arith.constant 2 : i32
        %get3A_1106 = arith.index_cast %get3A_1105 : i32 to index
        %get3A_1107 = arith.index_cast %add3A_1104 : i32 to index
        %get3A_1108 = arith.constant 0 : index
        %get3A_1109 = tpu.vector_load %arg11[%get3A_1106, %get3A_1107, %get3A_1108] {strides = array<i32>} : memref<3x128x16xf32, #tpu.memory_space<vmem>>, vector<1x1x16xf32>,
        %get3A_1110 = vector.shape_cast %get3A_1109 : vector<1x1x16xf32> to vector<16xf32>
        %slice3A_1111 = vector.extract_strided_slice %get3A_978 {offsets = [6], sizes = [1], strides = [1]} : vector<16xf32> to vector<1xf32>
        %squeeze3A_1112 = vector.extract %slice3A_1111[0] : f32 from vector<1xf32>
        %mul3A_1113 = vector.broadcast %squeeze3A_1112 : f32 to vector<16xf32>
        %mul3A_1114 = arith.mulf %get3A_1110, %mul3A_1113 : vector<16xf32>
        %add3A_1115 = arith.constant 6 : i32
        %add3A_1116 = arith.addi %mul3A_973, %add3A_1115 : i32
        %swap3A_1117 = arith.constant 2 : i32
        %swap3A_1118 = arith.index_cast %swap3A_1117 : i32 to index
        %swap3A_1119 = arith.index_cast %add3A_1116 : i32 to index
        %swap3A_1120 = arith.constant 0 : index
        %swap3A_1121 = tpu.vector_load %arg12[%swap3A_1118, %swap3A_1119, %swap3A_1120] {strides = array<i32>} : memref<3x128x16xf32, #tpu.memory_space<vmem>>, vector<1x1x16xf32>,
        %swap3A_1122 = vector.shape_cast %swap3A_1121 : vector<1x1x16xf32> to vector<16xf32>
        %swap3A_1123 = vector.shape_cast %mul3A_1114 : vector<16xf32> to vector<1x1x16xf32>
        tpu.vector_store %arg12[%swap3A_1118, %swap3A_1119, %swap3A_1120], %swap3A_1123 {strides = array<i32>} : memref<3x128x16xf32, #tpu.memory_space<vmem>>, vector<1x1x16xf32>,
        %add3A_1124 = arith.constant 7 : i32
        %add3A_1125 = arith.addi %mul3A_973, %add3A_1124 : i32
        %get3A_1126 = arith.constant 2 : i32
        %get3A_1127 = arith.index_cast %get3A_1126 : i32 to index
        %get3A_1128 = arith.index_cast %add3A_1125 : i32 to index
        %get3A_1129 = arith.constant 0 : index
        %get3A_1130 = tpu.vector_load %arg11[%get3A_1127, %get3A_1128, %get3A_1129] {strides = array<i32>} : memref<3x128x16xf32, #tpu.memory_space<vmem>>, vector<1x1x16xf32>,
        %get3A_1131 = vector.shape_cast %get3A_1130 : vector<1x1x16xf32> to vector<16xf32>
        %slice3A_1132 = vector.extract_strided_slice %get3A_978 {offsets = [7], sizes = [1], strides = [1]} : vector<16xf32> to vector<1xf32>
        %squeeze3A_1133 = vector.extract %slice3A_1132[0] : f32 from vector<1xf32>
        %mul3A_1134 = vector.broadcast %squeeze3A_1133 : f32 to vector<16xf32>
        %mul3A_1135 = arith.mulf %get3A_1131, %mul3A_1134 : vector<16xf32>
        %add3A_1136 = arith.constant 7 : i32
        %add3A_1137 = arith.addi %mul3A_973, %add3A_1136 : i32
        %swap3A_1138 = arith.constant 2 : i32
        %swap3A_1139 = arith.index_cast %swap3A_1138 : i32 to index
        %swap3A_1140 = arith.index_cast %add3A_1137 : i32 to index
        %swap3A_1141 = arith.constant 0 : index
        %swap3A_1142 = tpu.vector_load %arg12[%swap3A_1139, %swap3A_1140, %swap3A_1141] {strides = array<i32>} : memref<3x128x16xf32, #tpu.memory_space<vmem>>, vector<1x1x16xf32>,
        %swap3A_1143 = vector.shape_cast %swap3A_1142 : vector<1x1x16xf32> to vector<16xf32>
        %swap3A_1144 = vector.shape_cast %mul3A_1135 : vector<16xf32> to vector<1x1x16xf32>
        tpu.vector_store %arg12[%swap3A_1139, %swap3A_1140, %swap3A_1141], %swap3A_1144 {strides = array<i32>} : memref<3x128x16xf32, #tpu.memory_space<vmem>>, vector<1x1x16xf32>,
        %add3A_1145 = arith.constant 8 : i32
        %add3A_1146 = arith.addi %mul3A_973, %add3A_1145 : i32
        %get3A_1147 = arith.constant 2 : i32
        %get3A_1148 = arith.index_cast %get3A_1147 : i32 to index
        %get3A_1149 = arith.index_cast %add3A_1146 : i32 to index
        %get3A_1150 = arith.constant 0 : index
        %get3A_1151 = tpu.vector_load %arg11[%get3A_1148, %get3A_1149, %get3A_1150] {strides = array<i32>} : memref<3x128x16xf32, #tpu.memory_space<vmem>>, vector<1x1x16xf32>,
        %get3A_1152 = vector.shape_cast %get3A_1151 : vector<1x1x16xf32> to vector<16xf32>
        %slice3A_1153 = vector.extract_strided_slice %get3A_978 {offsets = [8], sizes = [1], strides = [1]} : vector<16xf32> to vector<1xf32>
        %squeeze3A_1154 = vector.extract %slice3A_1153[0] : f32 from vector<1xf32>
        %mul3A_1155 = vector.broadcast %squeeze3A_1154 : f32 to vector<16xf32>
        %mul3A_1156 = arith.mulf %get3A_1152, %mul3A_1155 : vector<16xf32>
        %add3A_1157 = arith.constant 8 : i32
        %add3A_1158 = arith.addi %mul3A_973, %add3A_1157 : i32
        %swap3A_1159 = arith.constant 2 : i32
        %swap3A_1160 = arith.index_cast %swap3A_1159 : i32 to index
        %swap3A_1161 = arith.index_cast %add3A_1158 : i32 to index
        %swap3A_1162 = arith.constant 0 : index
        %swap3A_1163 = tpu.vector_load %arg12[%swap3A_1160, %swap3A_1161, %swap3A_1162] {strides = array<i32>} : memref<3x128x16xf32, #tpu.memory_space<vmem>>, vector<1x1x16xf32>,
        %swap3A_1164 = vector.shape_cast %swap3A_1163 : vector<1x1x16xf32> to vector<16xf32>
        %swap3A_1165 = vector.shape_cast %mul3A_1156 : vector<16xf32> to vector<1x1x16xf32>
        tpu.vector_store %arg12[%swap3A_1160, %swap3A_1161, %swap3A_1162], %swap3A_1165 {strides = array<i32>} : memref<3x128x16xf32, #tpu.memory_space<vmem>>, vector<1x1x16xf32>,
        %add3A_1166 = arith.constant 9 : i32
        %add3A_1167 = arith.addi %mul3A_973, %add3A_1166 : i32
        %get3A_1168 = arith.constant 2 : i32
        %get3A_1169 = arith.index_cast %get3A_1168 : i32 to index
        %get3A_1170 = arith.index_cast %add3A_1167 : i32 to index
        %get3A_1171 = arith.constant 0 : index
        %get3A_1172 = tpu.vector_load %arg11[%get3A_1169, %get3A_1170, %get3A_1171] {strides = array<i32>} : memref<3x128x16xf32, #tpu.memory_space<vmem>>, vector<1x1x16xf32>,
        %get3A_1173 = vector.shape_cast %get3A_1172 : vector<1x1x16xf32> to vector<16xf32>
        %slice3A_1174 = vector.extract_strided_slice %get3A_978 {offsets = [9], sizes = [1], strides = [1]} : vector<16xf32> to vector<1xf32>
        %squeeze3A_1175 = vector.extract %slice3A_1174[0] : f32 from vector<1xf32>
        %mul3A_1176 = vector.broadcast %squeeze3A_1175 : f32 to vector<16xf32>
        %mul3A_1177 = arith.mulf %get3A_1173, %mul3A_1176 : vector<16xf32>
        %add3A_1178 = arith.constant 9 : i32
        %add3A_1179 = arith.addi %mul3A_973, %add3A_1178 : i32
        %swap3A_1180 = arith.constant 2 : i32
        %swap3A_1181 = arith.index_cast %swap3A_1180 : i32 to index
        %swap3A_1182 = arith.index_cast %add3A_1179 : i32 to index
        %swap3A_1183 = arith.constant 0 : index
        %swap3A_1184 = tpu.vector_load %arg12[%swap3A_1181, %swap3A_1182, %swap3A_1183] {strides = array<i32>} : memref<3x128x16xf32, #tpu.memory_space<vmem>>, vector<1x1x16xf32>,
        %swap3A_1185 = vector.shape_cast %swap3A_1184 : vector<1x1x16xf32> to vector<16xf32>
        %swap3A_1186 = vector.shape_cast %mul3A_1177 : vector<16xf32> to vector<1x1x16xf32>
        tpu.vector_store %arg12[%swap3A_1181, %swap3A_1182, %swap3A_1183], %swap3A_1186 {strides = array<i32>} : memref<3x128x16xf32, #tpu.memory_space<vmem>>, vector<1x1x16xf32>,
        %add3A_1187 = arith.constant 10 : i32
        %add3A_1188 = arith.addi %mul3A_973, %add3A_1187 : i32
        %get3A_1189 = arith.constant 2 : i32
        %get3A_1190 = arith.index_cast %get3A_1189 : i32 to index
        %get3A_1191 = arith.index_cast %add3A_1188 : i32 to index
        %get3A_1192 = arith.constant 0 : index
        %get3A_1193 = tpu.vector_load %arg11[%get3A_1190, %get3A_1191, %get3A_1192] {strides = array<i32>} : memref<3x128x16xf32, #tpu.memory_space<vmem>>, vector<1x1x16xf32>,
        %get3A_1194 = vector.shape_cast %get3A_1193 : vector<1x1x16xf32> to vector<16xf32>
        %slice3A_1195 = vector.extract_strided_slice %get3A_978 {offsets = [10], sizes = [1], strides = [1]} : vector<16xf32> to vector<1xf32>
        %squeeze3A_1196 = vector.extract %slice3A_1195[0] : f32 from vector<1xf32>
        %mul3A_1197 = vector.broadcast %squeeze3A_1196 : f32 to vector<16xf32>
        %mul3A_1198 = arith.mulf %get3A_1194, %mul3A_1197 : vector<16xf32>
        %add3A_1199 = arith.constant 10 : i32
        %add3A_1200 = arith.addi %mul3A_973, %add3A_1199 : i32
        %swap3A_1201 = arith.constant 2 : i32
        %swap3A_1202 = arith.index_cast %swap3A_1201 : i32 to index
        %swap3A_1203 = arith.index_cast %add3A_1200 : i32 to index
        %swap3A_1204 = arith.constant 0 : index
        %swap3A_1205 = tpu.vector_load %arg12[%swap3A_1202, %swap3A_1203, %swap3A_1204] {strides = array<i32>} : memref<3x128x16xf32, #tpu.memory_space<vmem>>, vector<1x1x16xf32>,
        %swap3A_1206 = vector.shape_cast %swap3A_1205 : vector<1x1x16xf32> to vector<16xf32>
        %swap3A_1207 = vector.shape_cast %mul3A_1198 : vector<16xf32> to vector<1x1x16xf32>
        tpu.vector_store %arg12[%swap3A_1202, %swap3A_1203, %swap3A_1204], %swap3A_1207 {strides = array<i32>} : memref<3x128x16xf32, #tpu.memory_space<vmem>>, vector<1x1x16xf32>,
        %add3A_1208 = arith.constant 11 : i32
        %add3A_1209 = arith.addi %mul3A_973, %add3A_1208 : i32
        %get3A_1210 = arith.constant 2 : i32
        %get3A_1211 = arith.index_cast %get3A_1210 : i32 to index
        %get3A_1212 = arith.index_cast %add3A_1209 : i32 to index
        %get3A_1213 = arith.constant 0 : index
        %get3A_1214 = tpu.vector_load %arg11[%get3A_1211, %get3A_1212, %get3A_1213] {strides = array<i32>} : memref<3x128x16xf32, #tpu.memory_space<vmem>>, vector<1x1x16xf32>,
        %get3A_1215 = vector.shape_cast %get3A_1214 : vector<1x1x16xf32> to vector<16xf32>
        %slice3A_1216 = vector.extract_strided_slice %get3A_978 {offsets = [11], sizes = [1], strides = [1]} : vector<16xf32> to vector<1xf32>
        %squeeze3A_1217 = vector.extract %slice3A_1216[0] : f32 from vector<1xf32>
        %mul3A_1218 = vector.broadcast %squeeze3A_1217 : f32 to vector<16xf32>
        %mul3A_1219 = arith.mulf %get3A_1215, %mul3A_1218 : vector<16xf32>
        %add3A_1220 = arith.constant 11 : i32
        %add3A_1221 = arith.addi %mul3A_973, %add3A_1220 : i32
        %swap3A_1222 = arith.constant 2 : i32
        %swap3A_1223 = arith.index_cast %swap3A_1222 : i32 to index
        %swap3A_1224 = arith.index_cast %add3A_1221 : i32 to index
        %swap3A_1225 = arith.constant 0 : index
        %swap3A_1226 = tpu.vector_load %arg12[%swap3A_1223, %swap3A_1224, %swap3A_1225] {strides = array<i32>} : memref<3x128x16xf32, #tpu.memory_space<vmem>>, vector<1x1x16xf32>,
        %swap3A_1227 = vector.shape_cast %swap3A_1226 : vector<1x1x16xf32> to vector<16xf32>
        %swap3A_1228 = vector.shape_cast %mul3A_1219 : vector<16xf32> to vector<1x1x16xf32>
        tpu.vector_store %arg12[%swap3A_1223, %swap3A_1224, %swap3A_1225], %swap3A_1228 {strides = array<i32>} : memref<3x128x16xf32, #tpu.memory_space<vmem>>, vector<1x1x16xf32>,
        %add3A_1229 = arith.constant 12 : i32
        %add3A_1230 = arith.addi %mul3A_973, %add3A_1229 : i32
        %get3A_1231 = arith.constant 2 : i32
        %get3A_1232 = arith.index_cast %get3A_1231 : i32 to index
        %get3A_1233 = arith.index_cast %add3A_1230 : i32 to index
        %get3A_1234 = arith.constant 0 : index
        %get3A_1235 = tpu.vector_load %arg11[%get3A_1232, %get3A_1233, %get3A_1234] {strides = array<i32>} : memref<3x128x16xf32, #tpu.memory_space<vmem>>, vector<1x1x16xf32>,
        %get3A_1236 = vector.shape_cast %get3A_1235 : vector<1x1x16xf32> to vector<16xf32>
        %slice3A_1237 = vector.extract_strided_slice %get3A_978 {offsets = [12], sizes = [1], strides = [1]} : vector<16xf32> to vector<1xf32>
        %squeeze3A_1238 = vector.extract %slice3A_1237[0] : f32 from vector<1xf32>
        %mul3A_1239 = vector.broadcast %squeeze3A_1238 : f32 to vector<16xf32>
        %mul3A_1240 = arith.mulf %get3A_1236, %mul3A_1239 : vector<16xf32>
        %add3A_1241 = arith.constant 12 : i32
        %add3A_1242 = arith.addi %mul3A_973, %add3A_1241 : i32
        %swap3A_1243 = arith.constant 2 : i32
        %swap3A_1244 = arith.index_cast %swap3A_1243 : i32 to index
        %swap3A_1245 = arith.index_cast %add3A_1242 : i32 to index
        %swap3A_1246 = arith.constant 0 : index
        %swap3A_1247 = tpu.vector_load %arg12[%swap3A_1244, %swap3A_1245, %swap3A_1246] {strides = array<i32>} : memref<3x128x16xf32, #tpu.memory_space<vmem>>, vector<1x1x16xf32>,
        %swap3A_1248 = vector.shape_cast %swap3A_1247 : vector<1x1x16xf32> to vector<16xf32>
        %swap3A_1249 = vector.shape_cast %mul3A_1240 : vector<16xf32> to vector<1x1x16xf32>
        tpu.vector_store %arg12[%swap3A_1244, %swap3A_1245, %swap3A_1246], %swap3A_1249 {strides = array<i32>} : memref<3x128x16xf32, #tpu.memory_space<vmem>>, vector<1x1x16xf32>,
        %add3A_1250 = arith.constant 13 : i32
        %add3A_1251 = arith.addi %mul3A_973, %add3A_1250 : i32
        %get3A_1252 = arith.constant 2 : i32
        %get3A_1253 = arith.index_cast %get3A_1252 : i32 to index
        %get3A_1254 = arith.index_cast %add3A_1251 : i32 to index
        %get3A_1255 = arith.constant 0 : index
        %get3A_1256 = tpu.vector_load %arg11[%get3A_1253, %get3A_1254, %get3A_1255] {strides = array<i32>} : memref<3x128x16xf32, #tpu.memory_space<vmem>>, vector<1x1x16xf32>,
        %get3A_1257 = vector.shape_cast %get3A_1256 : vector<1x1x16xf32> to vector<16xf32>
        %slice3A_1258 = vector.extract_strided_slice %get3A_978 {offsets = [13], sizes = [1], strides = [1]} : vector<16xf32> to vector<1xf32>
        %squeeze3A_1259 = vector.extract %slice3A_1258[0] : f32 from vector<1xf32>
        %mul3A_1260 = vector.broadcast %squeeze3A_1259 : f32 to vector<16xf32>
        %mul3A_1261 = arith.mulf %get3A_1257, %mul3A_1260 : vector<16xf32>
        %add3A_1262 = arith.constant 13 : i32
        %add3A_1263 = arith.addi %mul3A_973, %add3A_1262 : i32
        %swap3A_1264 = arith.constant 2 : i32
        %swap3A_1265 = arith.index_cast %swap3A_1264 : i32 to index
        %swap3A_1266 = arith.index_cast %add3A_1263 : i32 to index
        %swap3A_1267 = arith.constant 0 : index
        %swap3A_1268 = tpu.vector_load %arg12[%swap3A_1265, %swap3A_1266, %swap3A_1267] {strides = array<i32>} : memref<3x128x16xf32, #tpu.memory_space<vmem>>, vector<1x1x16xf32>,
        %swap3A_1269 = vector.shape_cast %swap3A_1268 : vector<1x1x16xf32> to vector<16xf32>
        %swap3A_1270 = vector.shape_cast %mul3A_1261 : vector<16xf32> to vector<1x1x16xf32>
        tpu.vector_store %arg12[%swap3A_1265, %swap3A_1266, %swap3A_1267], %swap3A_1270 {strides = array<i32>} : memref<3x128x16xf32, #tpu.memory_space<vmem>>, vector<1x1x16xf32>,
        %add3A_1271 = arith.constant 14 : i32
        %add3A_1272 = arith.addi %mul3A_973, %add3A_1271 : i32
        %get3A_1273 = arith.constant 2 : i32
        %get3A_1274 = arith.index_cast %get3A_1273 : i32 to index
        %get3A_1275 = arith.index_cast %add3A_1272 : i32 to index
        %get3A_1276 = arith.constant 0 : index
        %get3A_1277 = tpu.vector_load %arg11[%get3A_1274, %get3A_1275, %get3A_1276] {strides = array<i32>} : memref<3x128x16xf32, #tpu.memory_space<vmem>>, vector<1x1x16xf32>,
        %get3A_1278 = vector.shape_cast %get3A_1277 : vector<1x1x16xf32> to vector<16xf32>
        %slice3A_1279 = vector.extract_strided_slice %get3A_978 {offsets = [14], sizes = [1], strides = [1]} : vector<16xf32> to vector<1xf32>
        %squeeze3A_1280 = vector.extract %slice3A_1279[0] : f32 from vector<1xf32>
        %mul3A_1281 = vector.broadcast %squeeze3A_1280 : f32 to vector<16xf32>
        %mul3A_1282 = arith.mulf %get3A_1278, %mul3A_1281 : vector<16xf32>
        %add3A_1283 = arith.constant 14 : i32
        %add3A_1284 = arith.addi %mul3A_973, %add3A_1283 : i32
        %swap3A_1285 = arith.constant 2 : i32
        %swap3A_1286 = arith.index_cast %swap3A_1285 : i32 to index
        %swap3A_1287 = arith.index_cast %add3A_1284 : i32 to index
        %swap3A_1288 = arith.constant 0 : index
        %swap3A_1289 = tpu.vector_load %arg12[%swap3A_1286, %swap3A_1287, %swap3A_1288] {strides = array<i32>} : memref<3x128x16xf32, #tpu.memory_space<vmem>>, vector<1x1x16xf32>,
        %swap3A_1290 = vector.shape_cast %swap3A_1289 : vector<1x1x16xf32> to vector<16xf32>
        %swap3A_1291 = vector.shape_cast %mul3A_1282 : vector<16xf32> to vector<1x1x16xf32>
        tpu.vector_store %arg12[%swap3A_1286, %swap3A_1287, %swap3A_1288], %swap3A_1291 {strides = array<i32>} : memref<3x128x16xf32, #tpu.memory_space<vmem>>, vector<1x1x16xf32>,
        %add3A_1292 = arith.constant 15 : i32
        %add3A_1293 = arith.addi %mul3A_973, %add3A_1292 : i32
        %get3A_1294 = arith.constant 2 : i32
        %get3A_1295 = arith.index_cast %get3A_1294 : i32 to index
        %get3A_1296 = arith.index_cast %add3A_1293 : i32 to index
        %get3A_1297 = arith.constant 0 : index
        %get3A_1298 = tpu.vector_load %arg11[%get3A_1295, %get3A_1296, %get3A_1297] {strides = array<i32>} : memref<3x128x16xf32, #tpu.memory_space<vmem>>, vector<1x1x16xf32>,
        %get3A_1299 = vector.shape_cast %get3A_1298 : vector<1x1x16xf32> to vector<16xf32>
        %slice3A_1300 = vector.extract_strided_slice %get3A_978 {offsets = [15], sizes = [1], strides = [1]} : vector<16xf32> to vector<1xf32>
        %squeeze3A_1301 = vector.extract %slice3A_1300[0] : f32 from vector<1xf32>
        %mul3A_1302 = vector.broadcast %squeeze3A_1301 : f32 to vector<16xf32>
        %mul3A_1303 = arith.mulf %get3A_1299, %mul3A_1302 : vector<16xf32>
        %add3A_1304 = arith.constant 15 : i32
        %add3A_1305 = arith.addi %mul3A_973, %add3A_1304 : i32
        %swap3A_1306 = arith.constant 2 : i32
        %swap3A_1307 = arith.index_cast %swap3A_1306 : i32 to index
        %swap3A_1308 = arith.index_cast %add3A_1305 : i32 to index
        %swap3A_1309 = arith.constant 0 : index
        %swap3A_1310 = tpu.vector_load %arg12[%swap3A_1307, %swap3A_1308, %swap3A_1309] {strides = array<i32>} : memref<3x128x16xf32, #tpu.memory_space<vmem>>, vector<1x1x16xf32>,
        %swap3A_1311 = vector.shape_cast %swap3A_1310 : vector<1x1x16xf32> to vector<16xf32>
        %swap3A_1312 = vector.shape_cast %mul3A_1303 : vector<16xf32> to vector<1x1x16xf32>
        tpu.vector_store %arg12[%swap3A_1307, %swap3A_1308, %swap3A_1309], %swap3A_1312 {strides = array<i32>} : memref<3x128x16xf32, #tpu.memory_space<vmem>>, vector<1x1x16xf32>,
      }
      %scan3A_940 = arith.constant 8 : i32
      %dma_start3A_941 = arith.constant 2 : i32
      %dma_start3A_942 = arith.constant 2 : i32
      %dma_start3A_943 = arith.constant 0 : i32
      %dma_start3A_944 = arith.constant 0 : i32
      %dma_start3A_945 = tpu.memref_slice %arg12[%dma_start3A_941, %dma_start3A_943, %dma_start3A_944] : memref<3x128x16xf32, #tpu.memory_space<vmem>> -> memref<1x128x16xf32, #tpu.memory_space<vmem>>
      %dma_start3A_946 = tpu.memref_squeeze %dma_start3A_945 : memref<1x128x16xf32, #tpu.memory_space<vmem>> -> memref<128x16xf32, #tpu.memory_space<vmem>>
      %dma_start3A_947 = arith.constant 0 : i32
      %dma_start3A_948 = tpu.memref_slice %arg10[%dma_start3A_942, %dma_start3A_947] : memref<3x128xi32, #tpu.memory_space<vmem>> -> memref<1x128xi32, #tpu.memory_space<vmem>>
      %dma_start3A_949 = tpu.memref_squeeze %dma_start3A_948 : memref<1x128xi32, #tpu.memory_space<vmem>> -> memref<128xi32, #tpu.memory_space<vmem>>
      %dma_start3A_950 = arith.constant 0 : i32
      %dma_start3A_951 = arith.constant 0 : i32
      %dma_start3A_952 = tpu.memref_slice %arg14[%dma_start3A_950, %dma_start3A_951] : memref<75272x16xf32, #tpu.memory_space<vmem_shared>> -> memref<75272x16xf32, #tpu.memory_space<vmem_shared>>
      tpu.enqueue_indirect_dma source(%dma_start3A_946 : memref<128x16xf32, #tpu.memory_space<vmem>>) target(%dma_start3A_952 : memref<75272x16xf32, #tpu.memory_space<vmem_shared>>) offsets(%dma_start3A_949 : memref<128xi32, #tpu.memory_space<vmem>>) semaphore(%arg23 : memref<!tpu.dma_semaphore, #tpu.memory_space<semaphore_mem>>) {add = true}
      %add3A_953 = arith.constant 2 : i32
      %add3A_954 = arith.addi %add3A_731, %add3A_953 : i32
      %lt3A_955 = arith.constant 294 : i32
      %lt3A_956 = arith.cmpi slt, %add3A_954, %lt3A_955 : i32
      %convert_element_type3A_957 = arith.extui %lt3A_956 : i1 to i32
      %cond3A_958 = arith.constant 0 : i32
      %cond3A_959 = arith.cmpi ne, %convert_element_type3A_957, %cond3A_958 : i32
      scf.if %cond3A_959 {
        %dma_wait3A_967 = arith.constant 1 : i32
        %dma_wait3A_968 = arith.constant 0 : i32
        %dma_wait3A_969 = tpu.memref_slice %arg7[%dma_wait3A_967, %dma_wait3A_968] : memref<3x128xi32, #tpu.memory_space<vmem>> -> memref<1x128xi32, #tpu.memory_space<vmem>>
        %dma_wait3A_970 = tpu.memref_squeeze %dma_wait3A_969 : memref<1x128xi32, #tpu.memory_space<vmem>> -> memref<128xi32, #tpu.memory_space<vmem>>
        %dma_wait3A_971 = arith.constant 0 : i32
        %dma_wait3A_972 = tpu.memref_slice %arg3[%dma_wait3A_971] : memref<602112xi32, #tpu.memory_space<hbm>> -> memref<128xi32, #tpu.memory_space<hbm>>
        %dma_wait3A_973 = arith.constant 0 : i32
        %dma_wait3A_974 = tpu.memref_slice %arg7[%dma_wait3A_967, %dma_wait3A_973] : memref<3x128xi32, #tpu.memory_space<vmem>> -> memref<1x128xi32, #tpu.memory_space<vmem>>
        %dma_wait3A_975 = tpu.memref_squeeze %dma_wait3A_974 : memref<1x128xi32, #tpu.memory_space<vmem>> -> memref<128xi32, #tpu.memory_space<vmem>>
        %dma_wait3A_976 = arith.constant 0 : i32
        %dma_wait3A_977 = tpu.memref_slice %arg3[%dma_wait3A_976] : memref<602112xi32, #tpu.memory_space<hbm>> -> memref<128xi32, #tpu.memory_space<hbm>>
        tpu.wait_dma2 semaphore(%arg16 : memref<!tpu.dma_semaphore, #tpu.memory_space<semaphore_mem>>) src(%dma_wait3A_977 : memref<128xi32, #tpu.memory_space<hbm>>) dst(%dma_wait3A_975 : memref<128xi32, #tpu.memory_space<vmem>>)
        %dma_wait3A_978 = arith.constant 1 : i32
        %dma_wait3A_979 = arith.constant 0 : i32
        %dma_wait3A_980 = tpu.memref_slice %arg8[%dma_wait3A_978, %dma_wait3A_979] : memref<3x128xi32, #tpu.memory_space<vmem>> -> memref<1x128xi32, #tpu.memory_space<vmem>>
        %dma_wait3A_981 = tpu.memref_squeeze %dma_wait3A_980 : memref<1x128xi32, #tpu.memory_space<vmem>> -> memref<128xi32, #tpu.memory_space<vmem>>
        %dma_wait3A_982 = arith.constant 0 : i32
        %dma_wait3A_983 = tpu.memref_slice %arg4[%dma_wait3A_982] : memref<602112xi32, #tpu.memory_space<hbm>> -> memref<128xi32, #tpu.memory_space<hbm>>
        %dma_wait3A_984 = arith.constant 0 : i32
        %dma_wait3A_985 = tpu.memref_slice %arg8[%dma_wait3A_978, %dma_wait3A_984] : memref<3x128xi32, #tpu.memory_space<vmem>> -> memref<1x128xi32, #tpu.memory_space<vmem>>
        %dma_wait3A_986 = tpu.memref_squeeze %dma_wait3A_985 : memref<1x128xi32, #tpu.memory_space<vmem>> -> memref<128xi32, #tpu.memory_space<vmem>>
        %dma_wait3A_987 = arith.constant 0 : i32
        %dma_wait3A_988 = tpu.memref_slice %arg4[%dma_wait3A_987] : memref<602112xi32, #tpu.memory_space<hbm>> -> memref<128xi32, #tpu.memory_space<hbm>>
        tpu.wait_dma2 semaphore(%arg16 : memref<!tpu.dma_semaphore, #tpu.memory_space<semaphore_mem>>) src(%dma_wait3A_988 : memref<128xi32, #tpu.memory_space<hbm>>) dst(%dma_wait3A_986 : memref<128xi32, #tpu.memory_space<vmem>>)
        %dma_wait3A_989 = arith.constant 1 : i32
        %dma_wait3A_990 = arith.constant 0 : i32
        %dma_wait3A_991 = tpu.memref_slice %arg9[%dma_wait3A_989, %dma_wait3A_990] : memref<3x128xf32, #tpu.memory_space<vmem>> -> memref<1x128xf32, #tpu.memory_space<vmem>>
        %dma_wait3A_992 = tpu.memref_squeeze %dma_wait3A_991 : memref<1x128xf32, #tpu.memory_space<vmem>> -> memref<128xf32, #tpu.memory_space<vmem>>
        %dma_wait3A_993 = arith.constant 0 : i32
        %dma_wait3A_994 = tpu.memref_slice %arg5[%dma_wait3A_993] : memref<602112xf32, #tpu.memory_space<hbm>> -> memref<128xf32, #tpu.memory_space<hbm>>
        %dma_wait3A_995 = arith.constant 0 : i32
        %dma_wait3A_996 = tpu.memref_slice %arg9[%dma_wait3A_989, %dma_wait3A_995] : memref<3x128xf32, #tpu.memory_space<vmem>> -> memref<1x128xf32, #tpu.memory_space<vmem>>
        %dma_wait3A_997 = tpu.memref_squeeze %dma_wait3A_996 : memref<1x128xf32, #tpu.memory_space<vmem>> -> memref<128xf32, #tpu.memory_space<vmem>>
        %dma_wait3A_998 = arith.constant 0 : i32
        %dma_wait3A_999 = tpu.memref_slice %arg5[%dma_wait3A_998] : memref<602112xf32, #tpu.memory_space<hbm>> -> memref<128xf32, #tpu.memory_space<hbm>>
        tpu.wait_dma2 semaphore(%arg16 : memref<!tpu.dma_semaphore, #tpu.memory_space<semaphore_mem>>) src(%dma_wait3A_999 : memref<128xf32, #tpu.memory_space<hbm>>) dst(%dma_wait3A_997 : memref<128xf32, #tpu.memory_space<vmem>>)
        %dma_start3A_1000 = arith.constant 1 : i32
        %dma_start3A_1001 = arith.constant 1 : i32
        %dma_start3A_1002 = arith.constant 0 : i32
        %dma_start3A_1003 = arith.constant 0 : i32
        %dma_start3A_1004 = tpu.memref_slice %arg11[%dma_start3A_1001, %dma_start3A_1002, %dma_start3A_1003] : memref<3x128x16xf32, #tpu.memory_space<vmem>> -> memref<1x128x16xf32, #tpu.memory_space<vmem>>
        %dma_start3A_1005 = tpu.memref_squeeze %dma_start3A_1004 : memref<1x128x16xf32, #tpu.memory_space<vmem>> -> memref<128x16xf32, #tpu.memory_space<vmem>>
        %dma_start3A_1006 = arith.constant 0 : i32
        %dma_start3A_1007 = tpu.memref_slice %arg8[%dma_start3A_1000, %dma_start3A_1006] : memref<3x128xi32, #tpu.memory_space<vmem>> -> memref<1x128xi32, #tpu.memory_space<vmem>>
        %dma_start3A_1008 = tpu.memref_squeeze %dma_start3A_1007 : memref<1x128xi32, #tpu.memory_space<vmem>> -> memref<128xi32, #tpu.memory_space<vmem>>
        %dma_start3A_1009 = arith.constant 0 : i32
        %dma_start3A_1010 = arith.constant 0 : i32
        %dma_start3A_1011 = tpu.memref_slice %arg2[%dma_start3A_1009, %dma_start3A_1010] : memref<786432x16xf32, #tpu.memory_space<hbm>> -> memref<786432x16xf32, #tpu.memory_space<hbm>>
        tpu.enqueue_indirect_dma source(%dma_start3A_1011 : memref<786432x16xf32, #tpu.memory_space<hbm>>) target(%dma_start3A_1005 : memref<128x16xf32, #tpu.memory_space<vmem>>) offsets(%dma_start3A_1008 : memref<128xi32, #tpu.memory_space<vmem>>) semaphore(%arg19 : memref<!tpu.dma_semaphore, #tpu.memory_space<semaphore_mem>>)
      } else {
      }
      %add3A_960 = arith.constant 3 : i32
      %add3A_961 = arith.addi %add3A_731, %add3A_960 : i32
      %lt3A_962 = arith.constant 294 : i32
      %lt3A_963 = arith.cmpi slt, %add3A_961, %lt3A_962 : i32
      %convert_element_type3A_964 = arith.extui %lt3A_963 : i1 to i32
      %cond3A_965 = arith.constant 0 : i32
      %cond3A_966 = arith.cmpi ne, %convert_element_type3A_964, %cond3A_965 : i32
      scf.if %cond3A_966 {
        %add3A_967 = arith.constant 3 : i32
        %add3A_968 = arith.addi %add3A_731, %add3A_967 : i32
        %mul3A_969 = arith.constant 128 : i32
        %mul3A_970 = arith.muli %add3A_968, %mul3A_969 : i32
        %add3A_971 = arith.addi %mul3A_0, %mul3A_970 : i32
        %dma_start3A_972 = arith.constant 2 : i32
        %dma_start3A_973 = arith.constant 0 : i32
        %dma_start3A_974 = tpu.memref_slice %arg7[%dma_start3A_972, %dma_start3A_973] : memref<3x128xi32, #tpu.memory_space<vmem>> -> memref<1x128xi32, #tpu.memory_space<vmem>>
        %dma_start3A_975 = tpu.memref_squeeze %dma_start3A_974 : memref<1x128xi32, #tpu.memory_space<vmem>> -> memref<128xi32, #tpu.memory_space<vmem>>
        %dma_start3A_976 = tpu.memref_slice %arg3[%add3A_971] : memref<602112xi32, #tpu.memory_space<hbm>> -> memref<128xi32, #tpu.memory_space<hbm>>
        %dma_start3A_977 = arith.constant 0 : i32
        %dma_start3A_978 = tpu.memref_slice %arg7[%dma_start3A_972, %dma_start3A_977] : memref<3x128xi32, #tpu.memory_space<vmem>> -> memref<1x128xi32, #tpu.memory_space<vmem>>
        %dma_start3A_979 = tpu.memref_squeeze %dma_start3A_978 : memref<1x128xi32, #tpu.memory_space<vmem>> -> memref<128xi32, #tpu.memory_space<vmem>>
        %dma_start3A_980 = tpu.memref_slice %arg3[%add3A_971] : memref<602112xi32, #tpu.memory_space<hbm>> -> memref<128xi32, #tpu.memory_space<hbm>>
        tpu.enqueue_dma source(%dma_start3A_980 : memref<128xi32, #tpu.memory_space<hbm>>) target(%dma_start3A_979 : memref<128xi32, #tpu.memory_space<vmem>>) target_semaphore(%arg17 : memref<!tpu.dma_semaphore, #tpu.memory_space<semaphore_mem>>)
        %dma_start3A_981 = arith.constant 2 : i32
        %dma_start3A_982 = arith.constant 0 : i32
        %dma_start3A_983 = tpu.memref_slice %arg8[%dma_start3A_981, %dma_start3A_982] : memref<3x128xi32, #tpu.memory_space<vmem>> -> memref<1x128xi32, #tpu.memory_space<vmem>>
        %dma_start3A_984 = tpu.memref_squeeze %dma_start3A_983 : memref<1x128xi32, #tpu.memory_space<vmem>> -> memref<128xi32, #tpu.memory_space<vmem>>
        %dma_start3A_985 = tpu.memref_slice %arg4[%add3A_971] : memref<602112xi32, #tpu.memory_space<hbm>> -> memref<128xi32, #tpu.memory_space<hbm>>
        %dma_start3A_986 = arith.constant 0 : i32
        %dma_start3A_987 = tpu.memref_slice %arg8[%dma_start3A_981, %dma_start3A_986] : memref<3x128xi32, #tpu.memory_space<vmem>> -> memref<1x128xi32, #tpu.memory_space<vmem>>
        %dma_start3A_988 = tpu.memref_squeeze %dma_start3A_987 : memref<1x128xi32, #tpu.memory_space<vmem>> -> memref<128xi32, #tpu.memory_space<vmem>>
        %dma_start3A_989 = tpu.memref_slice %arg4[%add3A_971] : memref<602112xi32, #tpu.memory_space<hbm>> -> memref<128xi32, #tpu.memory_space<hbm>>
        tpu.enqueue_dma source(%dma_start3A_989 : memref<128xi32, #tpu.memory_space<hbm>>) target(%dma_start3A_988 : memref<128xi32, #tpu.memory_space<vmem>>) target_semaphore(%arg17 : memref<!tpu.dma_semaphore, #tpu.memory_space<semaphore_mem>>)
        %dma_start3A_990 = arith.constant 2 : i32
        %dma_start3A_991 = arith.constant 0 : i32
        %dma_start3A_992 = tpu.memref_slice %arg9[%dma_start3A_990, %dma_start3A_991] : memref<3x128xf32, #tpu.memory_space<vmem>> -> memref<1x128xf32, #tpu.memory_space<vmem>>
        %dma_start3A_993 = tpu.memref_squeeze %dma_start3A_992 : memref<1x128xf32, #tpu.memory_space<vmem>> -> memref<128xf32, #tpu.memory_space<vmem>>
        %dma_start3A_994 = tpu.memref_slice %arg5[%add3A_971] : memref<602112xf32, #tpu.memory_space<hbm>> -> memref<128xf32, #tpu.memory_space<hbm>>
        %dma_start3A_995 = arith.constant 0 : i32
        %dma_start3A_996 = tpu.memref_slice %arg9[%dma_start3A_990, %dma_start3A_995] : memref<3x128xf32, #tpu.memory_space<vmem>> -> memref<1x128xf32, #tpu.memory_space<vmem>>
        %dma_start3A_997 = tpu.memref_squeeze %dma_start3A_996 : memref<1x128xf32, #tpu.memory_space<vmem>> -> memref<128xf32, #tpu.memory_space<vmem>>
        %dma_start3A_998 = tpu.memref_slice %arg5[%add3A_971] : memref<602112xf32, #tpu.memory_space<hbm>> -> memref<128xf32, #tpu.memory_space<hbm>>
        tpu.enqueue_dma source(%dma_start3A_998 : memref<128xf32, #tpu.memory_space<hbm>>) target(%dma_start3A_997 : memref<128xf32, #tpu.memory_space<vmem>>) target_semaphore(%arg17 : memref<!tpu.dma_semaphore, #tpu.memory_space<semaphore_mem>>)
      } else {
      }
    }
    %scan3A_203 = arith.constant 98 : i32
    %dma_wait3A_204 = arith.constant 0 : i32
    %dma_wait3A_205 = arith.constant 0 : i32
    %dma_wait3A_206 = arith.constant 0 : i32
    %dma_wait3A_207 = tpu.memref_slice %arg12[%dma_wait3A_204, %dma_wait3A_205, %dma_wait3A_206] : memref<3x128x16xf32, #tpu.memory_space<vmem>> -> memref<1x128x16xf32, #tpu.memory_space<vmem>>
    %dma_wait3A_208 = tpu.memref_squeeze %dma_wait3A_207 : memref<1x128x16xf32, #tpu.memory_space<vmem>> -> memref<128x16xf32, #tpu.memory_space<vmem>>
    %dma_wait3A_209 = arith.constant 0 : i32
    %dma_wait3A_210 = arith.constant 0 : i32
    %dma_wait3A_211 = tpu.memref_slice %arg14[%dma_wait3A_209, %dma_wait3A_210] : memref<75272x16xf32, #tpu.memory_space<vmem_shared>> -> memref<128x16xf32, #tpu.memory_space<vmem_shared>>
    %dma_wait3A_212 = arith.constant 0 : i32
    %dma_wait3A_213 = arith.constant 0 : i32
    %dma_wait3A_214 = tpu.memref_slice %arg14[%dma_wait3A_212, %dma_wait3A_213] : memref<75272x16xf32, #tpu.memory_space<vmem_shared>> -> memref<128x16xf32, #tpu.memory_space<vmem_shared>>
    %dma_wait3A_215 = arith.constant 0 : i32
    %dma_wait3A_216 = arith.constant 0 : i32
    %dma_wait3A_217 = tpu.memref_slice %arg12[%dma_wait3A_204, %dma_wait3A_215, %dma_wait3A_216] : memref<3x128x16xf32, #tpu.memory_space<vmem>> -> memref<1x128x16xf32, #tpu.memory_space<vmem>>
    %dma_wait3A_218 = tpu.memref_squeeze %dma_wait3A_217 : memref<1x128x16xf32, #tpu.memory_space<vmem>> -> memref<128x16xf32, #tpu.memory_space<vmem>>
    tpu.wait_dma2 semaphore(%arg21 : memref<!tpu.dma_semaphore, #tpu.memory_space<semaphore_mem>>) src(%dma_wait3A_218 : memref<128x16xf32, #tpu.memory_space<vmem>>) dst(%dma_wait3A_214 : memref<128x16xf32, #tpu.memory_space<vmem_shared>>)
    %dma_wait3A_219 = arith.constant 1 : i32
    %dma_wait3A_220 = arith.constant 0 : i32
    %dma_wait3A_221 = arith.constant 0 : i32
    %dma_wait3A_222 = tpu.memref_slice %arg12[%dma_wait3A_219, %dma_wait3A_220, %dma_wait3A_221] : memref<3x128x16xf32, #tpu.memory_space<vmem>> -> memref<1x128x16xf32, #tpu.memory_space<vmem>>
    %dma_wait3A_223 = tpu.memref_squeeze %dma_wait3A_222 : memref<1x128x16xf32, #tpu.memory_space<vmem>> -> memref<128x16xf32, #tpu.memory_space<vmem>>
    %dma_wait3A_224 = arith.constant 0 : i32
    %dma_wait3A_225 = arith.constant 0 : i32
    %dma_wait3A_226 = tpu.memref_slice %arg14[%dma_wait3A_224, %dma_wait3A_225] : memref<75272x16xf32, #tpu.memory_space<vmem_shared>> -> memref<128x16xf32, #tpu.memory_space<vmem_shared>>
    %dma_wait3A_227 = arith.constant 0 : i32
    %dma_wait3A_228 = arith.constant 0 : i32
    %dma_wait3A_229 = tpu.memref_slice %arg14[%dma_wait3A_227, %dma_wait3A_228] : memref<75272x16xf32, #tpu.memory_space<vmem_shared>> -> memref<128x16xf32, #tpu.memory_space<vmem_shared>>
    %dma_wait3A_230 = arith.constant 0 : i32
    %dma_wait3A_231 = arith.constant 0 : i32
    %dma_wait3A_232 = tpu.memref_slice %arg12[%dma_wait3A_219, %dma_wait3A_230, %dma_wait3A_231] : memref<3x128x16xf32, #tpu.memory_space<vmem>> -> memref<1x128x16xf32, #tpu.memory_space<vmem>>
    %dma_wait3A_233 = tpu.memref_squeeze %dma_wait3A_232 : memref<1x128x16xf32, #tpu.memory_space<vmem>> -> memref<128x16xf32, #tpu.memory_space<vmem>>
    tpu.wait_dma2 semaphore(%arg22 : memref<!tpu.dma_semaphore, #tpu.memory_space<semaphore_mem>>) src(%dma_wait3A_233 : memref<128x16xf32, #tpu.memory_space<vmem>>) dst(%dma_wait3A_229 : memref<128x16xf32, #tpu.memory_space<vmem_shared>>)
    %dma_wait3A_234 = arith.constant 2 : i32
    %dma_wait3A_235 = arith.constant 0 : i32
    %dma_wait3A_236 = arith.constant 0 : i32
    %dma_wait3A_237 = tpu.memref_slice %arg12[%dma_wait3A_234, %dma_wait3A_235, %dma_wait3A_236] : memref<3x128x16xf32, #tpu.memory_space<vmem>> -> memref<1x128x16xf32, #tpu.memory_space<vmem>>
    %dma_wait3A_238 = tpu.memref_squeeze %dma_wait3A_237 : memref<1x128x16xf32, #tpu.memory_space<vmem>> -> memref<128x16xf32, #tpu.memory_space<vmem>>
    %dma_wait3A_239 = arith.constant 0 : i32
    %dma_wait3A_240 = arith.constant 0 : i32
    %dma_wait3A_241 = tpu.memref_slice %arg14[%dma_wait3A_239, %dma_wait3A_240] : memref<75272x16xf32, #tpu.memory_space<vmem_shared>> -> memref<128x16xf32, #tpu.memory_space<vmem_shared>>
    %dma_wait3A_242 = arith.constant 0 : i32
    %dma_wait3A_243 = arith.constant 0 : i32
    %dma_wait3A_244 = tpu.memref_slice %arg14[%dma_wait3A_242, %dma_wait3A_243] : memref<75272x16xf32, #tpu.memory_space<vmem_shared>> -> memref<128x16xf32, #tpu.memory_space<vmem_shared>>
    %dma_wait3A_245 = arith.constant 0 : i32
    %dma_wait3A_246 = arith.constant 0 : i32
    %dma_wait3A_247 = tpu.memref_slice %arg12[%dma_wait3A_234, %dma_wait3A_245, %dma_wait3A_246] : memref<3x128x16xf32, #tpu.memory_space<vmem>> -> memref<1x128x16xf32, #tpu.memory_space<vmem>>
    %dma_wait3A_248 = tpu.memref_squeeze %dma_wait3A_247 : memref<1x128x16xf32, #tpu.memory_space<vmem>> -> memref<128x16xf32, #tpu.memory_space<vmem>>
    tpu.wait_dma2 semaphore(%arg23 : memref<!tpu.dma_semaphore, #tpu.memory_space<semaphore_mem>>) src(%dma_wait3A_248 : memref<128x16xf32, #tpu.memory_space<vmem>>) dst(%dma_wait3A_244 : memref<128x16xf32, #tpu.memory_space<vmem_shared>>)
    %barrier3A_249 = arith.constant 0 : index
    tpu.barrier barrier_id(%barrier3A_249)
    %mul3A_250 = arith.constant 4704 : i32
    %mul3A_251 = arith.muli %arg1, %mul3A_250 : i32
    %mul3A_252 = arith.constant 4704 : i32
    %mul3A_253 = arith.muli %arg1, %mul3A_252 : i32
    %add3A_254 = arith.addi %mul3A_2, %mul3A_253 : i32
    "tpu.region"() ({
      %run_scoped3A = tpu.sem_alloc : memref<!tpu.dma_semaphore, #tpu.memory_space<semaphore_mem>>
      %dma_start3A_255 = arith.constant 0 : i32
      %dma_start3A_256 = tpu.memref_slice %arg6[%add3A_254, %dma_start3A_255] : memref<150528x16xf32, #tpu.memory_space<hbm>> -> memref<4704x16xf32, #tpu.memory_space<hbm>>
      %dma_start3A_257 = arith.constant 0 : i32
      %dma_start3A_258 = tpu.memref_slice %arg14[%mul3A_251, %dma_start3A_257] : memref<75272x16xf32, #tpu.memory_space<vmem_shared>> -> memref<4704x16xf32, #tpu.memory_space<vmem_shared>>
      tpu.enqueue_dma source(%dma_start3A_258 : memref<4704x16xf32, #tpu.memory_space<vmem_shared>>) target(%dma_start3A_256 : memref<4704x16xf32, #tpu.memory_space<hbm>>) target_semaphore(%run_scoped3A : memref<!tpu.dma_semaphore, #tpu.memory_space<semaphore_mem>>)
      %dma_wait3A_259 = arith.constant 0 : i32
      %dma_wait3A_260 = tpu.memref_slice %arg6[%add3A_254, %dma_wait3A_259] : memref<150528x16xf32, #tpu.memory_space<hbm>> -> memref<4704x16xf32, #tpu.memory_space<hbm>>
      %dma_wait3A_261 = arith.constant 0 : i32
      %dma_wait3A_262 = tpu.memref_slice %arg14[%mul3A_251, %dma_wait3A_261] : memref<75272x16xf32, #tpu.memory_space<vmem_shared>> -> memref<4704x16xf32, #tpu.memory_space<vmem_shared>>
      tpu.wait_dma2 semaphore(%run_scoped3A : memref<!tpu.dma_semaphore, #tpu.memory_space<semaphore_mem>>) src(%dma_wait3A_262 : memref<4704x16xf32, #tpu.memory_space<vmem_shared>>) dst(%dma_wait3A_260 : memref<4704x16xf32, #tpu.memory_space<hbm>>)
      tpu.yield
    }) : () -> ()
    return
  }
}

</mosaic_0001>

<sc_bundles>
// kernel: coo_spmm_sc.3.cloned.1.call-start
scs
__scs_entry_jumppad:
0x0: {  	(pc) =	sbr.rel $0x88, $3  }
0x1: {  	(tag) =	ssettag $0x0;
	lr =	simm.s32 $0x1  }
0x2: {  	[smem:$0x3F9C] =	sst lr;
	_ =	strace $0xD0000000  }
0x3: {  	_ = 	snop  }
0x4: {  	_ = 	snop  }
0x5: {  	_ = 	snop  }
0x6: {  	_ = 	snop  }
0x7: {  	_ = 	snop  }
__scs_overlays_trampoline_lowered:
0x8: {  	[smem:$0x3FAB] =	sst s0  }
0x9: {  	[smem:$0x3FAC] =	sst s1  }
0xa: {  	[smem:$0x3FAD] =	sst s2  }
0xb: {  	[smem:$0x3FAE] =	sst s3  }
0xc: {  	[smem:$0x3FAF] =	sst s4  }
0xd: {  	[smem:$0x3FB0] =	sst s5  }
0xe: {  	[smem:$0x3FB1] =	sst s6  }
0xf: {  	[smem:$0x3FB2] =	sst s7  }
0x10: {  	[smem:$0x3FB3] =	sst s8  }
0x11: {  	[smem:$0x3FB4] =	sst s9;
	s0 =	simm.s32 @!p0 $0x0  }
0x12: {  	s1 =	sld [smem:$0x3F9A];
	s0 =	simm.s32 @p0 $0x1  }
0x13: {  	[smem:$0x3FB5] =	sst s0;
	s0 =	simm.s32 @!p1 $0x0  }
0x14: {  	s2 =	sld [smem:$0x3F99];
	s0 =	simm.s32 @p1 $0x1  }
0x15: {  	[smem:$0x3FB6] =	sst s0;
	s0 =	simm.s32 @!p2 $0x0  }
0x16: {  	s3 =	sld [smem:$0x3FDB];
	s0 =	simm.s32 @p2 $0x1  }
0x17: {  	s4 =	simm.s32 $0x1BF5;
	[smem:$0x3FB8] =	sst s0  }
0x18: {  	s0 =	sld [smem:$0x3F9B];
	_ =	swait.ge [sflag:s4], $0x0  }
0x19: {  	s7 =	sld [smem:$0x3F9C]  }
0x1a: {  	s8 =	sadd.s32 $0xFFFFE003, lr  }
0x1b: {  	s9 =	sadd.s32 $0xFFFFFEF7, lr;
	s5 =	simm.s32 $0xFFFFFFFF;
	p2 =	slt.u32 s8, $0xFFFFF086  }
0x1c: {  	p1 =	slt.u32 s9, $0xF7A;
	s5 =	simm.s32 @!p2 $0x0  }
0x1d: {  	s5 =	simm.s32 @p1 $0x1;
	p0 =	seq.s32 s7, s2  }
0x1e: {  	s7 =	smul.u32 @!p0 $0xF7A, s2;
	p2 =	seq.s32 @!p0 s5, $0x0  }
0x1f: {  	s9 =	smul.u32 $0xF7A, s1;
	s8 =	simm.s32 @!p0 $0x1BF5;
	p2 =	por !p2, p0  }
0x20: {  	[sflag:s8] =	ssyncset.s32 @!p0 $0xFFFFF086;
	s6 =	sadd.s32 @!p0 s3, s7;
	s7 =	simm.s32 @!p0 $0x108  }
0x21: {  	s3 =	sadd.s32 s3, s9;
	s6 =	sadd.s32 @!p0 $0x88, s6;
	s7 =	simm.s32 @p2 $0x1082  }
0x22: {  	[simem:s7], [sflag:s8] =	dma.local @!p0 [hbm:s6], $0xF7A  }
0x23: {  	s9 =	sor.u32 $0xD0000000, s2;
	s6 =	simm.s32 $0x108;
	_ =	swait.ge @!p0 [sflag:s8], $0x0  }
0x24: {  	s3 =	sadd.s32 $0x88, s3;
	s6 =	simm.s32 @!p1 $0x1082;
	[sflag:s4] =	ssyncset.s32 $0xFFFFF086  }
0x25: {  	[simem:s6], [sflag:s4] =	dma.local [hbm:s3], $0xF7A  }
0x26: {  	[smem:$0x3F9C] =	sst s1;
	(tag) =	ssettag s2;
	_ =	strace s9  }
0x27: {  	s1 =	sld [smem:$0x3FAC]  }
0x28: {  	s2 =	sld [smem:$0x3FAD]  }
0x29: {  	s4 =	sld [smem:$0x3FAF]  }
0x2a: {  	p0 =	seq.s32 s5, $0x0;
	s5 =	sld [smem:$0x3FB0]  }
0x2b: {  	s6 =	sld [smem:$0x3FB1]  }
0x2c: {  	s7 =	sld [smem:$0x3FB2]  }
0x2d: {  	s3 =	simm.s32 $0x108;
	s8 =	sld [smem:$0x3FB3]  }
0x2e: {  	s3 =	simm.s32 @!p0 $0x1082;
	s9 =	sld [smem:$0x3FB4]  }
0x2f: {  	lr =	sadd.s32 s0, s3;
	s0 =	sld [smem:$0x3FAB]  }
0x30: {  	s3 =	sld [smem:$0x3FAE]  }
0x31: {  	[smem:$0x3FB7] =	sst s10  }
0x32: {  	s10 =	sld [smem:$0x3FB5];
	_ =	sdelay $0x3  }
0x33: {  	p0 =	seq.s32 s10, $0x1;
	s10 =	sld [smem:$0x3FB7];
	_ =	sdelay $0x3  }
0x34: {  	[smem:$0x3FB7] =	sst s10  }
0x35: {  	s10 =	sld [smem:$0x3FB6];
	_ =	sdelay $0x3  }
0x36: {  	p1 =	seq.s32 s10, $0x1;
	s10 =	sld [smem:$0x3FB7];
	_ =	sdelay $0x3  }
0x37: {  	[smem:$0x3FB7] =	sst s10  }
0x38: {  	s10 =	sld [smem:$0x3FB8]  }
0x39: {  	_ = 	snop;
	(pc) =	sbr.ind lr, $3  }
0x3a: {  	_ = 	snop  }
0x3b: {  	_ = 	snop  }
0x3c: {  	p2 =	seq.s32 s10, $0x1;
	s10 =	sld [smem:$0x3FB7]  }
0x3d: {  	_ =	shalt  }
0x3e: {  	_ =	shalt  }
0x3f: {  	_ =	shalt  }
0x40: {  	_ =	shalt  }
0x41: {  	_ =	shalt  }
0x42: {  	_ =	shalt  }
0x43: {  	_ =	shalt  }
0x44: {  	_ =	shalt  }
0x45: {  	_ =	shalt  }
0x46: {  	_ =	shalt  }
0x47: {  	_ =	shalt  }
0x48: {  	_ =	shalt  }
0x49: {  	_ =	shalt  }
0x4a: {  	_ =	shalt  }
0x4b: {  	_ =	shalt  }
0x4c: {  	_ =	shalt  }
0x4d: {  	_ =	shalt  }
0x4e: {  	_ =	shalt  }
0x4f: {  	_ =	shalt  }
0x50: {  	_ =	shalt  }
0x51: {  	_ =	shalt  }
0x52: {  	_ =	shalt  }
0x53: {  	_ =	shalt  }
0x54: {  	_ =	shalt  }
0x55: {  	_ =	shalt  }
0x56: {  	_ =	shalt  }
0x57: {  	_ =	shalt  }
0x58: {  	_ =	shalt  }
0x59: {  	_ =	shalt  }
0x5a: {  	_ =	shalt  }
0x5b: {  	_ =	shalt  }
0x5c: {  	_ =	shalt  }
0x5d: {  	_ =	shalt  }
0x5e: {  	_ =	shalt  }
0x5f: {  	_ =	shalt  }
0x60: {  	_ =	shalt  }
0x61: {  	_ =	shalt  }
0x62: {  	_ =	shalt  }
0x63: {  	_ =	shalt  }
0x64: {  	_ =	shalt  }
0x65: {  	_ =	shalt  }
0x66: {  	_ =	shalt  }
0x67: {  	_ =	shalt  }
0x68: {  	_ =	shalt  }
0x69: {  	_ =	shalt  }
0x6a: {  	_ =	shalt  }
0x6b: {  	_ =	shalt  }
0x6c: {  	_ =	shalt  }
0x6d: {  	_ =	shalt  }
0x6e: {  	_ =	shalt  }
0x6f: {  	_ =	shalt  }
0x70: {  	_ =	shalt  }
0x71: {  	_ =	shalt  }
0x72: {  	_ =	shalt  }
0x73: {  	_ =	shalt  }
0x74: {  	_ =	shalt  }
0x75: {  	_ =	shalt  }
0x76: {  	_ =	shalt  }
0x77: {  	_ =	shalt  }
0x78: {  	_ =	shalt  }
0x79: {  	_ =	shalt  }
0x7a: {  	_ =	shalt  }
0x7b: {  	_ =	shalt  }
0x7c: {  	_ =	shalt  }
0x7d: {  	_ =	shalt  }
0x7e: {  	_ =	shalt  }
0x7f: {  	_ =	shalt  }
0x80: {  	_ =	shalt  }
0x81: {  	_ =	shalt  }
0x82: {  	_ =	shalt  }
0x83: {  	_ =	shalt  }
0x84: {  	_ =	shalt  }
0x85: {  	_ =	shalt  }
0x86: {  	_ =	shalt  }
0x87: {  	_ =	shalt  }
.Lfunc_end0:
.L_simem_size_0:
called_computation.1_lowered:
.L_overlay_start_0:
0x88: {  	s2 =	sld [smem:$0x3FD9]  }
0x89: {  	s3 =	sld [smem:$0x3FFE];
	_ =	sdelay $0x1  }
0x8a: {  	s1 =	srdreg.scid  }
0x8b: {  	s0 =	sand.u32 $0x1, s1  }
0x8c: {  	s14 =	sshll.u32 s0, $0xA;
	s2 =	sadd.s32 s3, s2  }
0x8d: {  	s2 =	sadd.s32 s2, s14  }
0x8e: {  	[smem:$0x3FC3] =	sst s2  }
0x8f: {  	_ = 	snop  }
0x90: {  	s2 =	sld [smem:$0x3FD0]  }
0x91: {  	s15 =	sld [smem:$0x3FC8]  }
0x92: {  	s4 =	sld [smem:$0x3FC7]  }
0x93: {  	s6 =	simm.s32 $0xA;
	s7 =	simm.s32 $0x10;
	s5 =	sld [smem:$0x3FC6]  }
0x94: {  	[smem:s7], [sflag:s6] =	dma.local [hbm:s2], $0x1  }
0x95: {  	_ =	swait.eq [sflag:s6], $0x1  }
0x96: {  	[sflag:s6] =	ssyncset.done $0x0  }
0x97: {  	[sflag:s6] =	ssyncadd.s32 $0xFFFFFFFF  }
0x98: {  	s16 =	sld [smem:$0x11];
	(tm) =	ssettm $0x1  }
0x99: {  	s17 =	sld [smem:$0x3FFB];
	_ =	sdelay $0x3  }
0x9a: {  	_ =	strace s17  }
0x9b: {  	s6 =	sld [smem:$0x3FFC];
	_ =	sdelay $0x3  }
0x9c: {  	_ =	strace s6  }
0x9d: {  	s6 =	sld [smem:$0x3FFD];
	_ =	sdelay $0x3  }
0x9e: {  	_ =	strace s6  }
0x9f: {  	_ =	strace $0x8FFFFFFF  }
0xa0: {  	s18 =	sld [smem:$0x3FDB];
	_ =	sdelay $0x1  }
0xa1: {  	s19 =	simm.s32 $_scs_section_size  }
0xa2: {  	s8 =	simm.s32 $_size__tile_overlayer_lowered;
	s9 =	simm.s32 $_tile_overlayer_lowered  }
0xa3: {  	s22 =	simm.s32 $0x1BFF;
	s21 =	sshll.u32 s9, $0x1;
	s6 =	sadd.s32 s19, s18  }
0xa4: {  	s10 =	simm.s32 $0x0;
	s20 =	sshll.u32 s8, $0x1;
	s8 =	sadd.s32 s21, s6  }
0xa5: {  	[timem:s10], [sflag:s22] =	dma.local [hbm:s8], s20  }
0xa6: {  	_ =	swait.ge [sflag:s22], s20  }
0xa7: {  	s7 =	ssub.s32 $0x0, s20;
	[sflag:s22] =	ssyncset.done $0x0  }
0xa8: {  	[sflag:s22] =	ssyncadd.s32 s7;
	_ =	sdelay $0x1  }
0xa9: {  	s23 =	simm.s32 $0x1B8B  }
0xaa: {  	_ =	swait.ge [sflag:s23], $0x1  }
0xab: {  	[sflag:s23] =	ssyncset.done $0x0  }
0xac: {  	s25 =	simm.s32 $0x1B8E;
	s24 =	sld [smem:$0x3FFE];
	[sflag:s23] =	ssyncadd.s32 $0xFFFFFFFF  }
0xad: {  	s26 =	simm.s32 $execute0_lowered;
	[smem:$0x3FD2] =	sst s25  }
0xae: {  	s8 =	sshll.u32 s26, $0x1;
	_ =	strace $0x80000049;
	[dreg:$0x1] =	wrdreg $0xFFFFFFFF  }
0xaf: {  	s28 =	simm.s32 $_size_execute0_lowered;
	s6 =	sadd.s32 s6, s8;
	[dreg:$0x0] =	wrdreg $0x0  }
0xb0: {  	s8 =	sshll.u32 s28, $0x1;
	[dreg:$0x2] =	wrdreg s6  }
0xb1: {  	[dreg:$0x3] =	wrdreg s8  }
0xb2: {  	[dreg:$0x4] =	wrdreg $0xC0  }
0xb3: {  	_ =	task [dreg:s10], $0x5FFFF  }
0xb4: {  	[dreg:$0x1] =	wrdreg $0xFFFFFFFF  }
0xb5: {  	[dreg:$0x0] =	wrdreg $0x60  }
0xb6: {  	[dreg:$0x2] =	wrdreg s24  }
0xb7: {  	[dreg:$0x3] =	wrdreg s15  }
0xb8: {  	[dreg:$0x4] =	wrdreg s4  }
0xb9: {  	[dreg:$0x5] =	wrdreg s5  }
0xba: {  	[dreg:$0x6] =	wrdreg s16  }
0xbb: {  	[dreg:$0x7] =	wrdreg $0x7F800  }
0xbc: {  	[dreg:$0x8] =	wrdreg $0x9  }
0xbd: {  	_ =	task.clear_ibuf [dreg:s10], $0x9FFFF;
	_ =	strace $0x90000049  }
0xbe: {  	s29 =	simm.s32 $0x9;
	_ =	strace $0x8000004B  }
0xbf: {  	_ =	swait.ge [sflag:s29], $0x1  }
0xc0: {  	[sflag:s29] =	ssyncadd.s32 $0xFFFFFFFF  }
0xc1: {  	_ =	strace $0x9000004B  }
0xc2: {  	_ =	sfence  }
0xc3: {  	s30 =	sld [smem:$0x0];
	_ =	sdelay $0x2  }
0xc4: {  	s31 =	sshll.u32 s1, $0xD;
	s1 =	sshrl.u32 s1, $0x2  }
0xc5: {  	s3 =	sand.u32 $0x4000, s31;
	s1 =	sadd.s32 s1, s30  }
0xc6: {  	s0 =	sor.u32 s3, s0;
	s1 =	sshll.u32 s1, $0x11  }
0xc7: {  	s0 =	sor.u32 s1, s0  }
0xc8: {  	s0 =	sadd.s32 $0x8F2B, s0  }
0xc9: {  	[sflag:s0] =	ssyncadd.remote.s32 $0x1  }
0xca: {  	_ =	sfence.sel $0xFFFF  }
0xcb: {  	[dreg:$0x0] =	wrdreg $0xFFFFFFFF;
	(pc) =	sbr.abs _section_cstart, $3  }
0xcc: {  	[dreg:$0x1] =	wrdreg $0xFFFFFFFF  }
0xcd: {  	_ =	task.clear_ibuf [dreg:s10], $0x2FFFF;
	_ =	strace $0x9FFFFFFF  }
0xce: {  	(tm) =	ssettm $0x7FFFFFFF  }
0xcf: {  	_ =	shalt  }
tec
execute0_lowered:
.L_overlay_start_1:
0x0: {  	(tag) =	ssettag $0x1  }
0x1: {  	s0 =	rddreg [dreg:$0x0]  }
0x2: {  	s1 =	rddreg [dreg:$0x1]  }
0x3: {  	s2 =	rddreg [dreg:$0x2]  }
0x4: {  	s3 =	rddreg [dreg:$0x3]  }
0x5: {  	s4 =	rddreg [dreg:$0x4]  }
0x6: {  	s5 =	rddreg [dreg:$0x5];
	s6 =	simm.s32 $0x0;
	s7 =	srdreg.scid  }
0x7: {  	s13 =	stileid.u32;
	s30 =	simm.s32 $0x180;
	s28 =	simm.s32 $0x500  }
0x8: {  	s29 =	simm.s32 $0x6;
	s31 =	simm.s32 $0x9;
	s9 =	smul.u32 $0x49800, s13  }
0x9: {  	[smem:$0x7FF] =	sst s6;
	s8 =	sand.u32 $0x1, s7;
	s11 =	smul.u32 $0x9300, s13  }
0xa: {  	s7 =	sadd.s32 $0x1600, s0;
	s25 =	smul.u32 $0x1260, s13;
	p0 =	sne.s32 s13, $0xF  }
0xb: {  	s13 =	simm.s32 $0x1;
	_ =	strace $0x8000004A;
	s24 =	ssub.s32 $0x2, s8  }
0xc: {  	s10 =	sshrl.u32 s24, $0x1;
	s26 =	sshrl.u32 s11, $0x3;
	s23 =	sadd.s32 $0x180, s11  }
0xd: {  	s9 =	sshrl.u32 s9, $0x2;
	s15 =	sadd.s32 s1, s26;
	[dreg:$0x13] =	wrdreg s23  }
0xe: {  	s0 =	ssub.s32 s24, s10;
	s14 =	sadd.s32 s2, s26;
	[dreg:$0xa] =	wrdreg s15  }
0xf: {  	s10 =	smul.u32 $0x12600, s8;
	s18 =	sadd.s32 s3, s26;
	[dreg:$0xb] =	wrdreg s14  }
0x10: {  	s16 =	sadd.s32 s9, s5;
	s24 =	sadd.s32 $0x200, s11;
	[dreg:$0xc] =	wrdreg s18  }
0x11: {  	s17 =	sor.u32 $0x10, s26;
	s23 =	sadd.s32 $0x280, s11;
	[dreg:$0x15] =	wrdreg s24  }
0x12: {  	s11 =	simm.s32 $0x280;
	s9 =	sadd.s32 $0x4980, s16;
	[dreg:$0x7] =	wrdreg s16  }
0x13: {  	s12 =	sadd.s32 $0x9300, s16;
	s19 =	sadd.s32 s1, s17;
	[dreg:$0x8] =	wrdreg s9  }
0x14: {  	s20 =	sadd.s32 s2, s17;
	s0 =	smax.u32 s0, $0x1;
	[dreg:$0x9] =	wrdreg s12  }
0x15: {  	s15 =	simm.s32 $0x2;
	s18 =	simm.s32 $0x480;
	[dreg:$0xd] =	wrdreg s19  }
0x16: {  	s24 =	simm.s32 $0x1600;
	s14 =	simm.s32 $0x2E00;
	[dreg:$0xe] =	wrdreg s20  }
0x17: {  	s12 =	sadd.s32 s3, s17;
	s9 =	sadd.s32 $0x20, s26;
	s8 =	sadd.s32 s25, s10  }
0x18: {  	[dreg:$0x16] =	wrdreg s0;
	s25 =	sadd.s32 $0xDC80, s16;
	s26 =	sadd.s32 $0x126000, s5  }
0x19: {  	s20 =	simm.s32 $0xA;
	s0 =	simm.s32 $0x80;
	[dreg:$0xf] =	wrdreg s12  }
0x1a: {  	s17 =	simm.s32 $0x4;
	s19 =	simm.s32 $0x1E00;
	[dreg:$0x17] =	wrdreg s25  }
0x1b: {  	s21 =	sadd.s32 s1, s9;
	s22 =	sadd.s32 s2, s9;
	[dreg:$0x18] =	wrdreg s26  }
.Ltmp0:
0x1c: {  	s9 =	sadd.s32 s3, s9;
	[dreg:$0x10] =	wrdreg s21;
	(pc) =	sbr.rel .LBB2_1-.Ltmp0, $4  }
0x1d: {  	s8 =	sshll.u32 s8, $0x1;
	s25 =	simm.s32 $0x5;
	[dreg:$0x11] =	wrdreg s22  }
0x1e: {  	s26 =	simm.s32 $0x8;
	s12 =	simm.s32 $0x0;
	[dreg:$0x12] =	wrdreg s9  }
0x1f: {  	s4 =	sadd.s32 s4, s8;
	s21 =	simm.s32 $0x3;
	s8 =	simm.s32 $0x2600  }
0x20: {  	v1 =	vimm.f32 $0.0e+00;
	v0 =	vmov s10;
	s9 =	simm.s32 $0x580;
	[dreg:$0x14] =	wrdreg s4;
	s4 =	simm.s32 $0x200  }
.LBB2_20:
0x21: {  	s10 =	simm.s32 $0x7  }
0x22: {  	_ =	swait.ge [sflag:s10], $0x800  }
0x23: {  	[sflag:s10] =	ssyncset.done $0x0  }
0x24: {  	[sflag:s10] =	ssyncadd.s32 $0xFFFFF800  }
0x25: {  	_ =	swait.ge [sflag:s26], $0x800  }
0x26: {  	[sflag:s26] =	ssyncset.done $0x0  }
0x27: {  	[sflag:s26] =	ssyncadd.s32 $0xFFFFF800  }
0x28: {  	_ =	swait.ge [sflag:s31], $0x800  }
0x29: {  	[sflag:s31] =	ssyncset.done $0x0  }
0x2a: {  	[sflag:s31] =	ssyncadd.s32 $0xFFFFF800  }
0x2b: {  	s22 =	stileid.u32;
	[bflag:$0x0] =	sbarrier.arrive $0xFFFF  }
0x2c: {  	s10 =	sshll.u32 s22, $0x6;
	s16 =	rddreg [dreg:$0x7]  }
0x2d: {  	s10 =	sor.u32 $0x1C0A, s10;
	s20 =	rddreg [dreg:$0x14];
	s12 =	sshrl.u32 s16, $0x3  }
0x2e: {  	[hbm:s20], [sflag:s10] =	dma.local [spmem:s12], $0x24C0  }
0x2f: {  	s20 =	simm.s32 $0xA  }
0x30: {  	_ =	swait.ge [sflag:s20], $0x24C0  }
0x31: {  	s10 =	rddreg [dreg:$0x19]  }
0x32: {  	s22 =	rddreg [dreg:$0x16];
	s12 =	sadd.s32 $0x1, s10  }
0x33: {  	p1 =	sne.s32 s12, s22  }
.Ltmp1:
0x34: {  	_ = 	snop;
	(pc) =	sbr.rel @!p1 .LBB2_21-.Ltmp1, $3  }
0x35: {  	_ =	sdelay $0x1  }
0x36: {  	[sflag:s20] =	ssyncset.done $0x0  }
0x37: {  	[sflag:s20] =	ssyncadd.s32 $0xFFFFDB40  }
.LBB2_1:
0x38: {  	s10 =	simm.s32 $0x3640  }
0x39: {  	[tilespmem:s10+$0xFFFFFFC0] =	vst v1  }
0x3a: {  	[tilespmem:s10+$0x30] =	vst v1  }
0x3b: {  	[tilespmem:s10+$0x20] =	vst v1  }
0x3c: {  	[tilespmem:s10+$0x10] =	vst v1  }
0x3d: {  	[tilespmem:s10+$0x0] =	vst v1  }
0x3e: {  	[tilespmem:s10+$0xFFFFFFF0] =	vst v1  }
0x3f: {  	[dreg:$0x19] =	wrdreg s12;
	s12 =	simm.s32 $0x0;
	[tilespmem:s10+$0xFFFFFFE0] =	vst v1  }
.LBB2_2:
0x40: {  	s12 =	sadd.s32 $0x8, s12;
	[tilespmem:s10+$0xFFFFFFD0] =	vst v1;
	s10 =	sadd.s32 $0x80, s10  }
0x41: {  	[tilespmem:s10+$0xFFFFFFC0] =	vst v1;
	p1 =	slt.u32 s12, $0x490  }
0x42: {  	[tilespmem:s10+$0x30] =	vst v1  }
.Ltmp2:
0x43: {  	[tilespmem:s10+$0x20] =	vst v1;
	(pc) =	sbr.rel @p1 .LBB2_2-.Ltmp2, $4  }
0x44: {  	[tilespmem:s10+$0x10] =	vst v1  }
0x45: {  	[tilespmem:s10+$0x0] =	vst v1  }
0x46: {  	[tilespmem:s10+$0xFFFFFFF0] =	vst v1  }
0x47: {  	[tilespmem:s10+$0xFFFFFFE0] =	vst v1  }
0x48: {  	[tilespmem:s10+$0xFFFFFFD0] =	vst v1;
	s12 =	simm.s32 $0x3600  }
0x49: {  	[spmem:s16] =	stream.linear.scatter [tilespmem:s12], [sflag:$0xA], $0x4980, $0x38;
	[tilespmem:$0x1A588] =	vst v63  }
0x4a: {  	_ =	swait.ge [sflag:s20], $0x4980  }
0x4b: {  	[sflag:s20] =	ssyncset.done $0x0  }
0x4c: {  	s22 =	rddreg [dreg:$0x8];
	[sflag:s20] =	ssyncadd.s32 $0xFFFFB680  }
0x4d: {  	[spmem:s22] =	stream.linear.scatter [tilespmem:s12], [sflag:$0xA], $0x4980, $0x38;
	[tilespmem:$0x1A588] =	vst v63  }
0x4e: {  	_ =	swait.ge [sflag:s20], $0x4980  }
0x4f: {  	[sflag:s20] =	ssyncset.done $0x0  }
0x50: {  	s16 =	rddreg [dreg:$0x9];
	[sflag:s20] =	ssyncadd.s32 $0xFFFFB680  }
0x51: {  	[spmem:s16] =	stream.linear.scatter [tilespmem:s12], [sflag:$0xA], $0x4980, $0x38;
	[tilespmem:$0x1A588] =	vst v63  }
0x52: {  	_ =	swait.ge [sflag:s20], $0x4980  }
0x53: {  	[sflag:s20] =	ssyncset.done $0x0  }
0x54: {  	s22 =	rddreg [dreg:$0x17];
	[sflag:s20] =	ssyncadd.s32 $0xFFFFB680  }
0x55: {  	[spmem:s22] =	stream.linear.scatter [tilespmem:s12], [sflag:$0xA], $0x4980, $0x38;
	[tilespmem:$0x1A588] =	vst v63  }
0x56: {  	_ =	swait.ge [sflag:s20], $0x4980  }
0x57: {  	[sflag:s20] =	ssyncset.done $0x0  }
0x58: {  	s10 =	simm.s32 @!p0 $0x3600;
	s12 =	rddreg [dreg:$0x18];
	[sflag:s20] =	ssyncadd.s32 $0xFFFFB680  }
0x59: {  	[spmem:s12] =	stream.linear.scatter @!p0 [tilespmem:s10], [sflag:$0xA], $0x80, $0x38;
	[tilespmem:$0x1A588] =	vst v63  }
0x5a: {  	s10 =	simm.s32 @!p0 $0xA  }
0x5b: {  	_ =	swait.ge @!p0 [sflag:s10], $0x80  }
0x5c: {  	[sflag:s10] =	ssyncset.done @!p0 $0x0  }
0x5d: {  	[sflag:s10] =	ssyncadd.s32 @!p0 $0xFFFFFF80  }
0x5e: {  	[bflag:$0x0] =	sbarrier.arrive $0xFFFF  }
0x5f: {  	s20 =	simm.s32 $0x0;
	s16 =	rddreg [dreg:$0xa]  }
0x60: {  	[tilespmem:s20], [sflag:$0x1] =	stream.linear.gather [hbm4b:s16+s20], $0x80, $0x38;
	[tilespmem:$0x1A588] =	vst v63  }
0x61: {  	s22 =	rddreg [dreg:$0xb]  }
0x62: {  	[tilespmem:s30], [sflag:$0x1] =	stream.linear.gather [hbm4b:s22+s20], $0x80, $0x38;
	[tilespmem:$0x1A588] =	vst v63  }
0x63: {  	s12 =	rddreg [dreg:$0xc];
	s16 =	simm.s32 $0x300  }
0x64: {  	[tilespmem:s16], [sflag:$0x1] =	stream.linear.gather [hbm4b:s12+s20], $0x80, $0x38;
	[tilespmem:$0x1A588] =	vst v63  }
0x65: {  	s22 =	rddreg [dreg:$0xd]  }
0x66: {  	[tilespmem:s0], [sflag:$0x2] =	stream.linear.gather [hbm4b:s22+s20], $0x80, $0x38;
	[tilespmem:$0x1A588] =	vst v63  }
0x67: {  	s12 =	rddreg [dreg:$0xe]  }
0x68: {  	[tilespmem:s4], [sflag:$0x2] =	stream.linear.gather [hbm4b:s12+s20], $0x80, $0x38;
	[tilespmem:$0x1A588] =	vst v63  }
0x69: {  	s16 =	rddreg [dreg:$0xf];
	s22 =	simm.s32 $0x380  }
0x6a: {  	[tilespmem:s22], [sflag:$0x2] =	stream.linear.gather [hbm4b:s16+s20], $0x80, $0x38;
	[tilespmem:$0x1A588] =	vst v63  }
0x6b: {  	s16 =	rddreg [dreg:$0x10];
	s22 =	simm.s32 $0x100  }
0x6c: {  	[tilespmem:s22], [sflag:$0x3] =	stream.linear.gather [hbm4b:s16+s20], $0x80, $0x38;
	[tilespmem:$0x1A588] =	vst v63  }
0x6d: {  	s12 =	rddreg [dreg:$0x11]  }
0x6e: {  	[tilespmem:s11], [sflag:$0x3] =	stream.linear.gather [hbm4b:s12+s20], $0x80, $0x38;
	[tilespmem:$0x1A588] =	vst v63  }
0x6f: {  	s16 =	rddreg [dreg:$0x12];
	s22 =	simm.s32 $0x400  }
0x70: {  	[tilespmem:s22], [sflag:$0x3] =	stream.linear.gather [hbm4b:s16+s20], $0x80, $0x38;
	[tilespmem:$0x1A588] =	vst v63  }
0x71: {  	_ =	swait.ge [sflag:s13], $0x80  }
0x72: {  	[sflag:s13] =	ssyncset.done $0x0  }
0x73: {  	[sflag:s13] =	ssyncadd.s32 $0xFFFFFF80  }
0x74: {  	_ =	swait.ge [sflag:s13], $0x80  }
0x75: {  	[sflag:s13] =	ssyncset.done $0x0  }
0x76: {  	[sflag:s13] =	ssyncadd.s32 $0xFFFFFF80  }
0x77: {  	_ =	swait.ge [sflag:s13], $0x80  }
0x78: {  	[sflag:s13] =	ssyncset.done $0x0  }
0x79: {  	s16 =	simm.s32 $0x600;
	[sflag:s13] =	ssyncadd.s32 $0xFFFFFF80  }
0x7a: {  	[tilespmem:s16], [sflag:$0x4] =	stream.indirect.gather [hbm4b:s7+s0], $0x10, s30, s0, $0xb8;
	[tilespmem:$0x1A588] =	vst v63  }
0x7b: {  	_ =	swait.ge [sflag:s15], $0x80  }
0x7c: {  	[sflag:s15] =	ssyncset.done $0x0  }
0x7d: {  	[sflag:s15] =	ssyncadd.s32 $0xFFFFFF80  }
0x7e: {  	_ =	swait.ge [sflag:s15], $0x80  }
0x7f: {  	[sflag:s15] =	ssyncset.done $0x0  }
0x80: {  	[sflag:s15] =	ssyncadd.s32 $0xFFFFFF80  }
0x81: {  	_ =	swait.ge [sflag:s15], $0x80  }
0x82: {  	[sflag:s15] =	ssyncset.done $0x0  }
0x83: {  	s22 =	simm.s32 $0xE00;
	[sflag:s15] =	ssyncadd.s32 $0xFFFFFF80  }
0x84: {  	[tilespmem:s22], [sflag:$0x5] =	stream.indirect.gather [hbm4b:s7+s0], $0x10, s4, s0, $0xb8;
	[tilespmem:$0x1A588] =	vst v63  }
.LBB2_4:
0x85: {  	_ =	swait.ge [sflag:s17], $0x800  }
0x86: {  	p1 =	seq.s32 s20, $0x0;
	[sflag:s17] =	ssyncset.done $0x0  }
0x87: {  	s10 =	simm.s32 @!p1 $0x7;
	[sflag:s17] =	ssyncadd.s32 $0xFFFFF800  }
0x88: {  	_ =	swait.ge @!p1 [sflag:s10], $0x800  }
0x89: {  	[sflag:s10] =	ssyncset.done @!p1 $0x0  }
0x8a: {  	[sflag:s10] =	ssyncadd.s32 @!p1 $0xFFFFF800  }
0x8b: {  	v2 =	vld [tilespmem:$0x0]  }
0x8c: {  	v3 =	vld [tilespmem:$0x10]  }
0x8d: {  	v4 =	vld [tilespmem:$0x20]  }
0x8e: {  	v5 =	vld [tilespmem:$0x30]  }
0x8f: {  	v6 =	vld [tilespmem:$0x40]  }
0x90: {  	v7 =	vld [tilespmem:$0x50];
	v2 =	vsub.s32 v2, v0  }
0x91: {  	v8 =	vld [tilespmem:$0x60];
	v3 =	vsub.s32 v3, v0;
	v2 =	vmin.u32 v2, $0x12600  }
0x92: {  	[tilespmem:$0x480] =	vst v2;
	v2 =	vmin.u32 v3, $0x12600;
	v3 =	vsub.s32 v4, v0;
	v4 =	vld [tilespmem:$0x70]  }
0x93: {  	[tilespmem:$0x490] =	vst v2;
	v2 =	vmin.u32 v3, $0x12600;
	v3 =	vsub.s32 v5, v0  }
0x94: {  	[tilespmem:$0x4A0] =	vst v2;
	v2 =	vmin.u32 v3, $0x12600;
	v3 =	vsub.s32 v6, v0  }
0x95: {  	[tilespmem:$0x4B0] =	vst v2;
	v2 =	vmin.u32 v3, $0x12600;
	v3 =	vsub.s32 v7, v0  }
0x96: {  	[tilespmem:$0x4C0] =	vst v2;
	v2 =	vmin.u32 v3, $0x12600;
	v3 =	vsub.s32 v8, v0  }
0x97: {  	[tilespmem:$0x4D0] =	vst v2;
	v2 =	vmin.u32 v3, $0x12600;
	v3 =	vsub.s32 v4, v0  }
0x98: {  	[tilespmem:$0x4E0] =	vst v2;
	v2 =	vmin.u32 v3, $0x12600  }
0x99: {  	s22 =	simm.s32 $0x0;
	[tilespmem:$0x4F0] =	vst v2  }
0x9a: {  	s10 =	simm.s32 $0x300;
	v3 =	vld [tilespmem:s22+$0x600]  }
0x9b: {  	s12 =	simm.s32 $0x400;
	v2 =	vld [tilespmem:s10+$0x0]  }
.LBB2_5:
0x9c: {  	p2 =	sne.s32 s12, $0x1C00;
	v4 =	vld [tilespmem:s22+$0x610]  }
0x9d: {  	v5 =	vld [tilespmem:s22+$0x620]  }
0x9e: {  	v6 =	vld [tilespmem:s22+$0x630]  }
0x9f: {  	v7 =	vld [tilespmem:s22+$0x640]  }
0xa0: {  	v8 =	vbroadcast v2, $0x0;
	v9 =	vbroadcast v2, $0x1;
	v10 =	vld [tilespmem:s22+$0x650]  }
0xa1: {  	v11 =	vbroadcast v2, $0x2;
	v12 =	vbroadcast v2, $0x3;
	v13 =	vld [tilespmem:s22+$0x660]  }
0xa2: {  	v3 =	vmul.f32 v8, v3;
	v4 =	vmul.f32 v4, v9;
	v8 =	vld [tilespmem:s22+$0x670]  }
0xa3: {  	v5 =	vmul.f32 v5, v11;
	v6 =	vmul.f32 v6, v12;
	v9 =	vld [tilespmem:s22+$0x680]  }
0xa4: {  	v11 =	vbroadcast v2, $0x5;
	[tilespmem:s22+$0x1E00] =	vst v3;
	v3 =	vbroadcast v2, $0x4;
	v12 =	vld [tilespmem:s22+$0x690]  }
0xa5: {  	v14 =	vbroadcast v2, $0x7;
	[tilespmem:s22+$0x1E10] =	vst v4;
	v4 =	vbroadcast v2, $0x6;
	v15 =	vld [tilespmem:s22+$0x6A0]  }
0xa6: {  	[tilespmem:s22+$0x1E20] =	vst v5;
	v3 =	vmul.f32 v7, v3;
	v5 =	vmul.f32 v10, v11;
	v7 =	vld [tilespmem:s22+$0x6B0]  }
0xa7: {  	[tilespmem:s22+$0x1E30] =	vst v6;
	v4 =	vmul.f32 v13, v4;
	v6 =	vmul.f32 v8, v14;
	v8 =	vld [tilespmem:s22+$0x6C0]  }
0xa8: {  	v10 =	vbroadcast v2, $0x9;
	[tilespmem:s22+$0x1E40] =	vst v3;
	v3 =	vbroadcast v2, $0x8;
	v11 =	vld [tilespmem:s22+$0x6D0]  }
0xa9: {  	v13 =	vbroadcast v2, $0xB;
	[tilespmem:s22+$0x1E50] =	vst v5;
	v5 =	vbroadcast v2, $0xA;
	v14 =	vld [tilespmem:s22+$0x6E0]  }
0xaa: {  	[tilespmem:s22+$0x1E60] =	vst v4;
	v3 =	vmul.f32 v9, v3;
	v4 =	vmul.f32 v12, v10;
	v9 =	vld [tilespmem:s22+$0x6F0]  }
0xab: {  	[tilespmem:s22+$0x1E70] =	vst v6;
	v5 =	vmul.f32 v15, v5;
	v6 =	vmul.f32 v7, v13  }
0xac: {  	v7 =	vbroadcast v2, $0xD;
	[tilespmem:s22+$0x1E80] =	vst v3;
	v3 =	vbroadcast v2, $0xC  }
0xad: {  	[tilespmem:s22+$0x1E90] =	vst v4;
	v4 =	vbroadcast v2, $0xE;
	v2 =	vbroadcast v2, $0xF  }
0xae: {  	[tilespmem:s22+$0x1EA0] =	vst v5;
	v3 =	vmul.f32 v8, v3;
	v5 =	vmul.f32 v11, v7  }
0xaf: {  	[tilespmem:s22+$0x1EB0] =	vst v6;
	v4 =	vmul.f32 v14, v4;
	v2 =	vmul.f32 v9, v2  }
.Ltmp3:
0xb0: {  	[tilespmem:s22+$0x1EC0] =	vst v3;
	(pc) =	sbr.rel @p2 .LBB2_5-.Ltmp3, $4  }
0xb1: {  	[tilespmem:s22+$0x1ED0] =	vst v5  }
0xb2: {  	s16 =	sshra.s32 s12, $0x2;
	[tilespmem:s22+$0x1EE0] =	vst v4  }
0xb3: {  	s10 =	sadd.s32 $0x10, s10;
	v3 =	vld [tilespmem:s16+$0x600];
	[tilespmem:s22+$0x1EF0] =	vst v2;
	s22 =	smov.u32 s16  }
0xb4: {  	s12 =	sadd.s32 $0x400, s12;
	v2 =	vld [tilespmem:s10+$0x0]  }
0xb5: {  	_ =	sdelay $0x1  }
0xb6: {  	v4 =	vld [tilespmem:s22+$0x610]  }
0xb7: {  	v5 =	vld [tilespmem:s22+$0x620]  }
0xb8: {  	v6 =	vld [tilespmem:s22+$0x630];
	v8 =	vbroadcast v2, $0x0  }
0xb9: {  	v7 =	vld [tilespmem:s22+$0x640];
	v11 =	vbroadcast v2, $0x1  }
0xba: {  	v9 =	vld [tilespmem:s22+$0x650];
	v13 =	vbroadcast v2, $0x2;
	v3 =	vmul.f32 v8, v3  }
0xbb: {  	v10 =	vld [tilespmem:s22+$0x660];
	v46 =	vbroadcast v2, $0x3;
	v4 =	vmul.f32 v4, v11  }
0xbc: {  	v45 =	vld [tilespmem:s22+$0x670];
	v48 =	vbroadcast v2, $0x4;
	v5 =	vmul.f32 v5, v13;
	[tilespmem:s22+$0x1E00] =	vst v3  }
0xbd: {  	v51 =	vld [tilespmem:s22+$0x6C0];
	v50 =	vbroadcast v2, $0x5;
	v6 =	vmul.f32 v6, v46;
	[tilespmem:s22+$0x1E10] =	vst v4  }
0xbe: {  	v53 =	vld [tilespmem:s22+$0x6D0];
	v52 =	vbroadcast v2, $0x6;
	v7 =	vmul.f32 v7, v48;
	[tilespmem:s22+$0x1E20] =	vst v5  }
0xbf: {  	v54 =	vbroadcast v2, $0x7;
	v9 =	vmul.f32 v9, v50;
	v3 =	vld [tilespmem:s22+$0x690];
	[tilespmem:s22+$0x1E30] =	vst v6  }
0xc0: {  	v12 =	vld [tilespmem:s22+$0x680];
	v60 =	vbroadcast v2, $0xC;
	v10 =	vmul.f32 v10, v52;
	[tilespmem:s22+$0x1E40] =	vst v7  }
0xc1: {  	v47 =	vld [tilespmem:s22+$0x6A0];
	v61 =	vbroadcast v2, $0xD;
	v8 =	vmul.f32 v45, v54;
	[tilespmem:s22+$0x1E50] =	vst v9  }
0xc2: {  	v49 =	vld [tilespmem:s22+$0x6B0];
	v57 =	vbroadcast v2, $0x9;
	v62 =	vmul.f32 v51, v60;
	[tilespmem:s22+$0x1E60] =	vst v10  }
0xc3: {  	v56 =	vld [tilespmem:s22+$0x6E0];
	v55 =	vbroadcast v2, $0x8;
	v63 =	vmul.f32 v53, v61;
	[tilespmem:s22+$0x1E70] =	vst v8  }
0xc4: {  	v59 =	vld [tilespmem:s22+$0x6F0];
	v58 =	vbroadcast v2, $0xA;
	[tilespmem:s22+$0x1EC0] =	vst v62;
	v3 =	vmul.f32 v3, v57  }
0xc5: {  	v14 =	vbroadcast v2, $0xB;
	v9 =	vmul.f32 v12, v55;
	[tilespmem:s22+$0x1ED0] =	vst v63  }
0xc6: {  	v4 =	vmul.f32 v47, v58;
	[tilespmem:s22+$0x1E90] =	vst v3;
	v3 =	vbroadcast v2, $0xE  }
0xc7: {  	v5 =	vmul.f32 v49, v14;
	[tilespmem:s22+$0x1E80] =	vst v9;
	v2 =	vbroadcast v2, $0xF  }
0xc8: {  	[tilespmem:s22+$0x1EA0] =	vst v4;
	v3 =	vmul.f32 v56, v3  }
0xc9: {  	[tilespmem:s22+$0x1EB0] =	vst v5;
	v2 =	vmul.f32 v59, v2  }
0xca: {  	[tilespmem:s22+$0x1EE0] =	vst v3  }
0xcb: {  	[tilespmem:s22+$0x1EF0] =	vst v2  }
0xcc: {  	[spmem:s5] =	stream.indirect.scatter.add.f32 [tilespmem:s19], [sflag:$0x7], $0x10, s18, s0, $0xb8;
	[tilespmem:$0x1A588] =	vst v63  }
0xcd: {  	_ =	swait.ge [sflag:s21], $0x80  }
0xce: {  	[sflag:s21] =	ssyncset.done $0x0  }
0xcf: {  	[sflag:s21] =	ssyncadd.s32 $0xFFFFFF80  }
0xd0: {  	_ =	swait.ge [sflag:s21], $0x80  }
0xd1: {  	p2 =	sne.s32 s20, $0x61;
	[sflag:s21] =	ssyncset.done $0x0  }
.Ltmp4:
0xd2: {  	[sflag:s21] =	ssyncadd.s32 $0xFFFFFF80;
	(pc) =	sbr.rel @p2 .LBB2_8-.Ltmp4, $4  }
0xd3: {  	_ =	swait.ge [sflag:s21], $0x80  }
0xd4: {  	[sflag:s21] =	ssyncset.done $0x0  }
0xd5: {  	[sflag:s21] =	ssyncadd.s32 $0xFFFFFF80  }
0xd6: {  	[tilespmem:s24], [sflag:$0x6] =	stream.indirect.gather [hbm4b:s7+s0], $0x10, s11, s0, $0xb8;
	[tilespmem:$0x1A588] =	vst v63  }
.Ltmp5:
0xd7: {  	(pc) =	sbr.rel .LBB2_9-.Ltmp5, $4  }
0xd8: {  	_ = 	snop  }
0xd9: {  	_ =	swait.ge [sflag:s25], $0x800  }
0xda: {  	[sflag:s25] =	ssyncset.done $0x0  }
0xdb: {  	[sflag:s25] =	ssyncadd.s32 $0xFFFFF800  }
.LBB2_8:
0xdc: {  	s10 =	smul.u32 $0x180, s20  }
0xdd: {  	s12 =	rddreg [dreg:$0x13]  }
0xde: {  	s10 =	sadd.s32 s10, s12  }
0xdf: {  	s10 =	sshrl.u32 s10, $0x3  }
0xe0: {  	s22 =	sadd.s32 s1, s10  }
0xe1: {  	[tilespmem:s6], [sflag:$0x1] =	stream.linear.gather [hbm4b:s22+s6], $0x80, $0x38;
	[tilespmem:$0x1A588] =	vst v63  }
0xe2: {  	s16 =	sadd.s32 s2, s10  }
0xe3: {  	[tilespmem:s30], [sflag:$0x1] =	stream.linear.gather [hbm4b:s16+s6], $0x80, $0x38;
	[tilespmem:$0x1A588] =	vst v63  }
.Ltmp6:
0xe4: {  	s10 =	sadd.s32 s3, s10;
	s22 =	simm.s32 $0x300;
	(pc) =	sbr.rel @p1 .LBB2_10-.Ltmp6, $4  }
0xe5: {  	[tilespmem:s22], [sflag:$0x1] =	stream.linear.gather [hbm4b:s10+s6], $0x80, $0x38;
	[tilespmem:$0x1A588] =	vst v63  }
0xe6: {  	_ =	swait.ge [sflag:s25], $0x800  }
0xe7: {  	[sflag:s25] =	ssyncset.done $0x0  }
0xe8: {  	[sflag:s25] =	ssyncadd.s32 $0xFFFFF800  }
.LBB2_9:
0xe9: {  	_ =	swait.ge [sflag:s26], $0x800  }
0xea: {  	[sflag:s26] =	ssyncset.done $0x0  }
0xeb: {  	[sflag:s26] =	ssyncadd.s32 $0xFFFFF800  }
.LBB2_10:
0xec: {  	v2 =	vld [tilespmem:$0x80]  }
0xed: {  	v3 =	vld [tilespmem:$0x90]  }
0xee: {  	v4 =	vld [tilespmem:$0xA0]  }
0xef: {  	v5 =	vld [tilespmem:$0xB0]  }
0xf0: {  	v6 =	vld [tilespmem:$0xC0]  }
0xf1: {  	v7 =	vld [tilespmem:$0xD0];
	v2 =	vsub.s32 v2, v0  }
0xf2: {  	v8 =	vld [tilespmem:$0xE0];
	v3 =	vsub.s32 v3, v0;
	v2 =	vmin.u32 v2, $0x12600  }
0xf3: {  	[tilespmem:$0x500] =	vst v2;
	v2 =	vmin.u32 v3, $0x12600;
	v3 =	vsub.s32 v4, v0;
	v4 =	vld [tilespmem:$0xF0]  }
0xf4: {  	[tilespmem:$0x510] =	vst v2;
	v2 =	vmin.u32 v3, $0x12600;
	v3 =	vsub.s32 v5, v0  }
0xf5: {  	[tilespmem:$0x520] =	vst v2;
	v2 =	vmin.u32 v3, $0x12600;
	v3 =	vsub.s32 v6, v0  }
0xf6: {  	[tilespmem:$0x530] =	vst v2;
	v2 =	vmin.u32 v3, $0x12600;
	v3 =	vsub.s32 v7, v0  }
0xf7: {  	[tilespmem:$0x540] =	vst v2;
	v2 =	vmin.u32 v3, $0x12600;
	v3 =	vsub.s32 v8, v0  }
0xf8: {  	[tilespmem:$0x550] =	vst v2;
	v2 =	vmin.u32 v3, $0x12600;
	v3 =	vsub.s32 v4, v0  }
0xf9: {  	[tilespmem:$0x560] =	vst v2;
	v2 =	vmin.u32 v3, $0x12600  }
0xfa: {  	s22 =	simm.s32 $0x0;
	[tilespmem:$0x570] =	vst v2  }
0xfb: {  	s10 =	simm.s32 $0x380;
	v3 =	vld [tilespmem:s22+$0xE00]  }
0xfc: {  	s12 =	simm.s32 $0x400;
	v2 =	vld [tilespmem:s10+$0x0]  }
.LBB2_11:
0xfd: {  	p3 =	sne.s32 s12, $0x1C00;
	v4 =	vld [tilespmem:s22+$0xE10]  }
0xfe: {  	v5 =	vld [tilespmem:s22+$0xE20]  }
0xff: {  	v6 =	vld [tilespmem:s22+$0xE30]  }
0x100: {  	v7 =	vld [tilespmem:s22+$0xE40]  }
0x101: {  	v8 =	vbroadcast v2, $0x0;
	v9 =	vbroadcast v2, $0x1;
	v10 =	vld [tilespmem:s22+$0xE50]  }
0x102: {  	v11 =	vbroadcast v2, $0x2;
	v12 =	vbroadcast v2, $0x3;
	v13 =	vld [tilespmem:s22+$0xE60]  }
0x103: {  	v3 =	vmul.f32 v8, v3;
	v4 =	vmul.f32 v4, v9;
	v8 =	vld [tilespmem:s22+$0xE70]  }
0x104: {  	v5 =	vmul.f32 v5, v11;
	v6 =	vmul.f32 v6, v12;
	v9 =	vld [tilespmem:s22+$0xE80]  }
0x105: {  	v11 =	vbroadcast v2, $0x5;
	[tilespmem:s22+$0x2600] =	vst v3;
	v3 =	vbroadcast v2, $0x4;
	v12 =	vld [tilespmem:s22+$0xE90]  }
0x106: {  	v14 =	vbroadcast v2, $0x7;
	[tilespmem:s22+$0x2610] =	vst v4;
	v4 =	vbroadcast v2, $0x6;
	v15 =	vld [tilespmem:s22+$0xEA0]  }
0x107: {  	[tilespmem:s22+$0x2620] =	vst v5;
	v3 =	vmul.f32 v7, v3;
	v5 =	vmul.f32 v10, v11;
	v7 =	vld [tilespmem:s22+$0xEB0]  }
0x108: {  	[tilespmem:s22+$0x2630] =	vst v6;
	v4 =	vmul.f32 v13, v4;
	v6 =	vmul.f32 v8, v14;
	v8 =	vld [tilespmem:s22+$0xEC0]  }
0x109: {  	v10 =	vbroadcast v2, $0x9;
	[tilespmem:s22+$0x2640] =	vst v3;
	v3 =	vbroadcast v2, $0x8;
	v11 =	vld [tilespmem:s22+$0xED0]  }
0x10a: {  	v13 =	vbroadcast v2, $0xB;
	[tilespmem:s22+$0x2650] =	vst v5;
	v5 =	vbroadcast v2, $0xA;
	v14 =	vld [tilespmem:s22+$0xEE0]  }
0x10b: {  	[tilespmem:s22+$0x2660] =	vst v4;
	v3 =	vmul.f32 v9, v3;
	v4 =	vmul.f32 v12, v10;
	v9 =	vld [tilespmem:s22+$0xEF0]  }
0x10c: {  	[tilespmem:s22+$0x2670] =	vst v6;
	v5 =	vmul.f32 v15, v5;
	v6 =	vmul.f32 v7, v13  }
0x10d: {  	v7 =	vbroadcast v2, $0xD;
	[tilespmem:s22+$0x2680] =	vst v3;
	v3 =	vbroadcast v2, $0xC  }
0x10e: {  	[tilespmem:s22+$0x2690] =	vst v4;
	v4 =	vbroadcast v2, $0xE;
	v2 =	vbroadcast v2, $0xF  }
0x10f: {  	[tilespmem:s22+$0x26A0] =	vst v5;
	v3 =	vmul.f32 v8, v3;
	v5 =	vmul.f32 v11, v7  }
0x110: {  	[tilespmem:s22+$0x26B0] =	vst v6;
	v4 =	vmul.f32 v14, v4;
	v2 =	vmul.f32 v9, v2  }
.Ltmp7:
0x111: {  	[tilespmem:s22+$0x26C0] =	vst v3;
	(pc) =	sbr.rel @p3 .LBB2_11-.Ltmp7, $4  }
0x112: {  	[tilespmem:s22+$0x26D0] =	vst v5  }
0x113: {  	s16 =	sshra.s32 s12, $0x2;
	[tilespmem:s22+$0x26E0] =	vst v4  }
0x114: {  	s10 =	sadd.s32 $0x10, s10;
	v3 =	vld [tilespmem:s16+$0xE00];
	[tilespmem:s22+$0x26F0] =	vst v2;
	s22 =	smov.u32 s16  }
0x115: {  	s12 =	sadd.s32 $0x400, s12;
	v2 =	vld [tilespmem:s10+$0x0]  }
0x116: {  	_ =	sdelay $0x1  }
0x117: {  	v4 =	vld [tilespmem:s22+$0xE10]  }
0x118: {  	v5 =	vld [tilespmem:s22+$0xE20]  }
0x119: {  	v6 =	vld [tilespmem:s22+$0xE30];
	v8 =	vbroadcast v2, $0x0  }
0x11a: {  	v7 =	vld [tilespmem:s22+$0xE40];
	v11 =	vbroadcast v2, $0x1  }
0x11b: {  	v9 =	vld [tilespmem:s22+$0xE50];
	v13 =	vbroadcast v2, $0x2;
	v3 =	vmul.f32 v8, v3  }
0x11c: {  	v10 =	vld [tilespmem:s22+$0xE60];
	v46 =	vbroadcast v2, $0x3;
	v4 =	vmul.f32 v4, v11  }
0x11d: {  	v45 =	vld [tilespmem:s22+$0xE70];
	v48 =	vbroadcast v2, $0x4;
	v5 =	vmul.f32 v5, v13;
	[tilespmem:s22+$0x2600] =	vst v3  }
0x11e: {  	v51 =	vld [tilespmem:s22+$0xEC0];
	v50 =	vbroadcast v2, $0x5;
	v6 =	vmul.f32 v6, v46;
	[tilespmem:s22+$0x2610] =	vst v4  }
0x11f: {  	v53 =	vld [tilespmem:s22+$0xED0];
	v52 =	vbroadcast v2, $0x6;
	v7 =	vmul.f32 v7, v48;
	[tilespmem:s22+$0x2620] =	vst v5  }
0x120: {  	v54 =	vbroadcast v2, $0x7;
	v9 =	vmul.f32 v9, v50;
	v3 =	vld [tilespmem:s22+$0xE90];
	[tilespmem:s22+$0x2630] =	vst v6  }
0x121: {  	v12 =	vld [tilespmem:s22+$0xE80];
	v60 =	vbroadcast v2, $0xC;
	v10 =	vmul.f32 v10, v52;
	[tilespmem:s22+$0x2640] =	vst v7  }
0x122: {  	v47 =	vld [tilespmem:s22+$0xEA0];
	v61 =	vbroadcast v2, $0xD;
	v8 =	vmul.f32 v45, v54;
	[tilespmem:s22+$0x2650] =	vst v9  }
0x123: {  	v49 =	vld [tilespmem:s22+$0xEB0];
	v57 =	vbroadcast v2, $0x9;
	v62 =	vmul.f32 v51, v60;
	[tilespmem:s22+$0x2660] =	vst v10  }
0x124: {  	v56 =	vld [tilespmem:s22+$0xEE0];
	v55 =	vbroadcast v2, $0x8;
	v63 =	vmul.f32 v53, v61;
	[tilespmem:s22+$0x2670] =	vst v8  }
0x125: {  	v59 =	vld [tilespmem:s22+$0xEF0];
	v58 =	vbroadcast v2, $0xA;
	[tilespmem:s22+$0x26C0] =	vst v62;
	v3 =	vmul.f32 v3, v57  }
0x126: {  	v14 =	vbroadcast v2, $0xB;
	v9 =	vmul.f32 v12, v55;
	[tilespmem:s22+$0x26D0] =	vst v63  }
0x127: {  	v4 =	vmul.f32 v47, v58;
	[tilespmem:s22+$0x2690] =	vst v3;
	v3 =	vbroadcast v2, $0xE  }
0x128: {  	v5 =	vmul.f32 v49, v14;
	[tilespmem:s22+$0x2680] =	vst v9;
	v2 =	vbroadcast v2, $0xF  }
.Ltmp8:
0x129: {  	[tilespmem:s22+$0x26A0] =	vst v4;
	v3 =	vmul.f32 v56, v3;
	(pc) =	sbr.rel @p2 .LBB2_14-.Ltmp8, $4  }
0x12a: {  	[tilespmem:s22+$0x26B0] =	vst v5;
	v2 =	vmul.f32 v59, v2  }
0x12b: {  	[tilespmem:s22+$0x26E0] =	vst v3  }
0x12c: {  	[tilespmem:s22+$0x26F0] =	vst v2  }
0x12d: {  	[spmem:s5] =	stream.indirect.scatter.add.f32 [tilespmem:s8], [sflag:$0x8], $0x10, s28, s0, $0xb8;
	[tilespmem:$0x1A588] =	vst v63  }
.Ltmp9:
0x12e: {  	(pc) =	sbr.rel .LBB2_15-.Ltmp9, $4  }
0x12f: {  	_ = 	snop  }
0x130: {  	_ =	swait.ge [sflag:s29], $0x800  }
0x131: {  	[sflag:s29] =	ssyncset.done $0x0  }
0x132: {  	[sflag:s29] =	ssyncadd.s32 $0xFFFFF800  }
.LBB2_14:
0x133: {  	_ =	swait.ge [sflag:s13], $0x80  }
0x134: {  	[sflag:s13] =	ssyncset.done $0x0  }
0x135: {  	[sflag:s13] =	ssyncadd.s32 $0xFFFFFF80  }
0x136: {  	_ =	swait.ge [sflag:s13], $0x80  }
0x137: {  	[sflag:s13] =	ssyncset.done $0x0  }
0x138: {  	[sflag:s13] =	ssyncadd.s32 $0xFFFFFF80  }
0x139: {  	s10 =	smul.u32 $0x180, s20;
	_ =	swait.ge [sflag:s13], $0x80  }
0x13a: {  	[sflag:s13] =	ssyncset.done $0x0;
	s16 =	rddreg [dreg:$0x15]  }
0x13b: {  	s12 =	simm.s32 $0x600;
	[sflag:s13] =	ssyncadd.s32 $0xFFFFFF80;
	s10 =	sadd.s32 s10, s16  }
0x13c: {  	[tilespmem:s12], [sflag:$0x4] =	stream.indirect.gather [hbm4b:s7+s0], $0x10, s30, s0, $0xb8;
	[tilespmem:$0x1A588] =	vst v63  }
0x13d: {  	s10 =	sshrl.u32 s10, $0x3  }
0x13e: {  	s22 =	sadd.s32 s1, s10  }
0x13f: {  	[tilespmem:s0], [sflag:$0x2] =	stream.linear.gather [hbm4b:s22+s6], $0x80, $0x38;
	[tilespmem:$0x1A588] =	vst v63  }
0x140: {  	s16 =	sadd.s32 s2, s10  }
0x141: {  	[tilespmem:s4], [sflag:$0x2] =	stream.linear.gather [hbm4b:s16+s6], $0x80, $0x38;
	[tilespmem:$0x1A588] =	vst v63  }
.Ltmp10:
0x142: {  	s10 =	sadd.s32 s3, s10;
	s22 =	simm.s32 $0x380;
	(pc) =	sbr.rel @p1 .LBB2_16-.Ltmp10, $4  }
0x143: {  	[tilespmem:s22], [sflag:$0x2] =	stream.linear.gather [hbm4b:s10+s6], $0x80, $0x38;
	[tilespmem:$0x1A588] =	vst v63  }
0x144: {  	_ =	swait.ge [sflag:s29], $0x800  }
0x145: {  	[sflag:s29] =	ssyncset.done $0x0  }
0x146: {  	[sflag:s29] =	ssyncadd.s32 $0xFFFFF800  }
.LBB2_15:
0x147: {  	_ =	swait.ge [sflag:s31], $0x800  }
0x148: {  	[sflag:s31] =	ssyncset.done $0x0  }
0x149: {  	[sflag:s31] =	ssyncadd.s32 $0xFFFFF800  }
.LBB2_16:
0x14a: {  	v2 =	vld [tilespmem:$0x100]  }
0x14b: {  	v3 =	vld [tilespmem:$0x110]  }
0x14c: {  	v4 =	vld [tilespmem:$0x120]  }
0x14d: {  	v5 =	vld [tilespmem:$0x130]  }
0x14e: {  	v6 =	vld [tilespmem:$0x140]  }
0x14f: {  	v7 =	vld [tilespmem:$0x150];
	v2 =	vsub.s32 v2, v0  }
0x150: {  	v8 =	vld [tilespmem:$0x160];
	v3 =	vsub.s32 v3, v0;
	v2 =	vmin.u32 v2, $0x12600  }
0x151: {  	[tilespmem:$0x580] =	vst v2;
	v2 =	vmin.u32 v3, $0x12600;
	v3 =	vsub.s32 v4, v0;
	v4 =	vld [tilespmem:$0x170]  }
0x152: {  	[tilespmem:$0x590] =	vst v2;
	v2 =	vmin.u32 v3, $0x12600;
	v3 =	vsub.s32 v5, v0  }
0x153: {  	[tilespmem:$0x5A0] =	vst v2;
	v2 =	vmin.u32 v3, $0x12600;
	v3 =	vsub.s32 v6, v0  }
0x154: {  	[tilespmem:$0x5B0] =	vst v2;
	v2 =	vmin.u32 v3, $0x12600;
	v3 =	vsub.s32 v7, v0  }
0x155: {  	[tilespmem:$0x5C0] =	vst v2;
	v2 =	vmin.u32 v3, $0x12600;
	v3 =	vsub.s32 v8, v0  }
0x156: {  	[tilespmem:$0x5D0] =	vst v2;
	v2 =	vmin.u32 v3, $0x12600;
	v3 =	vsub.s32 v4, v0  }
0x157: {  	[tilespmem:$0x5E0] =	vst v2;
	v2 =	vmin.u32 v3, $0x12600  }
0x158: {  	s22 =	simm.s32 $0x0;
	[tilespmem:$0x5F0] =	vst v2  }
0x159: {  	s10 =	simm.s32 $0x400;
	v3 =	vld [tilespmem:s22+$0x1600]  }
0x15a: {  	s12 =	simm.s32 $0x400;
	v2 =	vld [tilespmem:s10+$0x0]  }
.LBB2_17:
0x15b: {  	p1 =	sne.s32 s12, $0x1C00;
	v4 =	vld [tilespmem:s22+$0x1610]  }
0x15c: {  	v5 =	vld [tilespmem:s22+$0x1620]  }
0x15d: {  	v6 =	vld [tilespmem:s22+$0x1630]  }
0x15e: {  	v7 =	vld [tilespmem:s22+$0x1640]  }
0x15f: {  	v8 =	vbroadcast v2, $0x0;
	v9 =	vbroadcast v2, $0x1;
	v10 =	vld [tilespmem:s22+$0x1650]  }
0x160: {  	v11 =	vbroadcast v2, $0x2;
	v12 =	vbroadcast v2, $0x3;
	v13 =	vld [tilespmem:s22+$0x1660]  }
0x161: {  	v3 =	vmul.f32 v8, v3;
	v4 =	vmul.f32 v4, v9;
	v8 =	vld [tilespmem:s22+$0x1670]  }
0x162: {  	v5 =	vmul.f32 v5, v11;
	v6 =	vmul.f32 v6, v12;
	v9 =	vld [tilespmem:s22+$0x1680]  }
0x163: {  	v11 =	vbroadcast v2, $0x5;
	[tilespmem:s22+$0x2E00] =	vst v3;
	v3 =	vbroadcast v2, $0x4;
	v12 =	vld [tilespmem:s22+$0x1690]  }
0x164: {  	v14 =	vbroadcast v2, $0x7;
	[tilespmem:s22+$0x2E10] =	vst v4;
	v4 =	vbroadcast v2, $0x6;
	v15 =	vld [tilespmem:s22+$0x16A0]  }
0x165: {  	[tilespmem:s22+$0x2E20] =	vst v5;
	v3 =	vmul.f32 v7, v3;
	v5 =	vmul.f32 v10, v11;
	v7 =	vld [tilespmem:s22+$0x16B0]  }
0x166: {  	[tilespmem:s22+$0x2E30] =	vst v6;
	v4 =	vmul.f32 v13, v4;
	v6 =	vmul.f32 v8, v14;
	v8 =	vld [tilespmem:s22+$0x16C0]  }
0x167: {  	v10 =	vbroadcast v2, $0x9;
	[tilespmem:s22+$0x2E40] =	vst v3;
	v3 =	vbroadcast v2, $0x8;
	v11 =	vld [tilespmem:s22+$0x16D0]  }
0x168: {  	v13 =	vbroadcast v2, $0xB;
	[tilespmem:s22+$0x2E50] =	vst v5;
	v5 =	vbroadcast v2, $0xA;
	v14 =	vld [tilespmem:s22+$0x16E0]  }
0x169: {  	[tilespmem:s22+$0x2E60] =	vst v4;
	v3 =	vmul.f32 v9, v3;
	v4 =	vmul.f32 v12, v10;
	v9 =	vld [tilespmem:s22+$0x16F0]  }
0x16a: {  	[tilespmem:s22+$0x2E70] =	vst v6;
	v5 =	vmul.f32 v15, v5;
	v6 =	vmul.f32 v7, v13  }
0x16b: {  	v7 =	vbroadcast v2, $0xD;
	[tilespmem:s22+$0x2E80] =	vst v3;
	v3 =	vbroadcast v2, $0xC  }
0x16c: {  	[tilespmem:s22+$0x2E90] =	vst v4;
	v4 =	vbroadcast v2, $0xE;
	v2 =	vbroadcast v2, $0xF  }
0x16d: {  	[tilespmem:s22+$0x2EA0] =	vst v5;
	v3 =	vmul.f32 v8, v3;
	v5 =	vmul.f32 v11, v7  }
0x16e: {  	[tilespmem:s22+$0x2EB0] =	vst v6;
	v4 =	vmul.f32 v14, v4;
	v2 =	vmul.f32 v9, v2  }
.Ltmp11:
0x16f: {  	[tilespmem:s22+$0x2EC0] =	vst v3;
	(pc) =	sbr.rel @p1 .LBB2_17-.Ltmp11, $4  }
0x170: {  	[tilespmem:s22+$0x2ED0] =	vst v5  }
0x171: {  	s16 =	sshra.s32 s12, $0x2;
	[tilespmem:s22+$0x2EE0] =	vst v4  }
0x172: {  	s10 =	sadd.s32 $0x10, s10;
	v3 =	vld [tilespmem:s16+$0x1600];
	[tilespmem:s22+$0x2EF0] =	vst v2;
	s22 =	smov.u32 s16  }
0x173: {  	s12 =	sadd.s32 $0x400, s12;
	v2 =	vld [tilespmem:s10+$0x0]  }
0x174: {  	_ =	sdelay $0x1  }
0x175: {  	v4 =	vld [tilespmem:s22+$0x1610]  }
0x176: {  	v5 =	vld [tilespmem:s22+$0x1620]  }
0x177: {  	v6 =	vld [tilespmem:s22+$0x1630];
	v8 =	vbroadcast v2, $0x0  }
0x178: {  	v7 =	vld [tilespmem:s22+$0x1640];
	v11 =	vbroadcast v2, $0x1  }
0x179: {  	v9 =	vld [tilespmem:s22+$0x1650];
	v13 =	vbroadcast v2, $0x2;
	v3 =	vmul.f32 v8, v3  }
0x17a: {  	v10 =	vld [tilespmem:s22+$0x1660];
	v46 =	vbroadcast v2, $0x3;
	v4 =	vmul.f32 v4, v11  }
0x17b: {  	v45 =	vld [tilespmem:s22+$0x1670];
	v48 =	vbroadcast v2, $0x4;
	v5 =	vmul.f32 v5, v13;
	[tilespmem:s22+$0x2E00] =	vst v3  }
0x17c: {  	v51 =	vld [tilespmem:s22+$0x16C0];
	v50 =	vbroadcast v2, $0x5;
	v6 =	vmul.f32 v6, v46;
	[tilespmem:s22+$0x2E10] =	vst v4  }
0x17d: {  	v53 =	vld [tilespmem:s22+$0x16D0];
	v52 =	vbroadcast v2, $0x6;
	v7 =	vmul.f32 v7, v48;
	[tilespmem:s22+$0x2E20] =	vst v5  }
0x17e: {  	v54 =	vbroadcast v2, $0x7;
	v9 =	vmul.f32 v9, v50;
	v3 =	vld [tilespmem:s22+$0x1690];
	[tilespmem:s22+$0x2E30] =	vst v6  }
0x17f: {  	v12 =	vld [tilespmem:s22+$0x1680];
	v60 =	vbroadcast v2, $0xC;
	v10 =	vmul.f32 v10, v52;
	[tilespmem:s22+$0x2E40] =	vst v7  }
0x180: {  	v47 =	vld [tilespmem:s22+$0x16A0];
	v61 =	vbroadcast v2, $0xD;
	v8 =	vmul.f32 v45, v54;
	[tilespmem:s22+$0x2E50] =	vst v9  }
0x181: {  	v49 =	vld [tilespmem:s22+$0x16B0];
	v57 =	vbroadcast v2, $0x9;
	v62 =	vmul.f32 v51, v60;
	[tilespmem:s22+$0x2E60] =	vst v10  }
0x182: {  	v56 =	vld [tilespmem:s22+$0x16E0];
	v55 =	vbroadcast v2, $0x8;
	v63 =	vmul.f32 v53, v61;
	[tilespmem:s22+$0x2E70] =	vst v8  }
0x183: {  	v59 =	vld [tilespmem:s22+$0x16F0];
	v58 =	vbroadcast v2, $0xA;
	[tilespmem:s22+$0x2EC0] =	vst v62;
	v3 =	vmul.f32 v3, v57  }
0x184: {  	v14 =	vbroadcast v2, $0xB;
	v9 =	vmul.f32 v12, v55;
	[tilespmem:s22+$0x2ED0] =	vst v63  }
0x185: {  	v4 =	vmul.f32 v47, v58;
	[tilespmem:s22+$0x2E90] =	vst v3;
	v3 =	vbroadcast v2, $0xE  }
0x186: {  	p1 =	seq.s32 s20, $0x61;
	v5 =	vmul.f32 v49, v14;
	[tilespmem:s22+$0x2E80] =	vst v9;
	v2 =	vbroadcast v2, $0xF  }
.Ltmp12:
0x187: {  	[tilespmem:s22+$0x2EA0] =	vst v4;
	v3 =	vmul.f32 v56, v3;
	(pc) =	sbr.rel @p1 .LBB2_20-.Ltmp12, $4  }
0x188: {  	[tilespmem:s22+$0x2EB0] =	vst v5;
	v2 =	vmul.f32 v59, v2  }
0x189: {  	[tilespmem:s22+$0x2EE0] =	vst v3  }
0x18a: {  	[tilespmem:s22+$0x2EF0] =	vst v2  }
0x18b: {  	[spmem:s5] =	stream.indirect.scatter.add.f32 [tilespmem:s14], [sflag:$0x9], $0x10, s9, s0, $0xb8;
	[tilespmem:$0x1A588] =	vst v63  }
0x18c: {  	_ =	swait.ge [sflag:s15], $0x80  }
0x18d: {  	[sflag:s15] =	ssyncset.done $0x0  }
0x18e: {  	[sflag:s15] =	ssyncadd.s32 $0xFFFFFF80  }
0x18f: {  	_ =	swait.ge [sflag:s15], $0x80  }
0x190: {  	[sflag:s15] =	ssyncset.done $0x0  }
0x191: {  	s10 =	smul.u32 $0x180, s20;
	[sflag:s15] =	ssyncadd.s32 $0xFFFFFF80  }
0x192: {  	_ =	swait.ge [sflag:s15], $0x80  }
0x193: {  	s10 =	sadd.s32 s10, s23;
	[sflag:s15] =	ssyncset.done $0x0  }
0x194: {  	s12 =	simm.s32 $0xE00;
	s10 =	sshrl.u32 s10, $0x3;
	[sflag:s15] =	ssyncadd.s32 $0xFFFFFF80  }
0x195: {  	[tilespmem:s12], [sflag:$0x5] =	stream.indirect.gather [hbm4b:s7+s0], $0x10, s4, s0, $0xb8;
	[tilespmem:$0x1A588] =	vst v63  }
0x196: {  	s16 =	simm.s32 $0x100;
	s22 =	sadd.s32 s1, s10  }
0x197: {  	[tilespmem:s16], [sflag:$0x3] =	stream.linear.gather [hbm4b:s22+s6], $0x80, $0x38;
	[tilespmem:$0x1A588] =	vst v63  }
.Ltmp13:
0x198: {  	_ = 	snop;
	(pc) =	sbr.rel .LBB2_4-.Ltmp13, $4  }
0x199: {  	s16 =	sadd.s32 s2, s10  }
0x19a: {  	[tilespmem:s11], [sflag:$0x3] =	stream.linear.gather [hbm4b:s16+s6], $0x80, $0x38;
	[tilespmem:$0x1A588] =	vst v63  }
0x19b: {  	s20 =	sadd.s32 $0x1, s20;
	s10 =	sadd.s32 s3, s10;
	s22 =	simm.s32 $0x400  }
0x19c: {  	[tilespmem:s22], [sflag:$0x3] =	stream.linear.gather [hbm4b:s10+s6], $0x80, $0x38;
	[tilespmem:$0x1A588] =	vst v63  }
.LBB2_21:
0x19d: {  	_ =	sfence.sel $0x180000  }
0x19e: {  	[bflag:$0x0] =	sbarrier.arrive $0xFFFF  }
0x19f: {  	_ =	strace $0x9000004A  }
0x1a0: {  	s0 =	stileid.u32;
	[bflag:$0x2] =	sbarrier.arrive $0xFFFF  }
0x1a1: {  	p0 =	sne.s32 s0, $0x0;
	s0 =	rddreg [dreg:$0x6]  }
0x1a2: {  	s0 =	sadd.s32 @!p0 $0x100000, s0  }
0x1a3: {  	[sflag:s0] =	ssyncadd.tile.s32 @!p0 $0x1;
	_ =	shalt  }
.Lfunc_end2:
_tile_overlayer_lowered:
.L_overlay_start_2:
0x1a4: {  	(tag) =	ssettag $0x2  }
0x1a5: {  	s0 =	rddreg [dreg:$0x0];
	s2 =	stileid.u32  }
0x1a6: {  	s1 =	rddreg [dreg:$0x1];
	p0 =	sne.s32 s2, $0x0  }
0x1a7: {  	s3 =	rddreg [dreg:$0x2];
	[bflag:$0x3] =	sbarrier.arrive $0xFFFF;
	s2 =	simm.s32 @!p0 $0x1C0A  }
0x1a8: {  	[timem:s3], [sflag:s2] =	dma.local @!p0 [hbm:s0], s1  }
0x1a9: {  	s0 =	simm.s32 @!p0 $0xA  }
0x1aa: {  	_ =	swait.ge @!p0 [sflag:s0], s1  }
0x1ab: {  	s1 =	ssub.s32 @!p0 $0x0, s1;
	[sflag:s0] =	ssyncset.done @!p0 $0x0  }
0x1ac: {  	[sflag:s0] =	ssyncadd.s32 @!p0 s1  }
0x1ad: {  	[bflag:$0x3] =	sbarrier.arrive $0xFFFF  }
0x1ae: {  	_ =	shalt  }

// kernel: sparse-core-data-format-call.cloned.1.call-start
scs
called_computation_lowered:
.L_overlay_start_0:
0x0: {  	s2 =	sld [smem:$0x3FD9]  }
0x1: {  	s3 =	sld [smem:$0x3FFE];
	_ =	sdelay $0x1  }
0x2: {  	s1 =	srdreg.scid  }
0x3: {  	s0 =	sand.u32 $0x1, s1  }
0x4: {  	s18 =	sshll.u32 s0, $0xA;
	s2 =	sadd.s32 s3, s2  }
0x5: {  	s2 =	sadd.s32 s2, s18  }
0x6: {  	[smem:$0x3FC3] =	sst s2  }
0x7: {  	_ = 	snop  }
0x8: {  	s2 =	sld [smem:$0x3FC9];
	(tm) =	ssettm $0x1  }
0x9: {  	s19 =	sld [smem:$0x3FFB];
	_ =	sdelay $0x3  }
0xa: {  	_ =	strace s19  }
0xb: {  	s3 =	sld [smem:$0x3FFC];
	_ =	sdelay $0x3  }
0xc: {  	_ =	strace s3  }
0xd: {  	s3 =	sld [smem:$0x3FFD];
	_ =	sdelay $0x3  }
0xe: {  	_ =	strace s3  }
0xf: {  	_ =	strace $0x8FFFFFFF  }
0x10: {  	s20 =	sld [smem:$0x3FDB];
	_ =	sdelay $0x1  }
0x11: {  	s4 =	simm.s32 $_scs_section_size  }
0x12: {  	s5 =	simm.s32 $_size__tile_overlayer_lowered;
	s6 =	simm.s32 $_tile_overlayer_lowered  }
0x13: {  	s23 =	simm.s32 $0x1BFF;
	s22 =	sshll.u32 s6, $0x1;
	s3 =	sadd.s32 s4, s20  }
0x14: {  	s7 =	simm.s32 $0x0;
	s21 =	sshll.u32 s5, $0x1;
	s5 =	sadd.s32 s22, s3  }
0x15: {  	[timem:s7], [sflag:s23] =	dma.local [hbm:s5], s21  }
0x16: {  	_ =	swait.ge [sflag:s23], s21  }
0x17: {  	s4 =	ssub.s32 $0x0, s21;
	[sflag:s23] =	ssyncset.done $0x0  }
0x18: {  	[sflag:s23] =	ssyncadd.s32 s4;
	_ =	sdelay $0x1  }
0x19: {  	s24 =	simm.s32 $0x1B8B  }
0x1a: {  	_ =	swait.ge [sflag:s24], $0x1  }
0x1b: {  	[sflag:s24] =	ssyncset.done $0x0  }
0x1c: {  	s26 =	simm.s32 $0x1B8E;
	s25 =	sld [smem:$0x3FFE];
	[sflag:s24] =	ssyncadd.s32 $0xFFFFFFFF  }
0x1d: {  	s27 =	simm.s32 $execute0_lowered;
	[smem:$0x3FD2] =	sst s26  }
0x1e: {  	s5 =	sshll.u32 s27, $0x1;
	_ =	strace $0x80000046;
	[dreg:$0x1] =	wrdreg $0xFFFFFFFF  }
0x1f: {  	s28 =	simm.s32 $_size_execute0_lowered;
	s3 =	sadd.s32 s3, s5;
	[dreg:$0x0] =	wrdreg $0x0  }
0x20: {  	s5 =	sshll.u32 s28, $0x1;
	[dreg:$0x2] =	wrdreg s3  }
0x21: {  	[dreg:$0x3] =	wrdreg s5  }
0x22: {  	[dreg:$0x4] =	wrdreg $0xC0  }
0x23: {  	_ =	task [dreg:s7], $0x5FFFF  }
0x24: {  	[dreg:$0x1] =	wrdreg $0xFFFFFFFF  }
0x25: {  	[dreg:$0x0] =	wrdreg $0x60  }
0x26: {  	[dreg:$0x2] =	wrdreg s2  }
0x27: {  	[dreg:$0x3] =	wrdreg s25  }
0x28: {  	[dreg:$0x4] =	wrdreg $0x9  }
0x29: {  	_ =	task.clear_ibuf [dreg:s7], $0x5FFFF;
	_ =	strace $0x90000046  }
0x2a: {  	s29 =	simm.s32 $0x9;
	_ =	strace $0x80000048  }
0x2b: {  	_ =	swait.ge [sflag:s29], $0x1  }
0x2c: {  	[sflag:s29] =	ssyncadd.s32 $0xFFFFFFFF  }
0x2d: {  	_ =	strace $0x90000048  }
0x2e: {  	_ =	sfence  }
0x2f: {  	s30 =	sld [smem:$0x0];
	_ =	sdelay $0x2  }
0x30: {  	s31 =	sshll.u32 s1, $0xD;
	s1 =	sshrl.u32 s1, $0x2  }
0x31: {  	s3 =	sand.u32 $0x4000, s31;
	s1 =	sadd.s32 s1, s30  }
0x32: {  	s0 =	sor.u32 s3, s0;
	s1 =	sshll.u32 s1, $0x11  }
0x33: {  	s0 =	sor.u32 s1, s0  }
0x34: {  	s0 =	sadd.s32 $0x8F2B, s0  }
0x35: {  	[sflag:s0] =	ssyncadd.remote.s32 $0x1  }
0x36: {  	_ =	sfence.sel $0xFFFF  }
0x37: {  	[dreg:$0x0] =	wrdreg $0xFFFFFFFF;
	(pc) =	sbr.abs _section_cstart, $3  }
0x38: {  	[dreg:$0x1] =	wrdreg $0xFFFFFFFF  }
0x39: {  	_ =	task.clear_ibuf [dreg:s7], $0x2FFFF;
	_ =	strace $0x9FFFFFFF  }
0x3a: {  	(tm) =	ssettm $0x7FFFFFFF  }
0x3b: {  	_ =	shalt  }
tec
execute0_lowered:
.L_overlay_start_1:
0x0: {  	(tag) =	ssettag $0x1  }
0x1: {  	s0 =	srdreg.scid;
	s29 =	rddreg [dreg:$0x0]  }
0x2: {  	s1 =	stileid.u32;
	s30 =	rddreg [dreg:$0x1]  }
0x3: {  	_ =	strace $0x80000047;
	s5 =	simm.s32 $0x1;
	s6 =	simm.s32 $0x2  }
0x4: {  	s21 =	simm.s32 $0x0;
	s15 =	simm.s32 $0x200;
	s0 =	sshll.u32 s0, $0x4  }
0x5: {  	s23 =	simm.s32 $0x0;
	s24 =	simm.s32 $0x0;
	s0 =	sand.u32 $0x10, s0  }
0x6: {  	s22 =	simm.s32 $0x0;
	s16 =	simm.s32 $0x0;
	s0 =	sor.u32 s1, s0  }
0x7: {  	s18 =	simm.s32 $0x0;
	s19 =	simm.s32 $0x0;
	s3 =	sshll.u32 s0, $0x3  }
0x8: {  	s20 =	simm.s32 $0x0;
	s2 =	sadd.s32 $0x1600, s30;
	s31 =	ssub.s32 $0x200, s3  }
0x9: {  	s7 =	sadd.s32 $0x9600, s30;
	s8 =	sadd.s32 $0x11600, s30;
	s4 =	sand.u32 $0xF8, s31  }
0xa: {  	s9 =	sadd.s32 $0x19600, s30;
	s1 =	sshrl.u32 s31, $0x8;
	p0 =	sne.s32 s4, $0x0  }
.Ltmp0:
0xb: {  	s4 =	simm.s32 $0x1;
	s5 =	simm.s32 @!p0 $0x0;
	(pc) =	sbr.rel .LBB1_1-.Ltmp0, $4  }
0xc: {  	s10 =	sadd.s32 $0x21600, s30;
	[sflag:s4] =	ssyncpa.u1 $0x0;
	s1 =	sadd.s32 s5, s1  }
0xd: {  	s11 =	sadd.s32 $0x29600, s30;
	[sflag:s6] =	ssyncpa.u1 $0x0;
	s6 =	smul.u32 $0xC, s1  }
0xe: {  	s12 =	sadd.s32 $0x31600, s30;
	s13 =	sadd.s32 $0x39600, s30;
	[dreg:$0x3] =	wrdreg s2  }
0xf: {  	s17 =	smov.u32 s3;
	p0 =	por $0x0, $0x0;
	s14 =	sor.u32 $0x1, s6  }
.LBB1_7:
0x10: {  	s0 =	sadd.s32 $0x80, s16  }
0x11: {  	s1 =	sadd.s32 $0x100, s17;
	s2 =	smov.u32 s17;
	p2 =	sgt.s32 s0, $0x1FF  }
0x12: {  	s2 =	smov.u32 @p2 s1  }
0x13: {  	s1 =	simm.s32 $0x1;
	p3 =	sgt.s32 s2, $0x1FF  }
0x14: {  	s1 =	simm.s32 @!p3 $0x0  }
0x15: {  	s1 =	sadd.s32 s1, s18  }
0x16: {  	s21 =	sadd.s32 $0x10, s19;
	s25 =	smov.u32 s19;
	p4 =	sgt.s32 s1, $0x2  }
0x17: {  	p1 =	slt.u32 s20, $0x2;
	s25 =	smov.u32 @p4 s21  }
0x18: {  	s23 =	smov.u32 s17;
	s0 =	simm.s32 @p2 $0x0;
	p2 =	sgt.s32 s25, $0xF  }
0x19: {  	s26 =	simm.s32 @!p1 $0x2;
	s25 =	simm.s32 @p2 $0x0;
	p2 =	sne.s32 s20, s14  }
.Ltmp1:
0x1a: {  	s24 =	smov.u32 s18;
	_ =	swait.ge @!p1 [sflag:s26], $0x4000;
	(pc) =	sbr.rel @!p2 .LBB1_8-.Ltmp1, $4  }
0x1b: {  	s22 =	smov.u32 s19;
	[sflag:s26] =	ssyncset.done @!p1 $0x0;
	s2 =	smov.u32 @p3 s3  }
0x1c: {  	p0 =	por !p0, !p0;
	[sflag:s26] =	ssyncadd.s32 @!p1 $0xFFFFC000;
	s17 =	smov.u32 s2  }
0x1d: {  	s1 =	simm.s32 @p4 $0x0;
	s21 =	smov.u32 s16;
	s16 =	smov.u32 s0  }
0x1e: {  	s18 =	smov.u32 s1;
	s20 =	sadd.s32 $0x1, s20;
	s19 =	smov.u32 s25  }
.LBB1_1:
0x1f: {  	p1 =	sge.u32 s20, s6;
	s31 =	sadd.s32 $0xFFFFFFFF, s20  }
0x20: {  	s0 =	sxor.u32 @!p1 $0xFFFFFFFF, s20;
	s1 =	sshll.u32 @!p1 s17, $0x9;
	s25 =	sshll.u32 @!p1 s16, $0x3  }
0x21: {  	s26 =	sand.u32 @!p1 $0x78, s16;
	s1 =	sand.u32 @!p1 $0x3F000, s1;
	s25 =	sand.u32 @!p1 $0x3FC00, s25  }
0x22: {  	s28 =	smul.u32 @!p1 $0x18000, s19;
	s1 =	sadd.s32 @!p1 s1, s25;
	s25 =	sshll.u32 @!p1 s17, $0x7  }
0x23: {  	s0 =	sshll.u32 @!p1 s0, $0xE;
	s27 =	sand.u32 @!p1 $0x200, s25;
	s25 =	sand.u32 @!p1 $0x180, s25  }
0x24: {  	s0 =	sand.u32 @!p1 $0x4000, s0;
	s1 =	sor.u32 @!p1 s27, s1;
	s25 =	sor.u32 @!p1 s26, s25  }
0x25: {  	s26 =	sshll.u32 @!p1 s18, $0xF;
	s27 =	sadd.s32 @!p1 s29, s28;
	s1 =	sshrl.u32 @!p1 s1, $0x3  }
0x26: {  	s25 =	sshrl.u32 @!p1 s25, $0x3;
	s26 =	sadd.s32 @!p1 s26, s27;
	s27 =	sand.u32 @!p1 $0x7, s16  }
0x27: {  	s1 =	sand.u32 @!p1 $0x7FC0, s1;
	s25 =	sadd.s32 @!p1 s25, s26;
	s26 =	sshll.u32 @!p1 s27, $0x12  }
0x28: {  	s1 =	sadd.s32 @!p1 s1, s25;
	s25 =	sor.u32 @!p1 $0x400, s26;
	s26 =	simm.s32 @!p1 $0xC0000  }
0x29: {  	[tilespmem:s0], [sflag:$0x1] =	stream.strided.gather @!p1 [hbm4b:s1+s25], $0x4000, s26, s25, $0x38;
	[tilespmem:$0x10800] =	vst v63  }
0x2a: {  	p1 =	sge.u32 s31, s6  }
.Ltmp2:
0x2b: {  	_ = 	snop;
	(pc) =	sbr.rel @p1 .LBB1_7-.Ltmp2, $1  }
0x2c: {  	_ =	sdelay $0x3  }
0x2d: {  	s0 =	simm.s32 $0x1;
	s25 =	sand.u32 $0x1, s20  }
0x2e: {  	s0 =	simm.s32 @!p0 $0x0;
	s25 =	smul.u32 $0x11000, s25  }
0x2f: {  	s5 =	smov.u32 s29;
	_ =	swait.ge [sflag:s4], $0x4000;
	s1 =	smul.u32 $0x11000, s0  }
0x30: {  	s29 =	simm.s32 $0x0;
	[sflag:s4] =	ssyncset.done $0x0;
	s0 =	sshll.u32 s0, $0xE  }
0x31: {  	[sflag:s4] =	ssyncadd.s32 $0xFFFFC000;
	s25 =	sshrl.u32 s25, $0x2;
	s1 =	sshrl.u32 s1, $0x2  }
0x32: {  	s28 =	sor.u32 $0x40, s0;
	s26 =	sor.u32 $0x8000, s25;
	s27 =	sor.u32 $0x8000, s1  }
.LBB1_3:
0x33: {  	v0 =	vld [tilespmem:s28+$0x30]  }
0x34: {  	v1 =	vld [tilespmem:s28+$0xFFFFFFD0]  }
0x35: {  	v5 =	vld [tilespmem:s28+$0xFFFFFFE0]  }
0x36: {  	v6 =	vld [tilespmem:s28+$0xFFFFFFF0]  }
0x37: {  	s30 =	sadd.s32 $0x0, s27;
	v2 =	vld [tilespmem:s28+$0x0]  }
0x38: {  	v3 =	vld [tilespmem:s28+$0x10];
	[tilespmem:s30+$0x770 ss:$0x11] =	vst.msk $0xffff, v0  }
0x39: {  	v4 =	vld [tilespmem:s28+$0x20];
	[tilespmem:s30+$0x110 ss:$0x11] =	vst.msk $0xffff, v1  }
0x3a: {  	s31 =	sadd.s32 $0x80, s28;
	v0 =	vld [tilespmem:s28+$0xFFFFFFC0];
	[tilespmem:s30+$0x220 ss:$0x11] =	vst.msk $0xffff, v5  }
0x3b: {  	s1 =	simm.s32 $0x2200;
	s0 =	simm.s32 $0x4400;
	v1 =	vld [tilespmem:s31+$0x30];
	[tilespmem:s30+$0x330 ss:$0x11] =	vst.msk $0xffff, v6  }
.LBB1_4:
0x3c: {  	p1 =	sne.s32 s0, $0xEE00;
	v5 =	vld [tilespmem:s31+$0xFFFFFFD0];
	[tilespmem:s30+$0x440 ss:$0x11] =	vst.msk $0xffff, v2  }
0x3d: {  	v6 =	vld [tilespmem:s31+$0xFFFFFFE0];
	[tilespmem:s30+$0x550 ss:$0x11] =	vst.msk $0xffff, v3  }
0x3e: {  	s2 =	sshra.s32 s1, $0x2;
	s1 =	smov.u32 s0;
	v7 =	vld [tilespmem:s31+$0xFFFFFFF0];
	[tilespmem:s30+$0x660 ss:$0x11] =	vst.msk $0xffff, v4  }
.Ltmp3:
0x3f: {  	v2 =	vld [tilespmem:s31+$0x0];
	[tilespmem:s30+$0x0 ss:$0x11] =	vst.msk $0xffff, v0;
	s30 =	sadd.s32 s2, s27;
	(pc) =	sbr.rel @p1 .LBB1_4-.Ltmp3, $4  }
0x40: {  	v3 =	vld [tilespmem:s31+$0x10];
	[tilespmem:s30+$0x770 ss:$0x11] =	vst.msk $0xffff, v1  }
0x41: {  	[tilespmem:s30+$0x110 ss:$0x11] =	vst.msk $0xffff, v5;
	v4 =	vld [tilespmem:s31+$0x20]  }
0x42: {  	v0 =	vld [tilespmem:s31+$0xFFFFFFC0];
	[tilespmem:s30+$0x220 ss:$0x11] =	vst.msk $0xffff, v6;
	s31 =	sadd.s32 $0x80, s31  }
0x43: {  	s0 =	sadd.s32 $0x2200, s0;
	v1 =	vld [tilespmem:s31+$0x30];
	[tilespmem:s30+$0x330 ss:$0x11] =	vst.msk $0xffff, v7  }
0x44: {  	v5 =	vld [tilespmem:s31+$0xFFFFFFD0];
	[tilespmem:s30+$0x440 ss:$0x11] =	vst.msk $0xffff, v2  }
0x45: {  	v58 =	vld [tilespmem:s31+$0xFFFFFFE0];
	[tilespmem:s30+$0x550 ss:$0x11] =	vst.msk $0xffff, v3  }
0x46: {  	s0 =	sshra.s32 s1, $0x2;
	v59 =	vld [tilespmem:s31+$0xFFFFFFF0];
	[tilespmem:s30+$0x660 ss:$0x11] =	vst.msk $0xffff, v4  }
0x47: {  	v60 =	vld [tilespmem:s31+$0x0];
	s0 =	sadd.s32 s0, s27;
	[tilespmem:s30+$0x0 ss:$0x11] =	vst.msk $0xffff, v0  }
0x48: {  	v61 =	vld [tilespmem:s31+$0x10];
	[tilespmem:s0+$0x770 ss:$0x11] =	vst.msk $0xffff, v1  }
0x49: {  	v62 =	vld [tilespmem:s31+$0x20];
	s29 =	sadd.s32 $0x1, s29;
	[tilespmem:s0+$0x110 ss:$0x11] =	vst.msk $0xffff, v5  }
0x4a: {  	v63 =	vld [tilespmem:s31+$0xFFFFFFC0];
	p1 =	sne.s32 s29, $0x10;
	[tilespmem:s0+$0x220 ss:$0x11] =	vst.msk $0xffff, v58  }
.Ltmp4:
0x4b: {  	[tilespmem:s0+$0x330 ss:$0x11] =	vst.msk $0xffff, v59;
	(pc) =	sbr.rel @p1 .LBB1_3-.Ltmp4, $4  }
0x4c: {  	[tilespmem:s0+$0x440 ss:$0x11] =	vst.msk $0xffff, v60  }
0x4d: {  	[tilespmem:s0+$0x550 ss:$0x11] =	vst.msk $0xffff, v61  }
0x4e: {  	[tilespmem:s0+$0x660 ss:$0x11] =	vst.msk $0xffff, v62  }
0x4f: {  	s28 =	sadd.s32 $0x400, s28;
	s27 =	sadd.s32 $0x1, s27;
	[tilespmem:s0+$0x0 ss:$0x11] =	vst.msk $0xffff, v63  }
0x50: {  	s0 =	sshll.u32 s23, $0xF;
	s1 =	sshll.u32 s21, $0x6;
	s2 =	sshll.u32 s24, $0x4  }
0x51: {  	s24 =	sshrl.u32 s22, $0x3;
	s27 =	rddreg [dreg:$0x3];
	s23 =	sadd.s32 s0, s1  }
0x52: {  	s28 =	sand.u32 $0x7, s22;
	s21 =	sand.u32 $0xF, s24;
	s23 =	sadd.s32 s27, s23  }
0x53: {  	s2 =	sand.u32 $0x30, s2;
	s22 =	sshll.u32 s28, $0x12;
	s23 =	sadd.s32 s21, s23  }
0x54: {  	s22 =	sor.u32 $0x10, s22;
	s30 =	sadd.s32 s21, s7;
	s23 =	sadd.s32 s2, s23  }
0x55: {  	[hbm4b:s23+s22] =	stream.strided.scatter [tilespmem:s26], [sflag:$0x2], $0x800, s15, s22, $0x8;
	[tilespmem:$0x10800] =	vst v63  }
0x56: {  	s23 =	sadd.s32 s0, s30  }
0x57: {  	s23 =	sadd.s32 s2, s23  }
0x58: {  	s31 =	sadd.s32 $0x8880, s25;
	s24 =	sadd.s32 s21, s8;
	s23 =	sadd.s32 s1, s23  }
0x59: {  	[hbm4b:s23+s22] =	stream.strided.scatter [tilespmem:s31], [sflag:$0x2], $0x800, s15, s22, $0x8;
	[tilespmem:$0x10800] =	vst v63  }
0x5a: {  	s23 =	sadd.s32 s0, s24  }
0x5b: {  	s23 =	sadd.s32 s2, s23  }
0x5c: {  	s27 =	sadd.s32 s21, s9;
	s26 =	sadd.s32 $0x9100, s25;
	s23 =	sadd.s32 s1, s23  }
0x5d: {  	[hbm4b:s23+s22] =	stream.strided.scatter [tilespmem:s26], [sflag:$0x2], $0x800, s15, s22, $0x8;
	[tilespmem:$0x10800] =	vst v63  }
0x5e: {  	s23 =	sadd.s32 s0, s27  }
0x5f: {  	s23 =	sadd.s32 s2, s23  }
0x60: {  	s28 =	sadd.s32 $0x9980, s25;
	s30 =	sadd.s32 s21, s10;
	s23 =	sadd.s32 s1, s23  }
0x61: {  	[hbm4b:s23+s22] =	stream.strided.scatter [tilespmem:s28], [sflag:$0x2], $0x800, s15, s22, $0x8;
	[tilespmem:$0x10800] =	vst v63  }
0x62: {  	s23 =	sadd.s32 s0, s30  }
0x63: {  	s23 =	sadd.s32 s2, s23  }
0x64: {  	s31 =	sadd.s32 $0xA200, s25;
	s26 =	sadd.s32 s21, s11;
	s23 =	sadd.s32 s1, s23  }
0x65: {  	[hbm4b:s23+s22] =	stream.strided.scatter [tilespmem:s31], [sflag:$0x2], $0x800, s15, s22, $0x8;
	[tilespmem:$0x10800] =	vst v63  }
0x66: {  	s23 =	sadd.s32 s0, s26  }
0x67: {  	s23 =	sadd.s32 s2, s23  }
0x68: {  	s27 =	sadd.s32 $0xAA80, s25;
	s28 =	sadd.s32 s21, s12;
	s23 =	sadd.s32 s1, s23  }
0x69: {  	[hbm4b:s23+s22] =	stream.strided.scatter [tilespmem:s27], [sflag:$0x2], $0x800, s15, s22, $0x8;
	[tilespmem:$0x10800] =	vst v63  }
0x6a: {  	s21 =	sadd.s32 s21, s13;
	s23 =	sadd.s32 s0, s28  }
.Ltmp5:
0x6b: {  	s0 =	sadd.s32 s0, s21;
	s23 =	sadd.s32 s2, s23;
	(pc) =	sbr.rel .LBB1_7-.Ltmp5, $4  }
0x6c: {  	s30 =	sadd.s32 $0xB300, s25;
	s0 =	sadd.s32 s2, s0;
	s23 =	sadd.s32 s1, s23  }
0x6d: {  	[hbm4b:s23+s22] =	stream.strided.scatter [tilespmem:s30], [sflag:$0x2], $0x800, s15, s22, $0x8;
	[tilespmem:$0x10800] =	vst v63  }
0x6e: {  	s29 =	smov.u32 s5;
	s31 =	sadd.s32 $0xBB80, s25;
	s0 =	sadd.s32 s1, s0  }
0x6f: {  	[hbm4b:s0+s22] =	stream.strided.scatter [tilespmem:s31], [sflag:$0x2], $0x800, s15, s22, $0x8;
	[tilespmem:$0x10800] =	vst v63  }
.LBB1_8:
0x70: {  	_ =	sfence.sel $0x180000  }
0x71: {  	s0 =	simm.s32 $0x1;
	[bflag:$0x0] =	sbarrier.arrive $0xFFFF  }
0x72: {  	s30 =	simm.s32 $0x2;
	[sflag:s0] =	ssyncpa.u1 $0x1  }
0x73: {  	[sflag:s30] =	ssyncpa.u1 $0x1  }
0x74: {  	_ =	strace $0x90000047  }
0x75: {  	s31 =	stileid.u32;
	[bflag:$0x2] =	sbarrier.arrive $0xFFFF  }
0x76: {  	p0 =	sne.s32 s31, $0x0;
	s0 =	rddreg [dreg:$0x2]  }
0x77: {  	s0 =	sadd.s32 @!p0 $0x100000, s0  }
0x78: {  	[sflag:s0] =	ssyncadd.tile.s32 @!p0 $0x1;
	_ =	shalt  }
.Lfunc_end1:
_tile_overlayer_lowered:
.L_overlay_start_2:
0x79: {  	(tag) =	ssettag $0x2  }
0x7a: {  	s0 =	rddreg [dreg:$0x0];
	s2 =	stileid.u32  }
0x7b: {  	s1 =	rddreg [dreg:$0x1];
	p0 =	sne.s32 s2, $0x0  }
0x7c: {  	s3 =	rddreg [dreg:$0x2];
	[bflag:$0x3] =	sbarrier.arrive $0xFFFF;
	s2 =	simm.s32 @!p0 $0x1C01  }
0x7d: {  	[timem:s3], [sflag:s2] =	dma.local @!p0 [hbm:s0], s1  }
0x7e: {  	s0 =	simm.s32 @!p0 $0x1  }
0x7f: {  	_ =	swait.ge @!p0 [sflag:s0], s1  }
0x80: {  	s1 =	ssub.s32 @!p0 $0x0, s1;
	[sflag:s0] =	ssyncset.done @!p0 $0x0  }
0x81: {  	[sflag:s0] =	ssyncadd.s32 @!p0 s1  }
0x82: {  	[bflag:$0x3] =	sbarrier.arrive $0xFFFF  }
0x83: {  	_ =	shalt  }

</sc_bundles>
